<compile_context>
chip_gen: v7x
topology: tpu7x:2x2x1
jax: 0.10.2.dev20260603
libtpu: 0.0.44.dev20260713+nightly
codegen_flags: <defaults>
</compile_context>

<pallas_src>
import dataclasses

import jax
import jax.numpy as jnp
from jax import lax
from jax.experimental import pallas as pl
from jax.experimental.pallas import tpu as pltpu
from jax.experimental.pallas import tpu_sc as plsc

B = 4096
NUM_NUMERIC = 13
NUM_FIELDS = 26
VOCAB = 100000
EMB = 32
EPS = 1e-5

NC, NS = 2, 16
NW = NC * NS
CHUNK = 128
BCHUNKS = B // CHUNK
TOTAL_CHUNKS = NUM_FIELDS * BCHUNKS
CHUNKS_PER_W = TOTAL_CHUNKS // NW
IDX_PER_W = CHUNKS_PER_W * CHUNK

PACK_C = 1280
PACK_NB = 20
QUART = PACK_C * PACK_NB
VROWS = QUART
LAST_COL_BLOCK = (VOCAB - 1) // PACK_C


def _pack_body(t0_ref, t1_ref, t2_ref, t3_ref, o_ref):
    c_id = pl.program_id(1)
    parts = []
    for m, t_ref in enumerate((t0_ref, t1_ref, t2_ref, t3_ref)):
        t = t_ref[0]
        if m == 3:
            src0 = jnp.minimum(m * PACK_NB + c_id, LAST_COL_BLOCK) * PACK_C
            src = src0 + lax.broadcasted_iota(jnp.int32, (EMB, PACK_C), 1)
            t = jnp.where(src < VOCAB, t, 0.0)
        parts.append(t)
    stack = jnp.concatenate(parts, axis=0)
    rows = lax.broadcasted_iota(jnp.int32, (128, 128), 0)
    cols = lax.broadcasted_iota(jnp.int32, (128, 128), 1)
    eye = (rows == cols).astype(jnp.float32)
    o_ref[0] = lax.dot_general(stack, eye, (((0,), (0,)), ((), ())),
                               preferred_element_type=jnp.float32)


def _pack_tables(tab_t):
    def spec(m):
        return pl.BlockSpec(
            (1, EMB, PACK_C),
            lambda f, c, m=m: (f, 0, jnp.minimum(m * PACK_NB + c,
                                                 LAST_COL_BLOCK)))
    return pl.pallas_call(
        _pack_body,
        grid=(NUM_FIELDS, PACK_NB),
        in_specs=[spec(0), spec(1), spec(2), spec(3)],
        out_specs=pl.BlockSpec((1, PACK_C, 128), lambda f, c: (f, c, 0)),
        out_shape=jax.ShapeDtypeStruct((NUM_FIELDS, VROWS, 128), jnp.float32),
    )(tab_t, tab_t, tab_t, tab_t)


def _sc_gather(tab4, idx4, m32):
    mesh = plsc.VectorSubcoreMesh(core_axis_name="c", subcore_axis_name="s")
    cp = pltpu.CompilerParams()
    if "needs_layout_passes" in pltpu.CompilerParams.__dataclass_fields__:
        cp = dataclasses.replace(cp, needs_layout_passes=False)

    @pl.kernel(
        mesh=mesh,
        compiler_params=cp,
        out_type=jax.ShapeDtypeStruct((NUM_FIELDS, EMB, B), jnp.float32),
        scratch_types=[
            pltpu.VMEM((IDX_PER_W,), jnp.int32),
            pltpu.VMEM((IDX_PER_W,), jnp.int32),
            pltpu.VMEM((CHUNK, 128), jnp.float32),
            pltpu.VMEM((CHUNK, 128), jnp.float32),
            pltpu.VMEM((EMB, CHUNK), jnp.float32),
            pltpu.SemaphoreType.DMA,
            pltpu.SemaphoreType.DMA,
        ],
    )
    def k(tab_hbm, idx_hbm, m_hbm, out_hbm, idx_v, m_v, rows_a, rows_b,
          sel_v, sem_a, sem_b):
        wid = lax.axis_index("s") * NC + lax.axis_index("c")
        j0 = wid * CHUNKS_PER_W
        base = wid * IDX_PER_W
        pltpu.sync_copy(idx_hbm.at[pl.ds(base, IDX_PER_W)], idx_v)
        pltpu.sync_copy(m_hbm.at[pl.ds(base, IDX_PER_W)], m_v)

        lanes = lax.iota(jnp.int32, 16)

        def select_write(jj, rows_buf):
            jglob = j0 + jj
            f = jglob // BCHUNKS
            b0 = (jglob % BCHUNKS) * CHUNK

            @pl.loop(0, CHUNK // 16)
            def _(g):
                row_idx = g * 16 + lanes
                m_vec = m_v[pl.ds(jj * CHUNK + g * 16, 16)]
                for c in range(EMB):
                    vals = plsc.load_gather(rows_buf, [row_idx, m_vec + c])
                    plsc.store_scatter(sel_v, [jnp.full((16,), c, jnp.int32),
                                               row_idx], vals)
            pltpu.sync_copy(sel_v, out_hbm.at[f, :, pl.ds(b0, CHUNK)])

        pltpu.async_copy(tab_hbm.at[idx_v.at[pl.ds(0, CHUNK)]], rows_a,
                         sem_a).wait()

        @pl.loop(0, CHUNKS_PER_W - 2, step=2)
        def _(j):
            cp = pltpu.async_copy(
                tab_hbm.at[idx_v.at[pl.ds((j + 1) * CHUNK, CHUNK)]], rows_b,
                sem_b)
            select_write(j, rows_a)
            cp.wait()
            cp2 = pltpu.async_copy(
                tab_hbm.at[idx_v.at[pl.ds((j + 2) * CHUNK, CHUNK)]], rows_a,
                sem_a)
            select_write(j + 1, rows_b)
            cp2.wait()

        j_last = CHUNKS_PER_W - 2
        cp = pltpu.async_copy(
            tab_hbm.at[idx_v.at[pl.ds((j_last + 1) * CHUNK, CHUNK)]], rows_b,
            sem_b)
        select_write(j_last, rows_a)
        cp.wait()
        select_write(j_last + 1, rows_b)

    return k(tab4, idx4, m32)


def _bn_relu_t(h, g, be):
    h = jnp.maximum(h, 0.0)
    mean = jnp.mean(h, axis=1, keepdims=True)
    var = jnp.mean(h * h, axis=1, keepdims=True) - mean * mean
    inv = g * lax.rsqrt(var + EPS)
    return h * inv + (be - mean * inv)


def _mlp_body(num_ref, emb_ref, w0n_ref, w0e_ref, b0_ref, g0_ref, be0_ref,
              w1_ref, b1_ref, g1_ref, be1_ref,
              w2_ref, b2_ref, g2_ref, be2_ref,
              wh_ref, bh_ref, out_ref):
    f32 = jnp.float32
    h = jnp.dot(w0e_ref[...], emb_ref[...], preferred_element_type=f32)
    h = h + jnp.dot(w0n_ref[...], num_ref[...], preferred_element_type=f32)
    h = _bn_relu_t(h + b0_ref[...], g0_ref[...], be0_ref[...])
    h = jnp.dot(w1_ref[...], h, preferred_element_type=f32)
    h = _bn_relu_t(h + b1_ref[...], g1_ref[...], be1_ref[...])
    h = jnp.dot(w2_ref[...], h, preferred_element_type=f32)
    h = _bn_relu_t(h + b2_ref[...], g2_ref[...], be2_ref[...])
    out_ref[...] = (jnp.dot(wh_ref[...], h, preferred_element_type=f32)
                    + bh_ref[...])


def kernel(numeric, categorical, tables, W0, b0, g0, be0, W1, b1, g1, be1,
           W2, b2, g2, be2, Wh, bh):
    tab_t = tables.transpose(0, 2, 1)
    tab4 = _pack_tables(tab_t).reshape(NUM_FIELDS * VROWS, 128)

    cat_f = categorical.T
    offs = (jnp.arange(NUM_FIELDS, dtype=jnp.int32) * VROWS)[:, None]
    idx4 = ((cat_f % QUART) + offs).reshape(-1)
    m32 = ((cat_f // QUART) * 32).reshape(-1)

    emb_t = _sc_gather(tab4, idx4, m32).reshape(NUM_FIELDS * EMB, B)

    num_t = jnp.pad(numeric, ((0, 0), (0, 3))).T
    w0n = jnp.pad(W0[:, :NUM_NUMERIC], ((0, 0), (0, 3)))
    w0e = W0[:, NUM_NUMERIC:]

    out = pl.pallas_call(
        _mlp_body,
        out_shape=jax.ShapeDtypeStruct((1, B), jnp.float32),
    )(num_t, emb_t, w0n, w0e,
      b0[:, None], g0[:, None], be0[:, None],
      W1, b1[:, None], g1[:, None], be1[:, None],
      W2, b2[:, None], g2[:, None], be2[:, None],
      Wh, bh[:, None])
    return out.reshape(B)

# --- scband reference (transcript-rebuilt; emitter-appended) ---
"""Pipeline reference for scband-tabular-mlp-32865089749455 (READ-ONLY COPY).

The authoritative reference and input builder live on the scoring server;
editing this copy changes nothing except your own understanding.
"""

import jax, jax.numpy as jnp
import numpy as np

B = 4096
NUM_NUMERIC = 13
NUM_FIELDS = 26
VOCAB = 100000
EMB = 32  # min(32, ceil(100000**0.25 * 2)) = 32
HIDDEN = [1024, 512, 256]
IN_DIM = NUM_NUMERIC + NUM_FIELDS * EMB  # 13 + 832 = 845
EPS = 1e-5


def setup_inputs(seed: int = 0) -> dict:
    key = jax.random.key(seed)
    ks = jax.random.split(key, 32)
    numeric = jax.random.normal(ks[0], (B, NUM_NUMERIC), dtype=jnp.float32)
    categorical = jax.random.randint(ks[1], (B, NUM_FIELDS), 0, VOCAB, dtype=jnp.int32)
    # stacked embedding tables (all fields share dim 32); padding_idx=0 row zeroed
    bound = float(np.sqrt(6.0 / (VOCAB + EMB)))
    tables = jax.random.uniform(ks[2], (NUM_FIELDS, VOCAB, EMB), dtype=jnp.float32, minval=-bound, maxval=bound)
    tables = tables.at[:, 0, :].set(0.0)
    inp = {"numeric": numeric, "categorical": categorical, "tables": tables}
    prev = IN_DIM
    for li, width in enumerate(HIDDEN):
        s = 1.0 / np.sqrt(prev)
        inp[f"W{li}"] = jax.random.uniform(ks[3 + 4 * li], (width, prev), dtype=jnp.float32, minval=-s, maxval=s)
        inp[f"b{li}"] = jax.random.uniform(ks[4 + 4 * li], (width,), dtype=jnp.float32, minval=-s, maxval=s)
        inp[f"g{li}"] = jnp.ones((width,), dtype=jnp.float32)
        inp[f"be{li}"] = jnp.zeros((width,), dtype=jnp.float32)
        prev = width
    s = 1.0 / np.sqrt(prev)
    inp["Wh"] = jax.random.uniform(ks[20], (1, prev), dtype=jnp.float32, minval=-s, maxval=s)
    inp["bh"] = jax.random.uniform(ks[21], (1,), dtype=jnp.float32, minval=-s, maxval=s)
    return inp


def reference(numeric, categorical, tables, W0, b0, g0, be0, W1, b1, g1, be1, W2, b2, g2, be2, Wh, bh):
    # embedding lookup per field: tables[f, categorical[:, f]]
    f_idx = jnp.arange(NUM_FIELDS)[None, :]
    embeds = tables[f_idx, categorical]            # [B, NUM_FIELDS, EMB]
    embeds = embeds.reshape(embeds.shape[0], -1)   # [B, NUM_FIELDS*EMB]
    features = jnp.concatenate([numeric, embeds], axis=1)

    def block(h, W, b, g, be):
        h = h @ W.T + b
        h = jax.nn.relu(h)
        mean = jnp.mean(h, axis=0)
        var = jnp.var(h, axis=0)  # biased, matches torch BatchNorm1d training mode
        h = (h - mean) / jnp.sqrt(var + EPS) * g + be
        return h

    h = block(features, W0, b0, g0, be0)
    h = block(h, W1, b1, g1, be1)
    h = block(h, W2, b2, g2, be2)
    out = h @ Wh.T + bh
    return out.squeeze(axis=1)

if __name__ == "__main__":
    import jax
    _d = setup_inputs()
    print(jax.jit(kernel)(*tuple(_d.values())))

</pallas_src>

<mosaic_0001>
#map = affine_map<(d0, d1) -> (0, 0)>
#map1 = affine_map<(d0, d1) -> (0)>
#map2 = affine_map<(d0, d1) -> (0, 0, 0)>
module attributes {stable_mosaic.version = 14 : i64} {
  func.func @k(%arg0: i32, %arg1: i32, %arg2: memref<665600x128xf32, #tpu.memory_space<hbm>>, %arg3: memref<106496xi32, #tpu.memory_space<hbm>>, %arg4: memref<106496xi32, #tpu.memory_space<hbm>>, %arg5: memref<26x32x4096xf32, #tpu.memory_space<hbm>>, %arg6: memref<3328xi32, #tpu.memory_space<vmem>>, %arg7: memref<3328xi32, #tpu.memory_space<vmem>>, %arg8: memref<128x128xf32, #tpu.memory_space<vmem>>, %arg9: memref<128x128xf32, #tpu.memory_space<vmem>>, %arg10: memref<32x128xf32, #tpu.memory_space<vmem>>, %arg11: memref<!tpu.dma_semaphore, #tpu.memory_space<semaphore_mem>>, %arg12: memref<!tpu.dma_semaphore, #tpu.memory_space<semaphore_mem>>) attributes {dimension_semantics = [#tpu.dimension_semantics<core_parallel>, #tpu.dimension_semantics<subcore_parallel>], iteration_bounds = array<i64: 2, 16>, scalar_prefetch = 0 : i64, scratch_operands = 7 : i64, tpu.core_type = #tpu.core_type<sc_vector_subcore>, window_params = [{transform_indices = #map}, {transform_indices = #map1}, {transform_indices = #map1}, {transform_indices = #map2}]} {
    %mul3A = arith.constant 2 : i32
    %mul3A_0 = arith.muli %arg1, %mul3A : i32
    %add3A = arith.addi %mul3A_0, %arg0 : i32
    %mul3A_1 = arith.constant 26 : i32
    %mul3A_2 = arith.muli %add3A, %mul3A_1 : i32
    %mul3A_3 = arith.constant 3328 : i32
    %mul3A_4 = arith.muli %add3A, %mul3A_3 : i32
    "tpu.region"() ({
      %run_scoped3A = tpu.sem_alloc : memref<!tpu.dma_semaphore, #tpu.memory_space<semaphore_mem>>
      %dma_start3A_115 = tpu.memref_slice %arg3[%mul3A_4] : memref<106496xi32, #tpu.memory_space<hbm>> -> memref<3328xi32, #tpu.memory_space<hbm>>
      %dma_start3A_116 = tpu.memref_slice %arg3[%mul3A_4] : memref<106496xi32, #tpu.memory_space<hbm>> -> memref<3328xi32, #tpu.memory_space<hbm>>
      tpu.enqueue_dma source(%dma_start3A_116 : memref<3328xi32, #tpu.memory_space<hbm>>) target(%arg6 : memref<3328xi32, #tpu.memory_space<vmem>>) target_semaphore(%run_scoped3A : memref<!tpu.dma_semaphore, #tpu.memory_space<semaphore_mem>>)
      %dma_wait3A_117 = tpu.memref_slice %arg3[%mul3A_4] : memref<106496xi32, #tpu.memory_space<hbm>> -> memref<3328xi32, #tpu.memory_space<hbm>>
      %dma_wait3A_118 = tpu.memref_slice %arg3[%mul3A_4] : memref<106496xi32, #tpu.memory_space<hbm>> -> memref<3328xi32, #tpu.memory_space<hbm>>
      tpu.wait_dma2 semaphore(%run_scoped3A : memref<!tpu.dma_semaphore, #tpu.memory_space<semaphore_mem>>) src(%dma_wait3A_118 : memref<3328xi32, #tpu.memory_space<hbm>>) dst(%arg6 : memref<3328xi32, #tpu.memory_space<vmem>>)
      tpu.yield
    }) : () -> ()
    "tpu.region"() ({
      %run_scoped3A = tpu.sem_alloc : memref<!tpu.dma_semaphore, #tpu.memory_space<semaphore_mem>>
      %dma_start3A_115 = tpu.memref_slice %arg4[%mul3A_4] : memref<106496xi32, #tpu.memory_space<hbm>> -> memref<3328xi32, #tpu.memory_space<hbm>>
      %dma_start3A_116 = tpu.memref_slice %arg4[%mul3A_4] : memref<106496xi32, #tpu.memory_space<hbm>> -> memref<3328xi32, #tpu.memory_space<hbm>>
      tpu.enqueue_dma source(%dma_start3A_116 : memref<3328xi32, #tpu.memory_space<hbm>>) target(%arg7 : memref<3328xi32, #tpu.memory_space<vmem>>) target_semaphore(%run_scoped3A : memref<!tpu.dma_semaphore, #tpu.memory_space<semaphore_mem>>)
      %dma_wait3A_117 = tpu.memref_slice %arg4[%mul3A_4] : memref<106496xi32, #tpu.memory_space<hbm>> -> memref<3328xi32, #tpu.memory_space<hbm>>
      %dma_wait3A_118 = tpu.memref_slice %arg4[%mul3A_4] : memref<106496xi32, #tpu.memory_space<hbm>> -> memref<3328xi32, #tpu.memory_space<hbm>>
      tpu.wait_dma2 semaphore(%run_scoped3A : memref<!tpu.dma_semaphore, #tpu.memory_space<semaphore_mem>>) src(%dma_wait3A_118 : memref<3328xi32, #tpu.memory_space<hbm>>) dst(%arg7 : memref<3328xi32, #tpu.memory_space<vmem>>)
      tpu.yield
    }) : () -> ()
    %iota3A = tpu.iota {dimensions = array<i32: 0>} : vector<16xi32>
    %dma_start3A = arith.constant 0 : i32
    %dma_start3A_5 = tpu.memref_slice %arg6[%dma_start3A] : memref<3328xi32, #tpu.memory_space<vmem>> -> memref<128xi32, #tpu.memory_space<vmem>>
    %dma_start3A_6 = arith.constant 0 : i32
    %dma_start3A_7 = arith.constant 0 : i32
    %dma_start3A_8 = tpu.memref_slice %arg2[%dma_start3A_6, %dma_start3A_7] : memref<665600x128xf32, #tpu.memory_space<hbm>> -> memref<665600x128xf32, #tpu.memory_space<hbm>>
    tpu.enqueue_indirect_dma source(%dma_start3A_8 : memref<665600x128xf32, #tpu.memory_space<hbm>>) target(%arg8 : memref<128x128xf32, #tpu.memory_space<vmem>>) offsets(%dma_start3A_5 : memref<128xi32, #tpu.memory_space<vmem>>) semaphore(%arg11 : memref<!tpu.dma_semaphore, #tpu.memory_space<semaphore_mem>>)
    %dma_wait3A = arith.constant 0 : i32
    %dma_wait3A_9 = tpu.memref_slice %arg6[%dma_wait3A] : memref<3328xi32, #tpu.memory_space<vmem>> -> memref<128xi32, #tpu.memory_space<vmem>>
    %dma_wait3A_10 = arith.constant 0 : i32
    %dma_wait3A_11 = arith.constant 0 : i32
    %dma_wait3A_12 = tpu.memref_slice %arg2[%dma_wait3A_10, %dma_wait3A_11] : memref<665600x128xf32, #tpu.memory_space<hbm>> -> memref<665600x128xf32, #tpu.memory_space<hbm>>
    tpu.wait_indirect_dma semaphore(%arg11 : memref<!tpu.dma_semaphore, #tpu.memory_space<semaphore_mem>>) src(%dma_wait3A_12 : memref<665600x128xf32, #tpu.memory_space<hbm>>) dst(%arg8 : memref<128x128xf32, #tpu.memory_space<vmem>>)
    %scan3A = arith.constant 0 : i32
    %scan3A_13 = arith.constant 12 : i32
    %scan3A_14 = arith.addi %scan3A, %scan3A_13 : i32
    %scan3A_15 = arith.constant 1 : i32
    scf.for %scan3A_115 = %scan3A to %scan3A_14 step %scan3A_15  : i32 {
      %mul3A_116 = arith.constant 2 : i32
      %mul3A_117 = arith.muli %scan3A_115, %mul3A_116 : i32
      %add3A_118 = arith.constant 0 : i32
      %add3A_119 = arith.addi %add3A_118, %mul3A_117 : i32
      %add3A_120 = arith.constant 1 : i32
      %add3A_121 = arith.addi %add3A_119, %add3A_120 : i32
      %mul3A_122 = arith.constant 128 : i32
      %mul3A_123 = arith.muli %add3A_121, %mul3A_122 : i32
      %dma_start3A_124 = tpu.memref_slice %arg6[%mul3A_123] : memref<3328xi32, #tpu.memory_space<vmem>> -> memref<128xi32, #tpu.memory_space<vmem>>
      %dma_start3A_125 = arith.constant 0 : i32
      %dma_start3A_126 = arith.constant 0 : i32
      %dma_start3A_127 = tpu.memref_slice %arg2[%dma_start3A_125, %dma_start3A_126] : memref<665600x128xf32, #tpu.memory_space<hbm>> -> memref<665600x128xf32, #tpu.memory_space<hbm>>
      tpu.enqueue_indirect_dma source(%dma_start3A_127 : memref<665600x128xf32, #tpu.memory_space<hbm>>) target(%arg9 : memref<128x128xf32, #tpu.memory_space<vmem>>) offsets(%dma_start3A_124 : memref<128xi32, #tpu.memory_space<vmem>>) semaphore(%arg12 : memref<!tpu.dma_semaphore, #tpu.memory_space<semaphore_mem>>)
      %add3A_128 = arith.addi %mul3A_2, %add3A_119 : i32
      %jit3A_129 = arith.constant 32 : i32
      %div3A_130 = arith.divsi %add3A_128, %jit3A_129 : i32
      %sign3A_131 = arith.constant 0 : i32
      %sign3A_132 = arith.cmpi sgt, %add3A_128, %sign3A_131 : i32
      %sign3A_133 = arith.extui %sign3A_132 : i1 to i32
      %sign3A_134 = arith.constant 0 : i32
      %sign3A_135 = arith.cmpi slt, %add3A_128, %sign3A_134 : i32
      %sign3A_136 = arith.extui %sign3A_135 : i1 to i32
      %sign3A_137 = arith.subi %sign3A_133, %sign3A_136 : i32
      %sign3A_138 = arith.constant 0 : i32
      %sign3A_139 = arith.cmpi sgt, %jit3A_129, %sign3A_138 : i32
      %sign3A_140 = arith.extui %sign3A_139 : i1 to i32
      %sign3A_141 = arith.constant 0 : i32
      %sign3A_142 = arith.cmpi slt, %jit3A_129, %sign3A_141 : i32
      %sign3A_143 = arith.extui %sign3A_142 : i1 to i32
      %sign3A_144 = arith.subi %sign3A_140, %sign3A_143 : i32
      %ne3A_145 = arith.cmpi ne, %sign3A_137, %sign3A_144 : i32
      %rem3A_146 = arith.remsi %add3A_128, %jit3A_129 : i32
      %ne3A_147 = arith.constant 0 : i32
      %ne3A_148 = arith.cmpi ne, %rem3A_146, %ne3A_147 : i32
      %and3A_149 = arith.andi %ne3A_145, %ne3A_148 : i1
      %sub3A_150 = arith.constant 1 : i32
      %sub3A_151 = arith.subi %div3A_130, %sub3A_150 : i32
      %select_n3A_152 = arith.select %and3A_149, %sub3A_151, %div3A_130 : i32
      %jit3A_153 = arith.constant 32 : i32
      %eq3A_154 = arith.constant 0 : i32
      %eq3A_155 = arith.cmpi eq, %jit3A_153, %eq3A_154 : i32
      %jit3A_156 = arith.constant 1 : i32
      %select_n3A_157 = arith.select %eq3A_155, %jit3A_156, %jit3A_153 : i32
      %rem3A_158 = arith.remsi %add3A_128, %select_n3A_157 : i32
      %ne3A_159 = arith.constant 0 : i32
      %ne3A_160 = arith.cmpi ne, %rem3A_158, %ne3A_159 : i32
      %lt3A_161 = arith.constant 0 : i32
      %lt3A_162 = arith.cmpi slt, %rem3A_158, %lt3A_161 : i32
      %lt3A_163 = arith.constant 0 : i32
      %lt3A_164 = arith.cmpi slt, %select_n3A_157, %lt3A_163 : i32
      %ne3A_165 = arith.xori %lt3A_162, %lt3A_164 : i1
      %and3A_166 = arith.andi %ne3A_165, %ne3A_160 : i1
      %add3A_167 = arith.addi %rem3A_158, %select_n3A_157 : i32
      %select_n3A_168 = arith.select %and3A_166, %add3A_167, %rem3A_158 : i32
      %mul3A_169 = arith.constant 128 : i32
      %mul3A_170 = arith.muli %select_n3A_168, %mul3A_169 : i32
      %scan3A_171 = arith.constant 0 : i32
      %scan3A_172 = arith.constant 8 : i32
      %scan3A_173 = arith.addi %scan3A_171, %scan3A_172 : i32
      %scan3A_174 = arith.constant 1 : i32
      scf.for %scan3A_242 = %scan3A_171 to %scan3A_173 step %scan3A_174  : i32 {
        %mul3A_243 = arith.constant 1 : i32
        %mul3A_244 = arith.muli %scan3A_242, %mul3A_243 : i32
        %add3A_245 = arith.constant 0 : i32
        %add3A_246 = arith.addi %add3A_245, %mul3A_244 : i32
        %mul3A_247 = arith.constant 16 : i32
        %mul3A_248 = arith.muli %add3A_246, %mul3A_247 : i32
        %add3A_249 = vector.broadcast %mul3A_248 : i32 to vector<16xi32>
        %add3A_250 = arith.addi %add3A_249, %iota3A : vector<16xi32>
        %mul3A_251 = arith.constant 128 : i32
        %mul3A_252 = arith.muli %add3A_119, %mul3A_251 : i32
        %mul3A_253 = arith.constant 16 : i32
        %mul3A_254 = arith.muli %add3A_246, %mul3A_253 : i32
        %add3A_255 = arith.addi %mul3A_252, %mul3A_254 : i32
        %get3A = arith.index_cast %add3A_255 : i32 to index
        %get3A_256 = tpu.vector_load %arg7[%get3A] {strides = array<i32>} : memref<3328xi32, #tpu.memory_space<vmem>>, vector<16xi32>,
        %add3A_257 = arith.constant 0 : i32
        %add3A_258 = vector.broadcast %add3A_257 : i32 to vector<16xi32>
        %add3A_259 = arith.addi %get3A_256, %add3A_258 : vector<16xi32>
        %gather3A = tpu.vector_load_idx %arg8[%add3A_250, %add3A_259] : memref<128x128xf32, #tpu.memory_space<vmem>>[vector<16xi32>, vector<16xi32>], vector<16xf32>,
        %broadcast_in_dim3A = arith.constant 0 : i32
        %broadcast_in_dim3A_260 = vector.broadcast %broadcast_in_dim3A : i32 to vector<16xi32>
        tpu.vector_store_idx %arg10[%broadcast_in_dim3A_260, %add3A_250], %gather3A : memref<32x128xf32, #tpu.memory_space<vmem>>[vector<16xi32>, vector<16xi32>], vector<16xf32>,
        %add3A_261 = arith.constant 1 : i32
        %add3A_262 = vector.broadcast %add3A_261 : i32 to vector<16xi32>
        %add3A_263 = arith.addi %get3A_256, %add3A_262 : vector<16xi32>
        %gather3A_264 = tpu.vector_load_idx %arg8[%add3A_250, %add3A_263] : memref<128x128xf32, #tpu.memory_space<vmem>>[vector<16xi32>, vector<16xi32>], vector<16xf32>,
        %broadcast_in_dim3A_265 = arith.constant 1 : i32
        %broadcast_in_dim3A_266 = vector.broadcast %broadcast_in_dim3A_265 : i32 to vector<16xi32>
        tpu.vector_store_idx %arg10[%broadcast_in_dim3A_266, %add3A_250], %gather3A_264 : memref<32x128xf32, #tpu.memory_space<vmem>>[vector<16xi32>, vector<16xi32>], vector<16xf32>,
        %add3A_267 = arith.constant 2 : i32
        %add3A_268 = vector.broadcast %add3A_267 : i32 to vector<16xi32>
        %add3A_269 = arith.addi %get3A_256, %add3A_268 : vector<16xi32>
        %gather3A_270 = tpu.vector_load_idx %arg8[%add3A_250, %add3A_269] : memref<128x128xf32, #tpu.memory_space<vmem>>[vector<16xi32>, vector<16xi32>], vector<16xf32>,
        %broadcast_in_dim3A_271 = arith.constant 2 : i32
        %broadcast_in_dim3A_272 = vector.broadcast %broadcast_in_dim3A_271 : i32 to vector<16xi32>
        tpu.vector_store_idx %arg10[%broadcast_in_dim3A_272, %add3A_250], %gather3A_270 : memref<32x128xf32, #tpu.memory_space<vmem>>[vector<16xi32>, vector<16xi32>], vector<16xf32>,
        %add3A_273 = arith.constant 3 : i32
        %add3A_274 = vector.broadcast %add3A_273 : i32 to vector<16xi32>
        %add3A_275 = arith.addi %get3A_256, %add3A_274 : vector<16xi32>
        %gather3A_276 = tpu.vector_load_idx %arg8[%add3A_250, %add3A_275] : memref<128x128xf32, #tpu.memory_space<vmem>>[vector<16xi32>, vector<16xi32>], vector<16xf32>,
        %broadcast_in_dim3A_277 = arith.constant 3 : i32
        %broadcast_in_dim3A_278 = vector.broadcast %broadcast_in_dim3A_277 : i32 to vector<16xi32>
        tpu.vector_store_idx %arg10[%broadcast_in_dim3A_278, %add3A_250], %gather3A_276 : memref<32x128xf32, #tpu.memory_space<vmem>>[vector<16xi32>, vector<16xi32>], vector<16xf32>,
        %add3A_279 = arith.constant 4 : i32
        %add3A_280 = vector.broadcast %add3A_279 : i32 to vector<16xi32>
        %add3A_281 = arith.addi %get3A_256, %add3A_280 : vector<16xi32>
        %gather3A_282 = tpu.vector_load_idx %arg8[%add3A_250, %add3A_281] : memref<128x128xf32, #tpu.memory_space<vmem>>[vector<16xi32>, vector<16xi32>], vector<16xf32>,
        %broadcast_in_dim3A_283 = arith.constant 4 : i32
        %broadcast_in_dim3A_284 = vector.broadcast %broadcast_in_dim3A_283 : i32 to vector<16xi32>
        tpu.vector_store_idx %arg10[%broadcast_in_dim3A_284, %add3A_250], %gather3A_282 : memref<32x128xf32, #tpu.memory_space<vmem>>[vector<16xi32>, vector<16xi32>], vector<16xf32>,
        %add3A_285 = arith.constant 5 : i32
        %add3A_286 = vector.broadcast %add3A_285 : i32 to vector<16xi32>
        %add3A_287 = arith.addi %get3A_256, %add3A_286 : vector<16xi32>
        %gather3A_288 = tpu.vector_load_idx %arg8[%add3A_250, %add3A_287] : memref<128x128xf32, #tpu.memory_space<vmem>>[vector<16xi32>, vector<16xi32>], vector<16xf32>,
        %broadcast_in_dim3A_289 = arith.constant 5 : i32
        %broadcast_in_dim3A_290 = vector.broadcast %broadcast_in_dim3A_289 : i32 to vector<16xi32>
        tpu.vector_store_idx %arg10[%broadcast_in_dim3A_290, %add3A_250], %gather3A_288 : memref<32x128xf32, #tpu.memory_space<vmem>>[vector<16xi32>, vector<16xi32>], vector<16xf32>,
        %add3A_291 = arith.constant 6 : i32
        %add3A_292 = vector.broadcast %add3A_291 : i32 to vector<16xi32>
        %add3A_293 = arith.addi %get3A_256, %add3A_292 : vector<16xi32>
        %gather3A_294 = tpu.vector_load_idx %arg8[%add3A_250, %add3A_293] : memref<128x128xf32, #tpu.memory_space<vmem>>[vector<16xi32>, vector<16xi32>], vector<16xf32>,
        %broadcast_in_dim3A_295 = arith.constant 6 : i32
        %broadcast_in_dim3A_296 = vector.broadcast %broadcast_in_dim3A_295 : i32 to vector<16xi32>
        tpu.vector_store_idx %arg10[%broadcast_in_dim3A_296, %add3A_250], %gather3A_294 : memref<32x128xf32, #tpu.memory_space<vmem>>[vector<16xi32>, vector<16xi32>], vector<16xf32>,
        %add3A_297 = arith.constant 7 : i32
        %add3A_298 = vector.broadcast %add3A_297 : i32 to vector<16xi32>
        %add3A_299 = arith.addi %get3A_256, %add3A_298 : vector<16xi32>
        %gather3A_300 = tpu.vector_load_idx %arg8[%add3A_250, %add3A_299] : memref<128x128xf32, #tpu.memory_space<vmem>>[vector<16xi32>, vector<16xi32>], vector<16xf32>,
        %broadcast_in_dim3A_301 = arith.constant 7 : i32
        %broadcast_in_dim3A_302 = vector.broadcast %broadcast_in_dim3A_301 : i32 to vector<16xi32>
        tpu.vector_store_idx %arg10[%broadcast_in_dim3A_302, %add3A_250], %gather3A_300 : memref<32x128xf32, #tpu.memory_space<vmem>>[vector<16xi32>, vector<16xi32>], vector<16xf32>,
        %add3A_303 = arith.constant 8 : i32
        %add3A_304 = vector.broadcast %add3A_303 : i32 to vector<16xi32>
        %add3A_305 = arith.addi %get3A_256, %add3A_304 : vector<16xi32>
        %gather3A_306 = tpu.vector_load_idx %arg8[%add3A_250, %add3A_305] : memref<128x128xf32, #tpu.memory_space<vmem>>[vector<16xi32>, vector<16xi32>], vector<16xf32>,
        %broadcast_in_dim3A_307 = arith.constant 8 : i32
        %broadcast_in_dim3A_308 = vector.broadcast %broadcast_in_dim3A_307 : i32 to vector<16xi32>
        tpu.vector_store_idx %arg10[%broadcast_in_dim3A_308, %add3A_250], %gather3A_306 : memref<32x128xf32, #tpu.memory_space<vmem>>[vector<16xi32>, vector<16xi32>], vector<16xf32>,
        %add3A_309 = arith.constant 9 : i32
        %add3A_310 = vector.broadcast %add3A_309 : i32 to vector<16xi32>
        %add3A_311 = arith.addi %get3A_256, %add3A_310 : vector<16xi32>
        %gather3A_312 = tpu.vector_load_idx %arg8[%add3A_250, %add3A_311] : memref<128x128xf32, #tpu.memory_space<vmem>>[vector<16xi32>, vector<16xi32>], vector<16xf32>,
        %broadcast_in_dim3A_313 = arith.constant 9 : i32
        %broadcast_in_dim3A_314 = vector.broadcast %broadcast_in_dim3A_313 : i32 to vector<16xi32>
        tpu.vector_store_idx %arg10[%broadcast_in_dim3A_314, %add3A_250], %gather3A_312 : memref<32x128xf32, #tpu.memory_space<vmem>>[vector<16xi32>, vector<16xi32>], vector<16xf32>,
        %add3A_315 = arith.constant 10 : i32
        %add3A_316 = vector.broadcast %add3A_315 : i32 to vector<16xi32>
        %add3A_317 = arith.addi %get3A_256, %add3A_316 : vector<16xi32>
        %gather3A_318 = tpu.vector_load_idx %arg8[%add3A_250, %add3A_317] : memref<128x128xf32, #tpu.memory_space<vmem>>[vector<16xi32>, vector<16xi32>], vector<16xf32>,
        %broadcast_in_dim3A_319 = arith.constant 10 : i32
        %broadcast_in_dim3A_320 = vector.broadcast %broadcast_in_dim3A_319 : i32 to vector<16xi32>
        tpu.vector_store_idx %arg10[%broadcast_in_dim3A_320, %add3A_250], %gather3A_318 : memref<32x128xf32, #tpu.memory_space<vmem>>[vector<16xi32>, vector<16xi32>], vector<16xf32>,
        %add3A_321 = arith.constant 11 : i32
        %add3A_322 = vector.broadcast %add3A_321 : i32 to vector<16xi32>
        %add3A_323 = arith.addi %get3A_256, %add3A_322 : vector<16xi32>
        %gather3A_324 = tpu.vector_load_idx %arg8[%add3A_250, %add3A_323] : memref<128x128xf32, #tpu.memory_space<vmem>>[vector<16xi32>, vector<16xi32>], vector<16xf32>,
        %broadcast_in_dim3A_325 = arith.constant 11 : i32
        %broadcast_in_dim3A_326 = vector.broadcast %broadcast_in_dim3A_325 : i32 to vector<16xi32>
        tpu.vector_store_idx %arg10[%broadcast_in_dim3A_326, %add3A_250], %gather3A_324 : memref<32x128xf32, #tpu.memory_space<vmem>>[vector<16xi32>, vector<16xi32>], vector<16xf32>,
        %add3A_327 = arith.constant 12 : i32
        %add3A_328 = vector.broadcast %add3A_327 : i32 to vector<16xi32>
        %add3A_329 = arith.addi %get3A_256, %add3A_328 : vector<16xi32>
        %gather3A_330 = tpu.vector_load_idx %arg8[%add3A_250, %add3A_329] : memref<128x128xf32, #tpu.memory_space<vmem>>[vector<16xi32>, vector<16xi32>], vector<16xf32>,
        %broadcast_in_dim3A_331 = arith.constant 12 : i32
        %broadcast_in_dim3A_332 = vector.broadcast %broadcast_in_dim3A_331 : i32 to vector<16xi32>
        tpu.vector_store_idx %arg10[%broadcast_in_dim3A_332, %add3A_250], %gather3A_330 : memref<32x128xf32, #tpu.memory_space<vmem>>[vector<16xi32>, vector<16xi32>], vector<16xf32>,
        %add3A_333 = arith.constant 13 : i32
        %add3A_334 = vector.broadcast %add3A_333 : i32 to vector<16xi32>
        %add3A_335 = arith.addi %get3A_256, %add3A_334 : vector<16xi32>
        %gather3A_336 = tpu.vector_load_idx %arg8[%add3A_250, %add3A_335] : memref<128x128xf32, #tpu.memory_space<vmem>>[vector<16xi32>, vector<16xi32>], vector<16xf32>,
        %broadcast_in_dim3A_337 = arith.constant 13 : i32
        %broadcast_in_dim3A_338 = vector.broadcast %broadcast_in_dim3A_337 : i32 to vector<16xi32>
        tpu.vector_store_idx %arg10[%broadcast_in_dim3A_338, %add3A_250], %gather3A_336 : memref<32x128xf32, #tpu.memory_space<vmem>>[vector<16xi32>, vector<16xi32>], vector<16xf32>,
        %add3A_339 = arith.constant 14 : i32
        %add3A_340 = vector.broadcast %add3A_339 : i32 to vector<16xi32>
        %add3A_341 = arith.addi %get3A_256, %add3A_340 : vector<16xi32>
        %gather3A_342 = tpu.vector_load_idx %arg8[%add3A_250, %add3A_341] : memref<128x128xf32, #tpu.memory_space<vmem>>[vector<16xi32>, vector<16xi32>], vector<16xf32>,
        %broadcast_in_dim3A_343 = arith.constant 14 : i32
        %broadcast_in_dim3A_344 = vector.broadcast %broadcast_in_dim3A_343 : i32 to vector<16xi32>
        tpu.vector_store_idx %arg10[%broadcast_in_dim3A_344, %add3A_250], %gather3A_342 : memref<32x128xf32, #tpu.memory_space<vmem>>[vector<16xi32>, vector<16xi32>], vector<16xf32>,
        %add3A_345 = arith.constant 15 : i32
        %add3A_346 = vector.broadcast %add3A_345 : i32 to vector<16xi32>
        %add3A_347 = arith.addi %get3A_256, %add3A_346 : vector<16xi32>
        %gather3A_348 = tpu.vector_load_idx %arg8[%add3A_250, %add3A_347] : memref<128x128xf32, #tpu.memory_space<vmem>>[vector<16xi32>, vector<16xi32>], vector<16xf32>,
        %broadcast_in_dim3A_349 = arith.constant 15 : i32
        %broadcast_in_dim3A_350 = vector.broadcast %broadcast_in_dim3A_349 : i32 to vector<16xi32>
        tpu.vector_store_idx %arg10[%broadcast_in_dim3A_350, %add3A_250], %gather3A_348 : memref<32x128xf32, #tpu.memory_space<vmem>>[vector<16xi32>, vector<16xi32>], vector<16xf32>,
        %add3A_351 = arith.constant 16 : i32
        %add3A_352 = vector.broadcast %add3A_351 : i32 to vector<16xi32>
        %add3A_353 = arith.addi %get3A_256, %add3A_352 : vector<16xi32>
        %gather3A_354 = tpu.vector_load_idx %arg8[%add3A_250, %add3A_353] : memref<128x128xf32, #tpu.memory_space<vmem>>[vector<16xi32>, vector<16xi32>], vector<16xf32>,
        %broadcast_in_dim3A_355 = arith.constant 16 : i32
        %broadcast_in_dim3A_356 = vector.broadcast %broadcast_in_dim3A_355 : i32 to vector<16xi32>
        tpu.vector_store_idx %arg10[%broadcast_in_dim3A_356, %add3A_250], %gather3A_354 : memref<32x128xf32, #tpu.memory_space<vmem>>[vector<16xi32>, vector<16xi32>], vector<16xf32>,
        %add3A_357 = arith.constant 17 : i32
        %add3A_358 = vector.broadcast %add3A_357 : i32 to vector<16xi32>
        %add3A_359 = arith.addi %get3A_256, %add3A_358 : vector<16xi32>
        %gather3A_360 = tpu.vector_load_idx %arg8[%add3A_250, %add3A_359] : memref<128x128xf32, #tpu.memory_space<vmem>>[vector<16xi32>, vector<16xi32>], vector<16xf32>,
        %broadcast_in_dim3A_361 = arith.constant 17 : i32
        %broadcast_in_dim3A_362 = vector.broadcast %broadcast_in_dim3A_361 : i32 to vector<16xi32>
        tpu.vector_store_idx %arg10[%broadcast_in_dim3A_362, %add3A_250], %gather3A_360 : memref<32x128xf32, #tpu.memory_space<vmem>>[vector<16xi32>, vector<16xi32>], vector<16xf32>,
        %add3A_363 = arith.constant 18 : i32
        %add3A_364 = vector.broadcast %add3A_363 : i32 to vector<16xi32>
        %add3A_365 = arith.addi %get3A_256, %add3A_364 : vector<16xi32>
        %gather3A_366 = tpu.vector_load_idx %arg8[%add3A_250, %add3A_365] : memref<128x128xf32, #tpu.memory_space<vmem>>[vector<16xi32>, vector<16xi32>], vector<16xf32>,
        %broadcast_in_dim3A_367 = arith.constant 18 : i32
        %broadcast_in_dim3A_368 = vector.broadcast %broadcast_in_dim3A_367 : i32 to vector<16xi32>
        tpu.vector_store_idx %arg10[%broadcast_in_dim3A_368, %add3A_250], %gather3A_366 : memref<32x128xf32, #tpu.memory_space<vmem>>[vector<16xi32>, vector<16xi32>], vector<16xf32>,
        %add3A_369 = arith.constant 19 : i32
        %add3A_370 = vector.broadcast %add3A_369 : i32 to vector<16xi32>
        %add3A_371 = arith.addi %get3A_256, %add3A_370 : vector<16xi32>
        %gather3A_372 = tpu.vector_load_idx %arg8[%add3A_250, %add3A_371] : memref<128x128xf32, #tpu.memory_space<vmem>>[vector<16xi32>, vector<16xi32>], vector<16xf32>,
        %broadcast_in_dim3A_373 = arith.constant 19 : i32
        %broadcast_in_dim3A_374 = vector.broadcast %broadcast_in_dim3A_373 : i32 to vector<16xi32>
        tpu.vector_store_idx %arg10[%broadcast_in_dim3A_374, %add3A_250], %gather3A_372 : memref<32x128xf32, #tpu.memory_space<vmem>>[vector<16xi32>, vector<16xi32>], vector<16xf32>,
        %add3A_375 = arith.constant 20 : i32
        %add3A_376 = vector.broadcast %add3A_375 : i32 to vector<16xi32>
        %add3A_377 = arith.addi %get3A_256, %add3A_376 : vector<16xi32>
        %gather3A_378 = tpu.vector_load_idx %arg8[%add3A_250, %add3A_377] : memref<128x128xf32, #tpu.memory_space<vmem>>[vector<16xi32>, vector<16xi32>], vector<16xf32>,
        %broadcast_in_dim3A_379 = arith.constant 20 : i32
        %broadcast_in_dim3A_380 = vector.broadcast %broadcast_in_dim3A_379 : i32 to vector<16xi32>
        tpu.vector_store_idx %arg10[%broadcast_in_dim3A_380, %add3A_250], %gather3A_378 : memref<32x128xf32, #tpu.memory_space<vmem>>[vector<16xi32>, vector<16xi32>], vector<16xf32>,
        %add3A_381 = arith.constant 21 : i32
        %add3A_382 = vector.broadcast %add3A_381 : i32 to vector<16xi32>
        %add3A_383 = arith.addi %get3A_256, %add3A_382 : vector<16xi32>
        %gather3A_384 = tpu.vector_load_idx %arg8[%add3A_250, %add3A_383] : memref<128x128xf32, #tpu.memory_space<vmem>>[vector<16xi32>, vector<16xi32>], vector<16xf32>,
        %broadcast_in_dim3A_385 = arith.constant 21 : i32
        %broadcast_in_dim3A_386 = vector.broadcast %broadcast_in_dim3A_385 : i32 to vector<16xi32>
        tpu.vector_store_idx %arg10[%broadcast_in_dim3A_386, %add3A_250], %gather3A_384 : memref<32x128xf32, #tpu.memory_space<vmem>>[vector<16xi32>, vector<16xi32>], vector<16xf32>,
        %add3A_387 = arith.constant 22 : i32
        %add3A_388 = vector.broadcast %add3A_387 : i32 to vector<16xi32>
        %add3A_389 = arith.addi %get3A_256, %add3A_388 : vector<16xi32>
        %gather3A_390 = tpu.vector_load_idx %arg8[%add3A_250, %add3A_389] : memref<128x128xf32, #tpu.memory_space<vmem>>[vector<16xi32>, vector<16xi32>], vector<16xf32>,
        %broadcast_in_dim3A_391 = arith.constant 22 : i32
        %broadcast_in_dim3A_392 = vector.broadcast %broadcast_in_dim3A_391 : i32 to vector<16xi32>
        tpu.vector_store_idx %arg10[%broadcast_in_dim3A_392, %add3A_250], %gather3A_390 : memref<32x128xf32, #tpu.memory_space<vmem>>[vector<16xi32>, vector<16xi32>], vector<16xf32>,
        %add3A_393 = arith.constant 23 : i32
        %add3A_394 = vector.broadcast %add3A_393 : i32 to vector<16xi32>
        %add3A_395 = arith.addi %get3A_256, %add3A_394 : vector<16xi32>
        %gather3A_396 = tpu.vector_load_idx %arg8[%add3A_250, %add3A_395] : memref<128x128xf32, #tpu.memory_space<vmem>>[vector<16xi32>, vector<16xi32>], vector<16xf32>,
        %broadcast_in_dim3A_397 = arith.constant 23 : i32
        %broadcast_in_dim3A_398 = vector.broadcast %broadcast_in_dim3A_397 : i32 to vector<16xi32>
        tpu.vector_store_idx %arg10[%broadcast_in_dim3A_398, %add3A_250], %gather3A_396 : memref<32x128xf32, #tpu.memory_space<vmem>>[vector<16xi32>, vector<16xi32>], vector<16xf32>,
        %add3A_399 = arith.constant 24 : i32
        %add3A_400 = vector.broadcast %add3A_399 : i32 to vector<16xi32>
        %add3A_401 = arith.addi %get3A_256, %add3A_400 : vector<16xi32>
        %gather3A_402 = tpu.vector_load_idx %arg8[%add3A_250, %add3A_401] : memref<128x128xf32, #tpu.memory_space<vmem>>[vector<16xi32>, vector<16xi32>], vector<16xf32>,
        %broadcast_in_dim3A_403 = arith.constant 24 : i32
        %broadcast_in_dim3A_404 = vector.broadcast %broadcast_in_dim3A_403 : i32 to vector<16xi32>
        tpu.vector_store_idx %arg10[%broadcast_in_dim3A_404, %add3A_250], %gather3A_402 : memref<32x128xf32, #tpu.memory_space<vmem>>[vector<16xi32>, vector<16xi32>], vector<16xf32>,
        %add3A_405 = arith.constant 25 : i32
        %add3A_406 = vector.broadcast %add3A_405 : i32 to vector<16xi32>
        %add3A_407 = arith.addi %get3A_256, %add3A_406 : vector<16xi32>
        %gather3A_408 = tpu.vector_load_idx %arg8[%add3A_250, %add3A_407] : memref<128x128xf32, #tpu.memory_space<vmem>>[vector<16xi32>, vector<16xi32>], vector<16xf32>,
        %broadcast_in_dim3A_409 = arith.constant 25 : i32
        %broadcast_in_dim3A_410 = vector.broadcast %broadcast_in_dim3A_409 : i32 to vector<16xi32>
        tpu.vector_store_idx %arg10[%broadcast_in_dim3A_410, %add3A_250], %gather3A_408 : memref<32x128xf32, #tpu.memory_space<vmem>>[vector<16xi32>, vector<16xi32>], vector<16xf32>,
        %add3A_411 = arith.constant 26 : i32
        %add3A_412 = vector.broadcast %add3A_411 : i32 to vector<16xi32>
        %add3A_413 = arith.addi %get3A_256, %add3A_412 : vector<16xi32>
        %gather3A_414 = tpu.vector_load_idx %arg8[%add3A_250, %add3A_413] : memref<128x128xf32, #tpu.memory_space<vmem>>[vector<16xi32>, vector<16xi32>], vector<16xf32>,
        %broadcast_in_dim3A_415 = arith.constant 26 : i32
        %broadcast_in_dim3A_416 = vector.broadcast %broadcast_in_dim3A_415 : i32 to vector<16xi32>
        tpu.vector_store_idx %arg10[%broadcast_in_dim3A_416, %add3A_250], %gather3A_414 : memref<32x128xf32, #tpu.memory_space<vmem>>[vector<16xi32>, vector<16xi32>], vector<16xf32>,
        %add3A_417 = arith.constant 27 : i32
        %add3A_418 = vector.broadcast %add3A_417 : i32 to vector<16xi32>
        %add3A_419 = arith.addi %get3A_256, %add3A_418 : vector<16xi32>
        %gather3A_420 = tpu.vector_load_idx %arg8[%add3A_250, %add3A_419] : memref<128x128xf32, #tpu.memory_space<vmem>>[vector<16xi32>, vector<16xi32>], vector<16xf32>,
        %broadcast_in_dim3A_421 = arith.constant 27 : i32
        %broadcast_in_dim3A_422 = vector.broadcast %broadcast_in_dim3A_421 : i32 to vector<16xi32>
        tpu.vector_store_idx %arg10[%broadcast_in_dim3A_422, %add3A_250], %gather3A_420 : memref<32x128xf32, #tpu.memory_space<vmem>>[vector<16xi32>, vector<16xi32>], vector<16xf32>,
        %add3A_423 = arith.constant 28 : i32
        %add3A_424 = vector.broadcast %add3A_423 : i32 to vector<16xi32>
        %add3A_425 = arith.addi %get3A_256, %add3A_424 : vector<16xi32>
        %gather3A_426 = tpu.vector_load_idx %arg8[%add3A_250, %add3A_425] : memref<128x128xf32, #tpu.memory_space<vmem>>[vector<16xi32>, vector<16xi32>], vector<16xf32>,
        %broadcast_in_dim3A_427 = arith.constant 28 : i32
        %broadcast_in_dim3A_428 = vector.broadcast %broadcast_in_dim3A_427 : i32 to vector<16xi32>
        tpu.vector_store_idx %arg10[%broadcast_in_dim3A_428, %add3A_250], %gather3A_426 : memref<32x128xf32, #tpu.memory_space<vmem>>[vector<16xi32>, vector<16xi32>], vector<16xf32>,
        %add3A_429 = arith.constant 29 : i32
        %add3A_430 = vector.broadcast %add3A_429 : i32 to vector<16xi32>
        %add3A_431 = arith.addi %get3A_256, %add3A_430 : vector<16xi32>
        %gather3A_432 = tpu.vector_load_idx %arg8[%add3A_250, %add3A_431] : memref<128x128xf32, #tpu.memory_space<vmem>>[vector<16xi32>, vector<16xi32>], vector<16xf32>,
        %broadcast_in_dim3A_433 = arith.constant 29 : i32
        %broadcast_in_dim3A_434 = vector.broadcast %broadcast_in_dim3A_433 : i32 to vector<16xi32>
        tpu.vector_store_idx %arg10[%broadcast_in_dim3A_434, %add3A_250], %gather3A_432 : memref<32x128xf32, #tpu.memory_space<vmem>>[vector<16xi32>, vector<16xi32>], vector<16xf32>,
        %add3A_435 = arith.constant 30 : i32
        %add3A_436 = vector.broadcast %add3A_435 : i32 to vector<16xi32>
        %add3A_437 = arith.addi %get3A_256, %add3A_436 : vector<16xi32>
        %gather3A_438 = tpu.vector_load_idx %arg8[%add3A_250, %add3A_437] : memref<128x128xf32, #tpu.memory_space<vmem>>[vector<16xi32>, vector<16xi32>], vector<16xf32>,
        %broadcast_in_dim3A_439 = arith.constant 30 : i32
        %broadcast_in_dim3A_440 = vector.broadcast %broadcast_in_dim3A_439 : i32 to vector<16xi32>
        tpu.vector_store_idx %arg10[%broadcast_in_dim3A_440, %add3A_250], %gather3A_438 : memref<32x128xf32, #tpu.memory_space<vmem>>[vector<16xi32>, vector<16xi32>], vector<16xf32>,
        %add3A_441 = arith.constant 31 : i32
        %add3A_442 = vector.broadcast %add3A_441 : i32 to vector<16xi32>
        %add3A_443 = arith.addi %get3A_256, %add3A_442 : vector<16xi32>
        %gather3A_444 = tpu.vector_load_idx %arg8[%add3A_250, %add3A_443] : memref<128x128xf32, #tpu.memory_space<vmem>>[vector<16xi32>, vector<16xi32>], vector<16xf32>,
        %broadcast_in_dim3A_445 = arith.constant 31 : i32
        %broadcast_in_dim3A_446 = vector.broadcast %broadcast_in_dim3A_445 : i32 to vector<16xi32>
        tpu.vector_store_idx %arg10[%broadcast_in_dim3A_446, %add3A_250], %gather3A_444 : memref<32x128xf32, #tpu.memory_space<vmem>>[vector<16xi32>, vector<16xi32>], vector<16xf32>,
      }
      %scan3A_175 = arith.constant 8 : i32
      "tpu.region"() ({
        %run_scoped3A = tpu.sem_alloc : memref<!tpu.dma_semaphore, #tpu.memory_space<semaphore_mem>>
        %dma_start3A_242 = arith.constant 0 : i32
        %dma_start3A_243 = tpu.memref_slice %arg5[%select_n3A_152, %dma_start3A_242, %mul3A_170] : memref<26x32x4096xf32, #tpu.memory_space<hbm>> -> memref<1x32x128xf32, #tpu.memory_space<hbm>>
        %dma_start3A_244 = tpu.memref_squeeze %dma_start3A_243 : memref<1x32x128xf32, #tpu.memory_space<hbm>> -> memref<32x128xf32, #tpu.memory_space<hbm>>
        %dma_start3A_245 = arith.constant 0 : i32
        %dma_start3A_246 = tpu.memref_slice %arg5[%select_n3A_152, %dma_start3A_245, %mul3A_170] : memref<26x32x4096xf32, #tpu.memory_space<hbm>> -> memref<1x32x128xf32, #tpu.memory_space<hbm>>
        %dma_start3A_247 = tpu.memref_squeeze %dma_start3A_246 : memref<1x32x128xf32, #tpu.memory_space<hbm>> -> memref<32x128xf32, #tpu.memory_space<hbm>>
        tpu.enqueue_dma source(%arg10 : memref<32x128xf32, #tpu.memory_space<vmem>>) target(%dma_start3A_247 : memref<32x128xf32, #tpu.memory_space<hbm>>) target_semaphore(%run_scoped3A : memref<!tpu.dma_semaphore, #tpu.memory_space<semaphore_mem>>)
        %dma_wait3A_248 = arith.constant 0 : i32
        %dma_wait3A_249 = tpu.memref_slice %arg5[%select_n3A_152, %dma_wait3A_248, %mul3A_170] : memref<26x32x4096xf32, #tpu.memory_space<hbm>> -> memref<1x32x128xf32, #tpu.memory_space<hbm>>
        %dma_wait3A_250 = tpu.memref_squeeze %dma_wait3A_249 : memref<1x32x128xf32, #tpu.memory_space<hbm>> -> memref<32x128xf32, #tpu.memory_space<hbm>>
        %dma_wait3A_251 = arith.constant 0 : i32
        %dma_wait3A_252 = tpu.memref_slice %arg5[%select_n3A_152, %dma_wait3A_251, %mul3A_170] : memref<26x32x4096xf32, #tpu.memory_space<hbm>> -> memref<1x32x128xf32, #tpu.memory_space<hbm>>
        %dma_wait3A_253 = tpu.memref_squeeze %dma_wait3A_252 : memref<1x32x128xf32, #tpu.memory_space<hbm>> -> memref<32x128xf32, #tpu.memory_space<hbm>>
        tpu.wait_dma2 semaphore(%run_scoped3A : memref<!tpu.dma_semaphore, #tpu.memory_space<semaphore_mem>>) src(%arg10 : memref<32x128xf32, #tpu.memory_space<vmem>>) dst(%dma_wait3A_253 : memref<32x128xf32, #tpu.memory_space<hbm>>)
        tpu.yield
      }) : () -> ()
      %dma_wait3A_176 = tpu.memref_slice %arg6[%mul3A_123] : memref<3328xi32, #tpu.memory_space<vmem>> -> memref<128xi32, #tpu.memory_space<vmem>>
      %dma_wait3A_177 = arith.constant 0 : i32
      %dma_wait3A_178 = arith.constant 0 : i32
      %dma_wait3A_179 = tpu.memref_slice %arg2[%dma_wait3A_177, %dma_wait3A_178] : memref<665600x128xf32, #tpu.memory_space<hbm>> -> memref<665600x128xf32, #tpu.memory_space<hbm>>
      tpu.wait_indirect_dma semaphore(%arg12 : memref<!tpu.dma_semaphore, #tpu.memory_space<semaphore_mem>>) src(%dma_wait3A_179 : memref<665600x128xf32, #tpu.memory_space<hbm>>) dst(%arg9 : memref<128x128xf32, #tpu.memory_space<vmem>>)
      %add3A_180 = arith.constant 2 : i32
      %add3A_181 = arith.addi %add3A_119, %add3A_180 : i32
      %mul3A_182 = arith.constant 128 : i32
      %mul3A_183 = arith.muli %add3A_181, %mul3A_182 : i32
      %dma_start3A_184 = tpu.memref_slice %arg6[%mul3A_183] : memref<3328xi32, #tpu.memory_space<vmem>> -> memref<128xi32, #tpu.memory_space<vmem>>
      %dma_start3A_185 = arith.constant 0 : i32
      %dma_start3A_186 = arith.constant 0 : i32
      %dma_start3A_187 = tpu.memref_slice %arg2[%dma_start3A_185, %dma_start3A_186] : memref<665600x128xf32, #tpu.memory_space<hbm>> -> memref<665600x128xf32, #tpu.memory_space<hbm>>
      tpu.enqueue_indirect_dma source(%dma_start3A_187 : memref<665600x128xf32, #tpu.memory_space<hbm>>) target(%arg8 : memref<128x128xf32, #tpu.memory_space<vmem>>) offsets(%dma_start3A_184 : memref<128xi32, #tpu.memory_space<vmem>>) semaphore(%arg11 : memref<!tpu.dma_semaphore, #tpu.memory_space<semaphore_mem>>)
      %add3A_188 = arith.constant 1 : i32
      %add3A_189 = arith.addi %add3A_119, %add3A_188 : i32
      %add3A_190 = arith.addi %mul3A_2, %add3A_189 : i32
      %jit3A_191 = arith.constant 32 : i32
      %div3A_192 = arith.divsi %add3A_190, %jit3A_191 : i32
      %sign3A_193 = arith.constant 0 : i32
      %sign3A_194 = arith.cmpi sgt, %add3A_190, %sign3A_193 : i32
      %sign3A_195 = arith.extui %sign3A_194 : i1 to i32
      %sign3A_196 = arith.constant 0 : i32
      %sign3A_197 = arith.cmpi slt, %add3A_190, %sign3A_196 : i32
      %sign3A_198 = arith.extui %sign3A_197 : i1 to i32
      %sign3A_199 = arith.subi %sign3A_195, %sign3A_198 : i32
      %sign3A_200 = arith.constant 0 : i32
      %sign3A_201 = arith.cmpi sgt, %jit3A_191, %sign3A_200 : i32
      %sign3A_202 = arith.extui %sign3A_201 : i1 to i32
      %sign3A_203 = arith.constant 0 : i32
      %sign3A_204 = arith.cmpi slt, %jit3A_191, %sign3A_203 : i32
      %sign3A_205 = arith.extui %sign3A_204 : i1 to i32
      %sign3A_206 = arith.subi %sign3A_202, %sign3A_205 : i32
      %ne3A_207 = arith.cmpi ne, %sign3A_199, %sign3A_206 : i32
      %rem3A_208 = arith.remsi %add3A_190, %jit3A_191 : i32
      %ne3A_209 = arith.constant 0 : i32
      %ne3A_210 = arith.cmpi ne, %rem3A_208, %ne3A_209 : i32
      %and3A_211 = arith.andi %ne3A_207, %ne3A_210 : i1
      %sub3A_212 = arith.constant 1 : i32
      %sub3A_213 = arith.subi %div3A_192, %sub3A_212 : i32
      %select_n3A_214 = arith.select %and3A_211, %sub3A_213, %div3A_192 : i32
      %jit3A_215 = arith.constant 32 : i32
      %eq3A_216 = arith.constant 0 : i32
      %eq3A_217 = arith.cmpi eq, %jit3A_215, %eq3A_216 : i32
      %jit3A_218 = arith.constant 1 : i32
      %select_n3A_219 = arith.select %eq3A_217, %jit3A_218, %jit3A_215 : i32
      %rem3A_220 = arith.remsi %add3A_190, %select_n3A_219 : i32
      %ne3A_221 = arith.constant 0 : i32
      %ne3A_222 = arith.cmpi ne, %rem3A_220, %ne3A_221 : i32
      %lt3A_223 = arith.constant 0 : i32
      %lt3A_224 = arith.cmpi slt, %rem3A_220, %lt3A_223 : i32
      %lt3A_225 = arith.constant 0 : i32
      %lt3A_226 = arith.cmpi slt, %select_n3A_219, %lt3A_225 : i32
      %ne3A_227 = arith.xori %lt3A_224, %lt3A_226 : i1
      %and3A_228 = arith.andi %ne3A_227, %ne3A_222 : i1
      %add3A_229 = arith.addi %rem3A_220, %select_n3A_219 : i32
      %select_n3A_230 = arith.select %and3A_228, %add3A_229, %rem3A_220 : i32
      %mul3A_231 = arith.constant 128 : i32
      %mul3A_232 = arith.muli %select_n3A_230, %mul3A_231 : i32
      %scan3A_233 = arith.constant 0 : i32
      %scan3A_234 = arith.constant 8 : i32
      %scan3A_235 = arith.addi %scan3A_233, %scan3A_234 : i32
      %scan3A_236 = arith.constant 1 : i32
      scf.for %scan3A_242 = %scan3A_233 to %scan3A_235 step %scan3A_236  : i32 {
        %mul3A_243 = arith.constant 1 : i32
        %mul3A_244 = arith.muli %scan3A_242, %mul3A_243 : i32
        %add3A_245 = arith.constant 0 : i32
        %add3A_246 = arith.addi %add3A_245, %mul3A_244 : i32
        %mul3A_247 = arith.constant 16 : i32
        %mul3A_248 = arith.muli %add3A_246, %mul3A_247 : i32
        %add3A_249 = vector.broadcast %mul3A_248 : i32 to vector<16xi32>
        %add3A_250 = arith.addi %add3A_249, %iota3A : vector<16xi32>
        %mul3A_251 = arith.constant 128 : i32
        %mul3A_252 = arith.muli %add3A_189, %mul3A_251 : i32
        %mul3A_253 = arith.constant 16 : i32
        %mul3A_254 = arith.muli %add3A_246, %mul3A_253 : i32
        %add3A_255 = arith.addi %mul3A_252, %mul3A_254 : i32
        %get3A = arith.index_cast %add3A_255 : i32 to index
        %get3A_256 = tpu.vector_load %arg7[%get3A] {strides = array<i32>} : memref<3328xi32, #tpu.memory_space<vmem>>, vector<16xi32>,
        %add3A_257 = arith.constant 0 : i32
        %add3A_258 = vector.broadcast %add3A_257 : i32 to vector<16xi32>
        %add3A_259 = arith.addi %get3A_256, %add3A_258 : vector<16xi32>
        %gather3A = tpu.vector_load_idx %arg9[%add3A_250, %add3A_259] : memref<128x128xf32, #tpu.memory_space<vmem>>[vector<16xi32>, vector<16xi32>], vector<16xf32>,
        %broadcast_in_dim3A = arith.constant 0 : i32
        %broadcast_in_dim3A_260 = vector.broadcast %broadcast_in_dim3A : i32 to vector<16xi32>
        tpu.vector_store_idx %arg10[%broadcast_in_dim3A_260, %add3A_250], %gather3A : memref<32x128xf32, #tpu.memory_space<vmem>>[vector<16xi32>, vector<16xi32>], vector<16xf32>,
        %add3A_261 = arith.constant 1 : i32
        %add3A_262 = vector.broadcast %add3A_261 : i32 to vector<16xi32>
        %add3A_263 = arith.addi %get3A_256, %add3A_262 : vector<16xi32>
        %gather3A_264 = tpu.vector_load_idx %arg9[%add3A_250, %add3A_263] : memref<128x128xf32, #tpu.memory_space<vmem>>[vector<16xi32>, vector<16xi32>], vector<16xf32>,
        %broadcast_in_dim3A_265 = arith.constant 1 : i32
        %broadcast_in_dim3A_266 = vector.broadcast %broadcast_in_dim3A_265 : i32 to vector<16xi32>
        tpu.vector_store_idx %arg10[%broadcast_in_dim3A_266, %add3A_250], %gather3A_264 : memref<32x128xf32, #tpu.memory_space<vmem>>[vector<16xi32>, vector<16xi32>], vector<16xf32>,
        %add3A_267 = arith.constant 2 : i32
        %add3A_268 = vector.broadcast %add3A_267 : i32 to vector<16xi32>
        %add3A_269 = arith.addi %get3A_256, %add3A_268 : vector<16xi32>
        %gather3A_270 = tpu.vector_load_idx %arg9[%add3A_250, %add3A_269] : memref<128x128xf32, #tpu.memory_space<vmem>>[vector<16xi32>, vector<16xi32>], vector<16xf32>,
        %broadcast_in_dim3A_271 = arith.constant 2 : i32
        %broadcast_in_dim3A_272 = vector.broadcast %broadcast_in_dim3A_271 : i32 to vector<16xi32>
        tpu.vector_store_idx %arg10[%broadcast_in_dim3A_272, %add3A_250], %gather3A_270 : memref<32x128xf32, #tpu.memory_space<vmem>>[vector<16xi32>, vector<16xi32>], vector<16xf32>,
        %add3A_273 = arith.constant 3 : i32
        %add3A_274 = vector.broadcast %add3A_273 : i32 to vector<16xi32>
        %add3A_275 = arith.addi %get3A_256, %add3A_274 : vector<16xi32>
        %gather3A_276 = tpu.vector_load_idx %arg9[%add3A_250, %add3A_275] : memref<128x128xf32, #tpu.memory_space<vmem>>[vector<16xi32>, vector<16xi32>], vector<16xf32>,
        %broadcast_in_dim3A_277 = arith.constant 3 : i32
        %broadcast_in_dim3A_278 = vector.broadcast %broadcast_in_dim3A_277 : i32 to vector<16xi32>
        tpu.vector_store_idx %arg10[%broadcast_in_dim3A_278, %add3A_250], %gather3A_276 : memref<32x128xf32, #tpu.memory_space<vmem>>[vector<16xi32>, vector<16xi32>], vector<16xf32>,
        %add3A_279 = arith.constant 4 : i32
        %add3A_280 = vector.broadcast %add3A_279 : i32 to vector<16xi32>
        %add3A_281 = arith.addi %get3A_256, %add3A_280 : vector<16xi32>
        %gather3A_282 = tpu.vector_load_idx %arg9[%add3A_250, %add3A_281] : memref<128x128xf32, #tpu.memory_space<vmem>>[vector<16xi32>, vector<16xi32>], vector<16xf32>,
        %broadcast_in_dim3A_283 = arith.constant 4 : i32
        %broadcast_in_dim3A_284 = vector.broadcast %broadcast_in_dim3A_283 : i32 to vector<16xi32>
        tpu.vector_store_idx %arg10[%broadcast_in_dim3A_284, %add3A_250], %gather3A_282 : memref<32x128xf32, #tpu.memory_space<vmem>>[vector<16xi32>, vector<16xi32>], vector<16xf32>,
        %add3A_285 = arith.constant 5 : i32
        %add3A_286 = vector.broadcast %add3A_285 : i32 to vector<16xi32>
        %add3A_287 = arith.addi %get3A_256, %add3A_286 : vector<16xi32>
        %gather3A_288 = tpu.vector_load_idx %arg9[%add3A_250, %add3A_287] : memref<128x128xf32, #tpu.memory_space<vmem>>[vector<16xi32>, vector<16xi32>], vector<16xf32>,
        %broadcast_in_dim3A_289 = arith.constant 5 : i32
        %broadcast_in_dim3A_290 = vector.broadcast %broadcast_in_dim3A_289 : i32 to vector<16xi32>
        tpu.vector_store_idx %arg10[%broadcast_in_dim3A_290, %add3A_250], %gather3A_288 : memref<32x128xf32, #tpu.memory_space<vmem>>[vector<16xi32>, vector<16xi32>], vector<16xf32>,
        %add3A_291 = arith.constant 6 : i32
        %add3A_292 = vector.broadcast %add3A_291 : i32 to vector<16xi32>
        %add3A_293 = arith.addi %get3A_256, %add3A_292 : vector<16xi32>
        %gather3A_294 = tpu.vector_load_idx %arg9[%add3A_250, %add3A_293] : memref<128x128xf32, #tpu.memory_space<vmem>>[vector<16xi32>, vector<16xi32>], vector<16xf32>,
        %broadcast_in_dim3A_295 = arith.constant 6 : i32
        %broadcast_in_dim3A_296 = vector.broadcast %broadcast_in_dim3A_295 : i32 to vector<16xi32>
        tpu.vector_store_idx %arg10[%broadcast_in_dim3A_296, %add3A_250], %gather3A_294 : memref<32x128xf32, #tpu.memory_space<vmem>>[vector<16xi32>, vector<16xi32>], vector<16xf32>,
        %add3A_297 = arith.constant 7 : i32
        %add3A_298 = vector.broadcast %add3A_297 : i32 to vector<16xi32>
        %add3A_299 = arith.addi %get3A_256, %add3A_298 : vector<16xi32>
        %gather3A_300 = tpu.vector_load_idx %arg9[%add3A_250, %add3A_299] : memref<128x128xf32, #tpu.memory_space<vmem>>[vector<16xi32>, vector<16xi32>], vector<16xf32>,
        %broadcast_in_dim3A_301 = arith.constant 7 : i32
        %broadcast_in_dim3A_302 = vector.broadcast %broadcast_in_dim3A_301 : i32 to vector<16xi32>
        tpu.vector_store_idx %arg10[%broadcast_in_dim3A_302, %add3A_250], %gather3A_300 : memref<32x128xf32, #tpu.memory_space<vmem>>[vector<16xi32>, vector<16xi32>], vector<16xf32>,
        %add3A_303 = arith.constant 8 : i32
        %add3A_304 = vector.broadcast %add3A_303 : i32 to vector<16xi32>
        %add3A_305 = arith.addi %get3A_256, %add3A_304 : vector<16xi32>
        %gather3A_306 = tpu.vector_load_idx %arg9[%add3A_250, %add3A_305] : memref<128x128xf32, #tpu.memory_space<vmem>>[vector<16xi32>, vector<16xi32>], vector<16xf32>,
        %broadcast_in_dim3A_307 = arith.constant 8 : i32
        %broadcast_in_dim3A_308 = vector.broadcast %broadcast_in_dim3A_307 : i32 to vector<16xi32>
        tpu.vector_store_idx %arg10[%broadcast_in_dim3A_308, %add3A_250], %gather3A_306 : memref<32x128xf32, #tpu.memory_space<vmem>>[vector<16xi32>, vector<16xi32>], vector<16xf32>,
        %add3A_309 = arith.constant 9 : i32
        %add3A_310 = vector.broadcast %add3A_309 : i32 to vector<16xi32>
        %add3A_311 = arith.addi %get3A_256, %add3A_310 : vector<16xi32>
        %gather3A_312 = tpu.vector_load_idx %arg9[%add3A_250, %add3A_311] : memref<128x128xf32, #tpu.memory_space<vmem>>[vector<16xi32>, vector<16xi32>], vector<16xf32>,
        %broadcast_in_dim3A_313 = arith.constant 9 : i32
        %broadcast_in_dim3A_314 = vector.broadcast %broadcast_in_dim3A_313 : i32 to vector<16xi32>
        tpu.vector_store_idx %arg10[%broadcast_in_dim3A_314, %add3A_250], %gather3A_312 : memref<32x128xf32, #tpu.memory_space<vmem>>[vector<16xi32>, vector<16xi32>], vector<16xf32>,
        %add3A_315 = arith.constant 10 : i32
        %add3A_316 = vector.broadcast %add3A_315 : i32 to vector<16xi32>
        %add3A_317 = arith.addi %get3A_256, %add3A_316 : vector<16xi32>
        %gather3A_318 = tpu.vector_load_idx %arg9[%add3A_250, %add3A_317] : memref<128x128xf32, #tpu.memory_space<vmem>>[vector<16xi32>, vector<16xi32>], vector<16xf32>,
        %broadcast_in_dim3A_319 = arith.constant 10 : i32
        %broadcast_in_dim3A_320 = vector.broadcast %broadcast_in_dim3A_319 : i32 to vector<16xi32>
        tpu.vector_store_idx %arg10[%broadcast_in_dim3A_320, %add3A_250], %gather3A_318 : memref<32x128xf32, #tpu.memory_space<vmem>>[vector<16xi32>, vector<16xi32>], vector<16xf32>,
        %add3A_321 = arith.constant 11 : i32
        %add3A_322 = vector.broadcast %add3A_321 : i32 to vector<16xi32>
        %add3A_323 = arith.addi %get3A_256, %add3A_322 : vector<16xi32>
        %gather3A_324 = tpu.vector_load_idx %arg9[%add3A_250, %add3A_323] : memref<128x128xf32, #tpu.memory_space<vmem>>[vector<16xi32>, vector<16xi32>], vector<16xf32>,
        %broadcast_in_dim3A_325 = arith.constant 11 : i32
        %broadcast_in_dim3A_326 = vector.broadcast %broadcast_in_dim3A_325 : i32 to vector<16xi32>
        tpu.vector_store_idx %arg10[%broadcast_in_dim3A_326, %add3A_250], %gather3A_324 : memref<32x128xf32, #tpu.memory_space<vmem>>[vector<16xi32>, vector<16xi32>], vector<16xf32>,
        %add3A_327 = arith.constant 12 : i32
        %add3A_328 = vector.broadcast %add3A_327 : i32 to vector<16xi32>
        %add3A_329 = arith.addi %get3A_256, %add3A_328 : vector<16xi32>
        %gather3A_330 = tpu.vector_load_idx %arg9[%add3A_250, %add3A_329] : memref<128x128xf32, #tpu.memory_space<vmem>>[vector<16xi32>, vector<16xi32>], vector<16xf32>,
        %broadcast_in_dim3A_331 = arith.constant 12 : i32
        %broadcast_in_dim3A_332 = vector.broadcast %broadcast_in_dim3A_331 : i32 to vector<16xi32>
        tpu.vector_store_idx %arg10[%broadcast_in_dim3A_332, %add3A_250], %gather3A_330 : memref<32x128xf32, #tpu.memory_space<vmem>>[vector<16xi32>, vector<16xi32>], vector<16xf32>,
        %add3A_333 = arith.constant 13 : i32
        %add3A_334 = vector.broadcast %add3A_333 : i32 to vector<16xi32>
        %add3A_335 = arith.addi %get3A_256, %add3A_334 : vector<16xi32>
        %gather3A_336 = tpu.vector_load_idx %arg9[%add3A_250, %add3A_335] : memref<128x128xf32, #tpu.memory_space<vmem>>[vector<16xi32>, vector<16xi32>], vector<16xf32>,
        %broadcast_in_dim3A_337 = arith.constant 13 : i32
        %broadcast_in_dim3A_338 = vector.broadcast %broadcast_in_dim3A_337 : i32 to vector<16xi32>
        tpu.vector_store_idx %arg10[%broadcast_in_dim3A_338, %add3A_250], %gather3A_336 : memref<32x128xf32, #tpu.memory_space<vmem>>[vector<16xi32>, vector<16xi32>], vector<16xf32>,
        %add3A_339 = arith.constant 14 : i32
        %add3A_340 = vector.broadcast %add3A_339 : i32 to vector<16xi32>
        %add3A_341 = arith.addi %get3A_256, %add3A_340 : vector<16xi32>
        %gather3A_342 = tpu.vector_load_idx %arg9[%add3A_250, %add3A_341] : memref<128x128xf32, #tpu.memory_space<vmem>>[vector<16xi32>, vector<16xi32>], vector<16xf32>,
        %broadcast_in_dim3A_343 = arith.constant 14 : i32
        %broadcast_in_dim3A_344 = vector.broadcast %broadcast_in_dim3A_343 : i32 to vector<16xi32>
        tpu.vector_store_idx %arg10[%broadcast_in_dim3A_344, %add3A_250], %gather3A_342 : memref<32x128xf32, #tpu.memory_space<vmem>>[vector<16xi32>, vector<16xi32>], vector<16xf32>,
        %add3A_345 = arith.constant 15 : i32
        %add3A_346 = vector.broadcast %add3A_345 : i32 to vector<16xi32>
        %add3A_347 = arith.addi %get3A_256, %add3A_346 : vector<16xi32>
        %gather3A_348 = tpu.vector_load_idx %arg9[%add3A_250, %add3A_347] : memref<128x128xf32, #tpu.memory_space<vmem>>[vector<16xi32>, vector<16xi32>], vector<16xf32>,
        %broadcast_in_dim3A_349 = arith.constant 15 : i32
        %broadcast_in_dim3A_350 = vector.broadcast %broadcast_in_dim3A_349 : i32 to vector<16xi32>
        tpu.vector_store_idx %arg10[%broadcast_in_dim3A_350, %add3A_250], %gather3A_348 : memref<32x128xf32, #tpu.memory_space<vmem>>[vector<16xi32>, vector<16xi32>], vector<16xf32>,
        %add3A_351 = arith.constant 16 : i32
        %add3A_352 = vector.broadcast %add3A_351 : i32 to vector<16xi32>
        %add3A_353 = arith.addi %get3A_256, %add3A_352 : vector<16xi32>
        %gather3A_354 = tpu.vector_load_idx %arg9[%add3A_250, %add3A_353] : memref<128x128xf32, #tpu.memory_space<vmem>>[vector<16xi32>, vector<16xi32>], vector<16xf32>,
        %broadcast_in_dim3A_355 = arith.constant 16 : i32
        %broadcast_in_dim3A_356 = vector.broadcast %broadcast_in_dim3A_355 : i32 to vector<16xi32>
        tpu.vector_store_idx %arg10[%broadcast_in_dim3A_356, %add3A_250], %gather3A_354 : memref<32x128xf32, #tpu.memory_space<vmem>>[vector<16xi32>, vector<16xi32>], vector<16xf32>,
        %add3A_357 = arith.constant 17 : i32
        %add3A_358 = vector.broadcast %add3A_357 : i32 to vector<16xi32>
        %add3A_359 = arith.addi %get3A_256, %add3A_358 : vector<16xi32>
        %gather3A_360 = tpu.vector_load_idx %arg9[%add3A_250, %add3A_359] : memref<128x128xf32, #tpu.memory_space<vmem>>[vector<16xi32>, vector<16xi32>], vector<16xf32>,
        %broadcast_in_dim3A_361 = arith.constant 17 : i32
        %broadcast_in_dim3A_362 = vector.broadcast %broadcast_in_dim3A_361 : i32 to vector<16xi32>
        tpu.vector_store_idx %arg10[%broadcast_in_dim3A_362, %add3A_250], %gather3A_360 : memref<32x128xf32, #tpu.memory_space<vmem>>[vector<16xi32>, vector<16xi32>], vector<16xf32>,
        %add3A_363 = arith.constant 18 : i32
        %add3A_364 = vector.broadcast %add3A_363 : i32 to vector<16xi32>
        %add3A_365 = arith.addi %get3A_256, %add3A_364 : vector<16xi32>
        %gather3A_366 = tpu.vector_load_idx %arg9[%add3A_250, %add3A_365] : memref<128x128xf32, #tpu.memory_space<vmem>>[vector<16xi32>, vector<16xi32>], vector<16xf32>,
        %broadcast_in_dim3A_367 = arith.constant 18 : i32
        %broadcast_in_dim3A_368 = vector.broadcast %broadcast_in_dim3A_367 : i32 to vector<16xi32>
        tpu.vector_store_idx %arg10[%broadcast_in_dim3A_368, %add3A_250], %gather3A_366 : memref<32x128xf32, #tpu.memory_space<vmem>>[vector<16xi32>, vector<16xi32>], vector<16xf32>,
        %add3A_369 = arith.constant 19 : i32
        %add3A_370 = vector.broadcast %add3A_369 : i32 to vector<16xi32>
        %add3A_371 = arith.addi %get3A_256, %add3A_370 : vector<16xi32>
        %gather3A_372 = tpu.vector_load_idx %arg9[%add3A_250, %add3A_371] : memref<128x128xf32, #tpu.memory_space<vmem>>[vector<16xi32>, vector<16xi32>], vector<16xf32>,
        %broadcast_in_dim3A_373 = arith.constant 19 : i32
        %broadcast_in_dim3A_374 = vector.broadcast %broadcast_in_dim3A_373 : i32 to vector<16xi32>
        tpu.vector_store_idx %arg10[%broadcast_in_dim3A_374, %add3A_250], %gather3A_372 : memref<32x128xf32, #tpu.memory_space<vmem>>[vector<16xi32>, vector<16xi32>], vector<16xf32>,
        %add3A_375 = arith.constant 20 : i32
        %add3A_376 = vector.broadcast %add3A_375 : i32 to vector<16xi32>
        %add3A_377 = arith.addi %get3A_256, %add3A_376 : vector<16xi32>
        %gather3A_378 = tpu.vector_load_idx %arg9[%add3A_250, %add3A_377] : memref<128x128xf32, #tpu.memory_space<vmem>>[vector<16xi32>, vector<16xi32>], vector<16xf32>,
        %broadcast_in_dim3A_379 = arith.constant 20 : i32
        %broadcast_in_dim3A_380 = vector.broadcast %broadcast_in_dim3A_379 : i32 to vector<16xi32>
        tpu.vector_store_idx %arg10[%broadcast_in_dim3A_380, %add3A_250], %gather3A_378 : memref<32x128xf32, #tpu.memory_space<vmem>>[vector<16xi32>, vector<16xi32>], vector<16xf32>,
        %add3A_381 = arith.constant 21 : i32
        %add3A_382 = vector.broadcast %add3A_381 : i32 to vector<16xi32>
        %add3A_383 = arith.addi %get3A_256, %add3A_382 : vector<16xi32>
        %gather3A_384 = tpu.vector_load_idx %arg9[%add3A_250, %add3A_383] : memref<128x128xf32, #tpu.memory_space<vmem>>[vector<16xi32>, vector<16xi32>], vector<16xf32>,
        %broadcast_in_dim3A_385 = arith.constant 21 : i32
        %broadcast_in_dim3A_386 = vector.broadcast %broadcast_in_dim3A_385 : i32 to vector<16xi32>
        tpu.vector_store_idx %arg10[%broadcast_in_dim3A_386, %add3A_250], %gather3A_384 : memref<32x128xf32, #tpu.memory_space<vmem>>[vector<16xi32>, vector<16xi32>], vector<16xf32>,
        %add3A_387 = arith.constant 22 : i32
        %add3A_388 = vector.broadcast %add3A_387 : i32 to vector<16xi32>
        %add3A_389 = arith.addi %get3A_256, %add3A_388 : vector<16xi32>
        %gather3A_390 = tpu.vector_load_idx %arg9[%add3A_250, %add3A_389] : memref<128x128xf32, #tpu.memory_space<vmem>>[vector<16xi32>, vector<16xi32>], vector<16xf32>,
        %broadcast_in_dim3A_391 = arith.constant 22 : i32
        %broadcast_in_dim3A_392 = vector.broadcast %broadcast_in_dim3A_391 : i32 to vector<16xi32>
        tpu.vector_store_idx %arg10[%broadcast_in_dim3A_392, %add3A_250], %gather3A_390 : memref<32x128xf32, #tpu.memory_space<vmem>>[vector<16xi32>, vector<16xi32>], vector<16xf32>,
        %add3A_393 = arith.constant 23 : i32
        %add3A_394 = vector.broadcast %add3A_393 : i32 to vector<16xi32>
        %add3A_395 = arith.addi %get3A_256, %add3A_394 : vector<16xi32>
        %gather3A_396 = tpu.vector_load_idx %arg9[%add3A_250, %add3A_395] : memref<128x128xf32, #tpu.memory_space<vmem>>[vector<16xi32>, vector<16xi32>], vector<16xf32>,
        %broadcast_in_dim3A_397 = arith.constant 23 : i32
        %broadcast_in_dim3A_398 = vector.broadcast %broadcast_in_dim3A_397 : i32 to vector<16xi32>
        tpu.vector_store_idx %arg10[%broadcast_in_dim3A_398, %add3A_250], %gather3A_396 : memref<32x128xf32, #tpu.memory_space<vmem>>[vector<16xi32>, vector<16xi32>], vector<16xf32>,
        %add3A_399 = arith.constant 24 : i32
        %add3A_400 = vector.broadcast %add3A_399 : i32 to vector<16xi32>
        %add3A_401 = arith.addi %get3A_256, %add3A_400 : vector<16xi32>
        %gather3A_402 = tpu.vector_load_idx %arg9[%add3A_250, %add3A_401] : memref<128x128xf32, #tpu.memory_space<vmem>>[vector<16xi32>, vector<16xi32>], vector<16xf32>,
        %broadcast_in_dim3A_403 = arith.constant 24 : i32
        %broadcast_in_dim3A_404 = vector.broadcast %broadcast_in_dim3A_403 : i32 to vector<16xi32>
        tpu.vector_store_idx %arg10[%broadcast_in_dim3A_404, %add3A_250], %gather3A_402 : memref<32x128xf32, #tpu.memory_space<vmem>>[vector<16xi32>, vector<16xi32>], vector<16xf32>,
        %add3A_405 = arith.constant 25 : i32
        %add3A_406 = vector.broadcast %add3A_405 : i32 to vector<16xi32>
        %add3A_407 = arith.addi %get3A_256, %add3A_406 : vector<16xi32>
        %gather3A_408 = tpu.vector_load_idx %arg9[%add3A_250, %add3A_407] : memref<128x128xf32, #tpu.memory_space<vmem>>[vector<16xi32>, vector<16xi32>], vector<16xf32>,
        %broadcast_in_dim3A_409 = arith.constant 25 : i32
        %broadcast_in_dim3A_410 = vector.broadcast %broadcast_in_dim3A_409 : i32 to vector<16xi32>
        tpu.vector_store_idx %arg10[%broadcast_in_dim3A_410, %add3A_250], %gather3A_408 : memref<32x128xf32, #tpu.memory_space<vmem>>[vector<16xi32>, vector<16xi32>], vector<16xf32>,
        %add3A_411 = arith.constant 26 : i32
        %add3A_412 = vector.broadcast %add3A_411 : i32 to vector<16xi32>
        %add3A_413 = arith.addi %get3A_256, %add3A_412 : vector<16xi32>
        %gather3A_414 = tpu.vector_load_idx %arg9[%add3A_250, %add3A_413] : memref<128x128xf32, #tpu.memory_space<vmem>>[vector<16xi32>, vector<16xi32>], vector<16xf32>,
        %broadcast_in_dim3A_415 = arith.constant 26 : i32
        %broadcast_in_dim3A_416 = vector.broadcast %broadcast_in_dim3A_415 : i32 to vector<16xi32>
        tpu.vector_store_idx %arg10[%broadcast_in_dim3A_416, %add3A_250], %gather3A_414 : memref<32x128xf32, #tpu.memory_space<vmem>>[vector<16xi32>, vector<16xi32>], vector<16xf32>,
        %add3A_417 = arith.constant 27 : i32
        %add3A_418 = vector.broadcast %add3A_417 : i32 to vector<16xi32>
        %add3A_419 = arith.addi %get3A_256, %add3A_418 : vector<16xi32>
        %gather3A_420 = tpu.vector_load_idx %arg9[%add3A_250, %add3A_419] : memref<128x128xf32, #tpu.memory_space<vmem>>[vector<16xi32>, vector<16xi32>], vector<16xf32>,
        %broadcast_in_dim3A_421 = arith.constant 27 : i32
        %broadcast_in_dim3A_422 = vector.broadcast %broadcast_in_dim3A_421 : i32 to vector<16xi32>
        tpu.vector_store_idx %arg10[%broadcast_in_dim3A_422, %add3A_250], %gather3A_420 : memref<32x128xf32, #tpu.memory_space<vmem>>[vector<16xi32>, vector<16xi32>], vector<16xf32>,
        %add3A_423 = arith.constant 28 : i32
        %add3A_424 = vector.broadcast %add3A_423 : i32 to vector<16xi32>
        %add3A_425 = arith.addi %get3A_256, %add3A_424 : vector<16xi32>
        %gather3A_426 = tpu.vector_load_idx %arg9[%add3A_250, %add3A_425] : memref<128x128xf32, #tpu.memory_space<vmem>>[vector<16xi32>, vector<16xi32>], vector<16xf32>,
        %broadcast_in_dim3A_427 = arith.constant 28 : i32
        %broadcast_in_dim3A_428 = vector.broadcast %broadcast_in_dim3A_427 : i32 to vector<16xi32>
        tpu.vector_store_idx %arg10[%broadcast_in_dim3A_428, %add3A_250], %gather3A_426 : memref<32x128xf32, #tpu.memory_space<vmem>>[vector<16xi32>, vector<16xi32>], vector<16xf32>,
        %add3A_429 = arith.constant 29 : i32
        %add3A_430 = vector.broadcast %add3A_429 : i32 to vector<16xi32>
        %add3A_431 = arith.addi %get3A_256, %add3A_430 : vector<16xi32>
        %gather3A_432 = tpu.vector_load_idx %arg9[%add3A_250, %add3A_431] : memref<128x128xf32, #tpu.memory_space<vmem>>[vector<16xi32>, vector<16xi32>], vector<16xf32>,
        %broadcast_in_dim3A_433 = arith.constant 29 : i32
        %broadcast_in_dim3A_434 = vector.broadcast %broadcast_in_dim3A_433 : i32 to vector<16xi32>
        tpu.vector_store_idx %arg10[%broadcast_in_dim3A_434, %add3A_250], %gather3A_432 : memref<32x128xf32, #tpu.memory_space<vmem>>[vector<16xi32>, vector<16xi32>], vector<16xf32>,
        %add3A_435 = arith.constant 30 : i32
        %add3A_436 = vector.broadcast %add3A_435 : i32 to vector<16xi32>
        %add3A_437 = arith.addi %get3A_256, %add3A_436 : vector<16xi32>
        %gather3A_438 = tpu.vector_load_idx %arg9[%add3A_250, %add3A_437] : memref<128x128xf32, #tpu.memory_space<vmem>>[vector<16xi32>, vector<16xi32>], vector<16xf32>,
        %broadcast_in_dim3A_439 = arith.constant 30 : i32
        %broadcast_in_dim3A_440 = vector.broadcast %broadcast_in_dim3A_439 : i32 to vector<16xi32>
        tpu.vector_store_idx %arg10[%broadcast_in_dim3A_440, %add3A_250], %gather3A_438 : memref<32x128xf32, #tpu.memory_space<vmem>>[vector<16xi32>, vector<16xi32>], vector<16xf32>,
        %add3A_441 = arith.constant 31 : i32
        %add3A_442 = vector.broadcast %add3A_441 : i32 to vector<16xi32>
        %add3A_443 = arith.addi %get3A_256, %add3A_442 : vector<16xi32>
        %gather3A_444 = tpu.vector_load_idx %arg9[%add3A_250, %add3A_443] : memref<128x128xf32, #tpu.memory_space<vmem>>[vector<16xi32>, vector<16xi32>], vector<16xf32>,
        %broadcast_in_dim3A_445 = arith.constant 31 : i32
        %broadcast_in_dim3A_446 = vector.broadcast %broadcast_in_dim3A_445 : i32 to vector<16xi32>
        tpu.vector_store_idx %arg10[%broadcast_in_dim3A_446, %add3A_250], %gather3A_444 : memref<32x128xf32, #tpu.memory_space<vmem>>[vector<16xi32>, vector<16xi32>], vector<16xf32>,
      }
      %scan3A_237 = arith.constant 8 : i32
      "tpu.region"() ({
        %run_scoped3A = tpu.sem_alloc : memref<!tpu.dma_semaphore, #tpu.memory_space<semaphore_mem>>
        %dma_start3A_242 = arith.constant 0 : i32
        %dma_start3A_243 = tpu.memref_slice %arg5[%select_n3A_214, %dma_start3A_242, %mul3A_232] : memref<26x32x4096xf32, #tpu.memory_space<hbm>> -> memref<1x32x128xf32, #tpu.memory_space<hbm>>
        %dma_start3A_244 = tpu.memref_squeeze %dma_start3A_243 : memref<1x32x128xf32, #tpu.memory_space<hbm>> -> memref<32x128xf32, #tpu.memory_space<hbm>>
        %dma_start3A_245 = arith.constant 0 : i32
        %dma_start3A_246 = tpu.memref_slice %arg5[%select_n3A_214, %dma_start3A_245, %mul3A_232] : memref<26x32x4096xf32, #tpu.memory_space<hbm>> -> memref<1x32x128xf32, #tpu.memory_space<hbm>>
        %dma_start3A_247 = tpu.memref_squeeze %dma_start3A_246 : memref<1x32x128xf32, #tpu.memory_space<hbm>> -> memref<32x128xf32, #tpu.memory_space<hbm>>
        tpu.enqueue_dma source(%arg10 : memref<32x128xf32, #tpu.memory_space<vmem>>) target(%dma_start3A_247 : memref<32x128xf32, #tpu.memory_space<hbm>>) target_semaphore(%run_scoped3A : memref<!tpu.dma_semaphore, #tpu.memory_space<semaphore_mem>>)
        %dma_wait3A_248 = arith.constant 0 : i32
        %dma_wait3A_249 = tpu.memref_slice %arg5[%select_n3A_214, %dma_wait3A_248, %mul3A_232] : memref<26x32x4096xf32, #tpu.memory_space<hbm>> -> memref<1x32x128xf32, #tpu.memory_space<hbm>>
        %dma_wait3A_250 = tpu.memref_squeeze %dma_wait3A_249 : memref<1x32x128xf32, #tpu.memory_space<hbm>> -> memref<32x128xf32, #tpu.memory_space<hbm>>
        %dma_wait3A_251 = arith.constant 0 : i32
        %dma_wait3A_252 = tpu.memref_slice %arg5[%select_n3A_214, %dma_wait3A_251, %mul3A_232] : memref<26x32x4096xf32, #tpu.memory_space<hbm>> -> memref<1x32x128xf32, #tpu.memory_space<hbm>>
        %dma_wait3A_253 = tpu.memref_squeeze %dma_wait3A_252 : memref<1x32x128xf32, #tpu.memory_space<hbm>> -> memref<32x128xf32, #tpu.memory_space<hbm>>
        tpu.wait_dma2 semaphore(%run_scoped3A : memref<!tpu.dma_semaphore, #tpu.memory_space<semaphore_mem>>) src(%arg10 : memref<32x128xf32, #tpu.memory_space<vmem>>) dst(%dma_wait3A_253 : memref<32x128xf32, #tpu.memory_space<hbm>>)
        tpu.yield
      }) : () -> ()
      %dma_wait3A_238 = tpu.memref_slice %arg6[%mul3A_183] : memref<3328xi32, #tpu.memory_space<vmem>> -> memref<128xi32, #tpu.memory_space<vmem>>
      %dma_wait3A_239 = arith.constant 0 : i32
      %dma_wait3A_240 = arith.constant 0 : i32
      %dma_wait3A_241 = tpu.memref_slice %arg2[%dma_wait3A_239, %dma_wait3A_240] : memref<665600x128xf32, #tpu.memory_space<hbm>> -> memref<665600x128xf32, #tpu.memory_space<hbm>>
      tpu.wait_indirect_dma semaphore(%arg11 : memref<!tpu.dma_semaphore, #tpu.memory_space<semaphore_mem>>) src(%dma_wait3A_241 : memref<665600x128xf32, #tpu.memory_space<hbm>>) dst(%arg8 : memref<128x128xf32, #tpu.memory_space<vmem>>)
    }
    %scan3A_16 = arith.constant 12 : i32
    %dma_start3A_17 = arith.constant 3200 : i32
    %dma_start3A_18 = tpu.memref_slice %arg6[%dma_start3A_17] : memref<3328xi32, #tpu.memory_space<vmem>> -> memref<128xi32, #tpu.memory_space<vmem>>
    %dma_start3A_19 = arith.constant 0 : i32
    %dma_start3A_20 = arith.constant 0 : i32
    %dma_start3A_21 = tpu.memref_slice %arg2[%dma_start3A_19, %dma_start3A_20] : memref<665600x128xf32, #tpu.memory_space<hbm>> -> memref<665600x128xf32, #tpu.memory_space<hbm>>
    tpu.enqueue_indirect_dma source(%dma_start3A_21 : memref<665600x128xf32, #tpu.memory_space<hbm>>) target(%arg9 : memref<128x128xf32, #tpu.memory_space<vmem>>) offsets(%dma_start3A_18 : memref<128xi32, #tpu.memory_space<vmem>>) semaphore(%arg12 : memref<!tpu.dma_semaphore, #tpu.memory_space<semaphore_mem>>)
    %add3A_22 = arith.constant 24 : i32
    %add3A_23 = arith.addi %mul3A_2, %add3A_22 : i32
    %jit3A = arith.constant 32 : i32
    %div3A = arith.divsi %add3A_23, %jit3A : i32
    %sign3A = arith.constant 0 : i32
    %sign3A_24 = arith.cmpi sgt, %add3A_23, %sign3A : i32
    %sign3A_25 = arith.extui %sign3A_24 : i1 to i32
    %sign3A_26 = arith.constant 0 : i32
    %sign3A_27 = arith.cmpi slt, %add3A_23, %sign3A_26 : i32
    %sign3A_28 = arith.extui %sign3A_27 : i1 to i32
    %sign3A_29 = arith.subi %sign3A_25, %sign3A_28 : i32
    %sign3A_30 = arith.constant 0 : i32
    %sign3A_31 = arith.cmpi sgt, %jit3A, %sign3A_30 : i32
    %sign3A_32 = arith.extui %sign3A_31 : i1 to i32
    %sign3A_33 = arith.constant 0 : i32
    %sign3A_34 = arith.cmpi slt, %jit3A, %sign3A_33 : i32
    %sign3A_35 = arith.extui %sign3A_34 : i1 to i32
    %sign3A_36 = arith.subi %sign3A_32, %sign3A_35 : i32
    %ne3A = arith.cmpi ne, %sign3A_29, %sign3A_36 : i32
    %rem3A = arith.remsi %add3A_23, %jit3A : i32
    %ne3A_37 = arith.constant 0 : i32
    %ne3A_38 = arith.cmpi ne, %rem3A, %ne3A_37 : i32
    %and3A = arith.andi %ne3A, %ne3A_38 : i1
    %sub3A = arith.constant 1 : i32
    %sub3A_39 = arith.subi %div3A, %sub3A : i32
    %select_n3A = arith.select %and3A, %sub3A_39, %div3A : i32
    %jit3A_40 = arith.constant 32 : i32
    %eq3A = arith.constant 0 : i32
    %eq3A_41 = arith.cmpi eq, %jit3A_40, %eq3A : i32
    %jit3A_42 = arith.constant 1 : i32
    %select_n3A_43 = arith.select %eq3A_41, %jit3A_42, %jit3A_40 : i32
    %rem3A_44 = arith.remsi %add3A_23, %select_n3A_43 : i32
    %ne3A_45 = arith.constant 0 : i32
    %ne3A_46 = arith.cmpi ne, %rem3A_44, %ne3A_45 : i32
    %lt3A = arith.constant 0 : i32
    %lt3A_47 = arith.cmpi slt, %rem3A_44, %lt3A : i32
    %lt3A_48 = arith.constant 0 : i32
    %lt3A_49 = arith.cmpi slt, %select_n3A_43, %lt3A_48 : i32
    %ne3A_50 = arith.xori %lt3A_47, %lt3A_49 : i1
    %and3A_51 = arith.andi %ne3A_50, %ne3A_46 : i1
    %add3A_52 = arith.addi %rem3A_44, %select_n3A_43 : i32
    %select_n3A_53 = arith.select %and3A_51, %add3A_52, %rem3A_44 : i32
    %mul3A_54 = arith.constant 128 : i32
    %mul3A_55 = arith.muli %select_n3A_53, %mul3A_54 : i32
    %scan3A_56 = arith.constant 0 : i32
    %scan3A_57 = arith.constant 8 : i32
    %scan3A_58 = arith.addi %scan3A_56, %scan3A_57 : i32
    %scan3A_59 = arith.constant 1 : i32
    scf.for %scan3A_115 = %scan3A_56 to %scan3A_58 step %scan3A_59  : i32 {
      %mul3A_116 = arith.constant 1 : i32
      %mul3A_117 = arith.muli %scan3A_115, %mul3A_116 : i32
      %add3A_118 = arith.constant 0 : i32
      %add3A_119 = arith.addi %add3A_118, %mul3A_117 : i32
      %mul3A_120 = arith.constant 16 : i32
      %mul3A_121 = arith.muli %add3A_119, %mul3A_120 : i32
      %add3A_122 = vector.broadcast %mul3A_121 : i32 to vector<16xi32>
      %add3A_123 = arith.addi %add3A_122, %iota3A : vector<16xi32>
      %mul3A_124 = arith.constant 16 : i32
      %mul3A_125 = arith.muli %add3A_119, %mul3A_124 : i32
      %add3A_126 = arith.constant 3072 : i32
      %add3A_127 = arith.addi %add3A_126, %mul3A_125 : i32
      %get3A = arith.index_cast %add3A_127 : i32 to index
      %get3A_128 = tpu.vector_load %arg7[%get3A] {strides = array<i32>} : memref<3328xi32, #tpu.memory_space<vmem>>, vector<16xi32>,
      %add3A_129 = arith.constant 0 : i32
      %add3A_130 = vector.broadcast %add3A_129 : i32 to vector<16xi32>
      %add3A_131 = arith.addi %get3A_128, %add3A_130 : vector<16xi32>
      %gather3A = tpu.vector_load_idx %arg8[%add3A_123, %add3A_131] : memref<128x128xf32, #tpu.memory_space<vmem>>[vector<16xi32>, vector<16xi32>], vector<16xf32>,
      %broadcast_in_dim3A = arith.constant 0 : i32
      %broadcast_in_dim3A_132 = vector.broadcast %broadcast_in_dim3A : i32 to vector<16xi32>
      tpu.vector_store_idx %arg10[%broadcast_in_dim3A_132, %add3A_123], %gather3A : memref<32x128xf32, #tpu.memory_space<vmem>>[vector<16xi32>, vector<16xi32>], vector<16xf32>,
      %add3A_133 = arith.constant 1 : i32
      %add3A_134 = vector.broadcast %add3A_133 : i32 to vector<16xi32>
      %add3A_135 = arith.addi %get3A_128, %add3A_134 : vector<16xi32>
      %gather3A_136 = tpu.vector_load_idx %arg8[%add3A_123, %add3A_135] : memref<128x128xf32, #tpu.memory_space<vmem>>[vector<16xi32>, vector<16xi32>], vector<16xf32>,
      %broadcast_in_dim3A_137 = arith.constant 1 : i32
      %broadcast_in_dim3A_138 = vector.broadcast %broadcast_in_dim3A_137 : i32 to vector<16xi32>
      tpu.vector_store_idx %arg10[%broadcast_in_dim3A_138, %add3A_123], %gather3A_136 : memref<32x128xf32, #tpu.memory_space<vmem>>[vector<16xi32>, vector<16xi32>], vector<16xf32>,
      %add3A_139 = arith.constant 2 : i32
      %add3A_140 = vector.broadcast %add3A_139 : i32 to vector<16xi32>
      %add3A_141 = arith.addi %get3A_128, %add3A_140 : vector<16xi32>
      %gather3A_142 = tpu.vector_load_idx %arg8[%add3A_123, %add3A_141] : memref<128x128xf32, #tpu.memory_space<vmem>>[vector<16xi32>, vector<16xi32>], vector<16xf32>,
      %broadcast_in_dim3A_143 = arith.constant 2 : i32
      %broadcast_in_dim3A_144 = vector.broadcast %broadcast_in_dim3A_143 : i32 to vector<16xi32>
      tpu.vector_store_idx %arg10[%broadcast_in_dim3A_144, %add3A_123], %gather3A_142 : memref<32x128xf32, #tpu.memory_space<vmem>>[vector<16xi32>, vector<16xi32>], vector<16xf32>,
      %add3A_145 = arith.constant 3 : i32
      %add3A_146 = vector.broadcast %add3A_145 : i32 to vector<16xi32>
      %add3A_147 = arith.addi %get3A_128, %add3A_146 : vector<16xi32>
      %gather3A_148 = tpu.vector_load_idx %arg8[%add3A_123, %add3A_147] : memref<128x128xf32, #tpu.memory_space<vmem>>[vector<16xi32>, vector<16xi32>], vector<16xf32>,
      %broadcast_in_dim3A_149 = arith.constant 3 : i32
      %broadcast_in_dim3A_150 = vector.broadcast %broadcast_in_dim3A_149 : i32 to vector<16xi32>
      tpu.vector_store_idx %arg10[%broadcast_in_dim3A_150, %add3A_123], %gather3A_148 : memref<32x128xf32, #tpu.memory_space<vmem>>[vector<16xi32>, vector<16xi32>], vector<16xf32>,
      %add3A_151 = arith.constant 4 : i32
      %add3A_152 = vector.broadcast %add3A_151 : i32 to vector<16xi32>
      %add3A_153 = arith.addi %get3A_128, %add3A_152 : vector<16xi32>
      %gather3A_154 = tpu.vector_load_idx %arg8[%add3A_123, %add3A_153] : memref<128x128xf32, #tpu.memory_space<vmem>>[vector<16xi32>, vector<16xi32>], vector<16xf32>,
      %broadcast_in_dim3A_155 = arith.constant 4 : i32
      %broadcast_in_dim3A_156 = vector.broadcast %broadcast_in_dim3A_155 : i32 to vector<16xi32>
      tpu.vector_store_idx %arg10[%broadcast_in_dim3A_156, %add3A_123], %gather3A_154 : memref<32x128xf32, #tpu.memory_space<vmem>>[vector<16xi32>, vector<16xi32>], vector<16xf32>,
      %add3A_157 = arith.constant 5 : i32
      %add3A_158 = vector.broadcast %add3A_157 : i32 to vector<16xi32>
      %add3A_159 = arith.addi %get3A_128, %add3A_158 : vector<16xi32>
      %gather3A_160 = tpu.vector_load_idx %arg8[%add3A_123, %add3A_159] : memref<128x128xf32, #tpu.memory_space<vmem>>[vector<16xi32>, vector<16xi32>], vector<16xf32>,
      %broadcast_in_dim3A_161 = arith.constant 5 : i32
      %broadcast_in_dim3A_162 = vector.broadcast %broadcast_in_dim3A_161 : i32 to vector<16xi32>
      tpu.vector_store_idx %arg10[%broadcast_in_dim3A_162, %add3A_123], %gather3A_160 : memref<32x128xf32, #tpu.memory_space<vmem>>[vector<16xi32>, vector<16xi32>], vector<16xf32>,
      %add3A_163 = arith.constant 6 : i32
      %add3A_164 = vector.broadcast %add3A_163 : i32 to vector<16xi32>
      %add3A_165 = arith.addi %get3A_128, %add3A_164 : vector<16xi32>
      %gather3A_166 = tpu.vector_load_idx %arg8[%add3A_123, %add3A_165] : memref<128x128xf32, #tpu.memory_space<vmem>>[vector<16xi32>, vector<16xi32>], vector<16xf32>,
      %broadcast_in_dim3A_167 = arith.constant 6 : i32
      %broadcast_in_dim3A_168 = vector.broadcast %broadcast_in_dim3A_167 : i32 to vector<16xi32>
      tpu.vector_store_idx %arg10[%broadcast_in_dim3A_168, %add3A_123], %gather3A_166 : memref<32x128xf32, #tpu.memory_space<vmem>>[vector<16xi32>, vector<16xi32>], vector<16xf32>,
      %add3A_169 = arith.constant 7 : i32
      %add3A_170 = vector.broadcast %add3A_169 : i32 to vector<16xi32>
      %add3A_171 = arith.addi %get3A_128, %add3A_170 : vector<16xi32>
      %gather3A_172 = tpu.vector_load_idx %arg8[%add3A_123, %add3A_171] : memref<128x128xf32, #tpu.memory_space<vmem>>[vector<16xi32>, vector<16xi32>], vector<16xf32>,
      %broadcast_in_dim3A_173 = arith.constant 7 : i32
      %broadcast_in_dim3A_174 = vector.broadcast %broadcast_in_dim3A_173 : i32 to vector<16xi32>
      tpu.vector_store_idx %arg10[%broadcast_in_dim3A_174, %add3A_123], %gather3A_172 : memref<32x128xf32, #tpu.memory_space<vmem>>[vector<16xi32>, vector<16xi32>], vector<16xf32>,
      %add3A_175 = arith.constant 8 : i32
      %add3A_176 = vector.broadcast %add3A_175 : i32 to vector<16xi32>
      %add3A_177 = arith.addi %get3A_128, %add3A_176 : vector<16xi32>
      %gather3A_178 = tpu.vector_load_idx %arg8[%add3A_123, %add3A_177] : memref<128x128xf32, #tpu.memory_space<vmem>>[vector<16xi32>, vector<16xi32>], vector<16xf32>,
      %broadcast_in_dim3A_179 = arith.constant 8 : i32
      %broadcast_in_dim3A_180 = vector.broadcast %broadcast_in_dim3A_179 : i32 to vector<16xi32>
      tpu.vector_store_idx %arg10[%broadcast_in_dim3A_180, %add3A_123], %gather3A_178 : memref<32x128xf32, #tpu.memory_space<vmem>>[vector<16xi32>, vector<16xi32>], vector<16xf32>,
      %add3A_181 = arith.constant 9 : i32
      %add3A_182 = vector.broadcast %add3A_181 : i32 to vector<16xi32>
      %add3A_183 = arith.addi %get3A_128, %add3A_182 : vector<16xi32>
      %gather3A_184 = tpu.vector_load_idx %arg8[%add3A_123, %add3A_183] : memref<128x128xf32, #tpu.memory_space<vmem>>[vector<16xi32>, vector<16xi32>], vector<16xf32>,
      %broadcast_in_dim3A_185 = arith.constant 9 : i32
      %broadcast_in_dim3A_186 = vector.broadcast %broadcast_in_dim3A_185 : i32 to vector<16xi32>
      tpu.vector_store_idx %arg10[%broadcast_in_dim3A_186, %add3A_123], %gather3A_184 : memref<32x128xf32, #tpu.memory_space<vmem>>[vector<16xi32>, vector<16xi32>], vector<16xf32>,
      %add3A_187 = arith.constant 10 : i32
      %add3A_188 = vector.broadcast %add3A_187 : i32 to vector<16xi32>
      %add3A_189 = arith.addi %get3A_128, %add3A_188 : vector<16xi32>
      %gather3A_190 = tpu.vector_load_idx %arg8[%add3A_123, %add3A_189] : memref<128x128xf32, #tpu.memory_space<vmem>>[vector<16xi32>, vector<16xi32>], vector<16xf32>,
      %broadcast_in_dim3A_191 = arith.constant 10 : i32
      %broadcast_in_dim3A_192 = vector.broadcast %broadcast_in_dim3A_191 : i32 to vector<16xi32>
      tpu.vector_store_idx %arg10[%broadcast_in_dim3A_192, %add3A_123], %gather3A_190 : memref<32x128xf32, #tpu.memory_space<vmem>>[vector<16xi32>, vector<16xi32>], vector<16xf32>,
      %add3A_193 = arith.constant 11 : i32
      %add3A_194 = vector.broadcast %add3A_193 : i32 to vector<16xi32>
      %add3A_195 = arith.addi %get3A_128, %add3A_194 : vector<16xi32>
      %gather3A_196 = tpu.vector_load_idx %arg8[%add3A_123, %add3A_195] : memref<128x128xf32, #tpu.memory_space<vmem>>[vector<16xi32>, vector<16xi32>], vector<16xf32>,
      %broadcast_in_dim3A_197 = arith.constant 11 : i32
      %broadcast_in_dim3A_198 = vector.broadcast %broadcast_in_dim3A_197 : i32 to vector<16xi32>
      tpu.vector_store_idx %arg10[%broadcast_in_dim3A_198, %add3A_123], %gather3A_196 : memref<32x128xf32, #tpu.memory_space<vmem>>[vector<16xi32>, vector<16xi32>], vector<16xf32>,
      %add3A_199 = arith.constant 12 : i32
      %add3A_200 = vector.broadcast %add3A_199 : i32 to vector<16xi32>
      %add3A_201 = arith.addi %get3A_128, %add3A_200 : vector<16xi32>
      %gather3A_202 = tpu.vector_load_idx %arg8[%add3A_123, %add3A_201] : memref<128x128xf32, #tpu.memory_space<vmem>>[vector<16xi32>, vector<16xi32>], vector<16xf32>,
      %broadcast_in_dim3A_203 = arith.constant 12 : i32
      %broadcast_in_dim3A_204 = vector.broadcast %broadcast_in_dim3A_203 : i32 to vector<16xi32>
      tpu.vector_store_idx %arg10[%broadcast_in_dim3A_204, %add3A_123], %gather3A_202 : memref<32x128xf32, #tpu.memory_space<vmem>>[vector<16xi32>, vector<16xi32>], vector<16xf32>,
      %add3A_205 = arith.constant 13 : i32
      %add3A_206 = vector.broadcast %add3A_205 : i32 to vector<16xi32>
      %add3A_207 = arith.addi %get3A_128, %add3A_206 : vector<16xi32>
      %gather3A_208 = tpu.vector_load_idx %arg8[%add3A_123, %add3A_207] : memref<128x128xf32, #tpu.memory_space<vmem>>[vector<16xi32>, vector<16xi32>], vector<16xf32>,
      %broadcast_in_dim3A_209 = arith.constant 13 : i32
      %broadcast_in_dim3A_210 = vector.broadcast %broadcast_in_dim3A_209 : i32 to vector<16xi32>
      tpu.vector_store_idx %arg10[%broadcast_in_dim3A_210, %add3A_123], %gather3A_208 : memref<32x128xf32, #tpu.memory_space<vmem>>[vector<16xi32>, vector<16xi32>], vector<16xf32>,
      %add3A_211 = arith.constant 14 : i32
      %add3A_212 = vector.broadcast %add3A_211 : i32 to vector<16xi32>
      %add3A_213 = arith.addi %get3A_128, %add3A_212 : vector<16xi32>
      %gather3A_214 = tpu.vector_load_idx %arg8[%add3A_123, %add3A_213] : memref<128x128xf32, #tpu.memory_space<vmem>>[vector<16xi32>, vector<16xi32>], vector<16xf32>,
      %broadcast_in_dim3A_215 = arith.constant 14 : i32
      %broadcast_in_dim3A_216 = vector.broadcast %broadcast_in_dim3A_215 : i32 to vector<16xi32>
      tpu.vector_store_idx %arg10[%broadcast_in_dim3A_216, %add3A_123], %gather3A_214 : memref<32x128xf32, #tpu.memory_space<vmem>>[vector<16xi32>, vector<16xi32>], vector<16xf32>,
      %add3A_217 = arith.constant 15 : i32
      %add3A_218 = vector.broadcast %add3A_217 : i32 to vector<16xi32>
      %add3A_219 = arith.addi %get3A_128, %add3A_218 : vector<16xi32>
      %gather3A_220 = tpu.vector_load_idx %arg8[%add3A_123, %add3A_219] : memref<128x128xf32, #tpu.memory_space<vmem>>[vector<16xi32>, vector<16xi32>], vector<16xf32>,
      %broadcast_in_dim3A_221 = arith.constant 15 : i32
      %broadcast_in_dim3A_222 = vector.broadcast %broadcast_in_dim3A_221 : i32 to vector<16xi32>
      tpu.vector_store_idx %arg10[%broadcast_in_dim3A_222, %add3A_123], %gather3A_220 : memref<32x128xf32, #tpu.memory_space<vmem>>[vector<16xi32>, vector<16xi32>], vector<16xf32>,
      %add3A_223 = arith.constant 16 : i32
      %add3A_224 = vector.broadcast %add3A_223 : i32 to vector<16xi32>
      %add3A_225 = arith.addi %get3A_128, %add3A_224 : vector<16xi32>
      %gather3A_226 = tpu.vector_load_idx %arg8[%add3A_123, %add3A_225] : memref<128x128xf32, #tpu.memory_space<vmem>>[vector<16xi32>, vector<16xi32>], vector<16xf32>,
      %broadcast_in_dim3A_227 = arith.constant 16 : i32
      %broadcast_in_dim3A_228 = vector.broadcast %broadcast_in_dim3A_227 : i32 to vector<16xi32>
      tpu.vector_store_idx %arg10[%broadcast_in_dim3A_228, %add3A_123], %gather3A_226 : memref<32x128xf32, #tpu.memory_space<vmem>>[vector<16xi32>, vector<16xi32>], vector<16xf32>,
      %add3A_229 = arith.constant 17 : i32
      %add3A_230 = vector.broadcast %add3A_229 : i32 to vector<16xi32>
      %add3A_231 = arith.addi %get3A_128, %add3A_230 : vector<16xi32>
      %gather3A_232 = tpu.vector_load_idx %arg8[%add3A_123, %add3A_231] : memref<128x128xf32, #tpu.memory_space<vmem>>[vector<16xi32>, vector<16xi32>], vector<16xf32>,
      %broadcast_in_dim3A_233 = arith.constant 17 : i32
      %broadcast_in_dim3A_234 = vector.broadcast %broadcast_in_dim3A_233 : i32 to vector<16xi32>
      tpu.vector_store_idx %arg10[%broadcast_in_dim3A_234, %add3A_123], %gather3A_232 : memref<32x128xf32, #tpu.memory_space<vmem>>[vector<16xi32>, vector<16xi32>], vector<16xf32>,
      %add3A_235 = arith.constant 18 : i32
      %add3A_236 = vector.broadcast %add3A_235 : i32 to vector<16xi32>
      %add3A_237 = arith.addi %get3A_128, %add3A_236 : vector<16xi32>
      %gather3A_238 = tpu.vector_load_idx %arg8[%add3A_123, %add3A_237] : memref<128x128xf32, #tpu.memory_space<vmem>>[vector<16xi32>, vector<16xi32>], vector<16xf32>,
      %broadcast_in_dim3A_239 = arith.constant 18 : i32
      %broadcast_in_dim3A_240 = vector.broadcast %broadcast_in_dim3A_239 : i32 to vector<16xi32>
      tpu.vector_store_idx %arg10[%broadcast_in_dim3A_240, %add3A_123], %gather3A_238 : memref<32x128xf32, #tpu.memory_space<vmem>>[vector<16xi32>, vector<16xi32>], vector<16xf32>,
      %add3A_241 = arith.constant 19 : i32
      %add3A_242 = vector.broadcast %add3A_241 : i32 to vector<16xi32>
      %add3A_243 = arith.addi %get3A_128, %add3A_242 : vector<16xi32>
      %gather3A_244 = tpu.vector_load_idx %arg8[%add3A_123, %add3A_243] : memref<128x128xf32, #tpu.memory_space<vmem>>[vector<16xi32>, vector<16xi32>], vector<16xf32>,
      %broadcast_in_dim3A_245 = arith.constant 19 : i32
      %broadcast_in_dim3A_246 = vector.broadcast %broadcast_in_dim3A_245 : i32 to vector<16xi32>
      tpu.vector_store_idx %arg10[%broadcast_in_dim3A_246, %add3A_123], %gather3A_244 : memref<32x128xf32, #tpu.memory_space<vmem>>[vector<16xi32>, vector<16xi32>], vector<16xf32>,
      %add3A_247 = arith.constant 20 : i32
      %add3A_248 = vector.broadcast %add3A_247 : i32 to vector<16xi32>
      %add3A_249 = arith.addi %get3A_128, %add3A_248 : vector<16xi32>
      %gather3A_250 = tpu.vector_load_idx %arg8[%add3A_123, %add3A_249] : memref<128x128xf32, #tpu.memory_space<vmem>>[vector<16xi32>, vector<16xi32>], vector<16xf32>,
      %broadcast_in_dim3A_251 = arith.constant 20 : i32
      %broadcast_in_dim3A_252 = vector.broadcast %broadcast_in_dim3A_251 : i32 to vector<16xi32>
      tpu.vector_store_idx %arg10[%broadcast_in_dim3A_252, %add3A_123], %gather3A_250 : memref<32x128xf32, #tpu.memory_space<vmem>>[vector<16xi32>, vector<16xi32>], vector<16xf32>,
      %add3A_253 = arith.constant 21 : i32
      %add3A_254 = vector.broadcast %add3A_253 : i32 to vector<16xi32>
      %add3A_255 = arith.addi %get3A_128, %add3A_254 : vector<16xi32>
      %gather3A_256 = tpu.vector_load_idx %arg8[%add3A_123, %add3A_255] : memref<128x128xf32, #tpu.memory_space<vmem>>[vector<16xi32>, vector<16xi32>], vector<16xf32>,
      %broadcast_in_dim3A_257 = arith.constant 21 : i32
      %broadcast_in_dim3A_258 = vector.broadcast %broadcast_in_dim3A_257 : i32 to vector<16xi32>
      tpu.vector_store_idx %arg10[%broadcast_in_dim3A_258, %add3A_123], %gather3A_256 : memref<32x128xf32, #tpu.memory_space<vmem>>[vector<16xi32>, vector<16xi32>], vector<16xf32>,
      %add3A_259 = arith.constant 22 : i32
      %add3A_260 = vector.broadcast %add3A_259 : i32 to vector<16xi32>
      %add3A_261 = arith.addi %get3A_128, %add3A_260 : vector<16xi32>
      %gather3A_262 = tpu.vector_load_idx %arg8[%add3A_123, %add3A_261] : memref<128x128xf32, #tpu.memory_space<vmem>>[vector<16xi32>, vector<16xi32>], vector<16xf32>,
      %broadcast_in_dim3A_263 = arith.constant 22 : i32
      %broadcast_in_dim3A_264 = vector.broadcast %broadcast_in_dim3A_263 : i32 to vector<16xi32>
      tpu.vector_store_idx %arg10[%broadcast_in_dim3A_264, %add3A_123], %gather3A_262 : memref<32x128xf32, #tpu.memory_space<vmem>>[vector<16xi32>, vector<16xi32>], vector<16xf32>,
      %add3A_265 = arith.constant 23 : i32
      %add3A_266 = vector.broadcast %add3A_265 : i32 to vector<16xi32>
      %add3A_267 = arith.addi %get3A_128, %add3A_266 : vector<16xi32>
      %gather3A_268 = tpu.vector_load_idx %arg8[%add3A_123, %add3A_267] : memref<128x128xf32, #tpu.memory_space<vmem>>[vector<16xi32>, vector<16xi32>], vector<16xf32>,
      %broadcast_in_dim3A_269 = arith.constant 23 : i32
      %broadcast_in_dim3A_270 = vector.broadcast %broadcast_in_dim3A_269 : i32 to vector<16xi32>
      tpu.vector_store_idx %arg10[%broadcast_in_dim3A_270, %add3A_123], %gather3A_268 : memref<32x128xf32, #tpu.memory_space<vmem>>[vector<16xi32>, vector<16xi32>], vector<16xf32>,
      %add3A_271 = arith.constant 24 : i32
      %add3A_272 = vector.broadcast %add3A_271 : i32 to vector<16xi32>
      %add3A_273 = arith.addi %get3A_128, %add3A_272 : vector<16xi32>
      %gather3A_274 = tpu.vector_load_idx %arg8[%add3A_123, %add3A_273] : memref<128x128xf32, #tpu.memory_space<vmem>>[vector<16xi32>, vector<16xi32>], vector<16xf32>,
      %broadcast_in_dim3A_275 = arith.constant 24 : i32
      %broadcast_in_dim3A_276 = vector.broadcast %broadcast_in_dim3A_275 : i32 to vector<16xi32>
      tpu.vector_store_idx %arg10[%broadcast_in_dim3A_276, %add3A_123], %gather3A_274 : memref<32x128xf32, #tpu.memory_space<vmem>>[vector<16xi32>, vector<16xi32>], vector<16xf32>,
      %add3A_277 = arith.constant 25 : i32
      %add3A_278 = vector.broadcast %add3A_277 : i32 to vector<16xi32>
      %add3A_279 = arith.addi %get3A_128, %add3A_278 : vector<16xi32>
      %gather3A_280 = tpu.vector_load_idx %arg8[%add3A_123, %add3A_279] : memref<128x128xf32, #tpu.memory_space<vmem>>[vector<16xi32>, vector<16xi32>], vector<16xf32>,
      %broadcast_in_dim3A_281 = arith.constant 25 : i32
      %broadcast_in_dim3A_282 = vector.broadcast %broadcast_in_dim3A_281 : i32 to vector<16xi32>
      tpu.vector_store_idx %arg10[%broadcast_in_dim3A_282, %add3A_123], %gather3A_280 : memref<32x128xf32, #tpu.memory_space<vmem>>[vector<16xi32>, vector<16xi32>], vector<16xf32>,
      %add3A_283 = arith.constant 26 : i32
      %add3A_284 = vector.broadcast %add3A_283 : i32 to vector<16xi32>
      %add3A_285 = arith.addi %get3A_128, %add3A_284 : vector<16xi32>
      %gather3A_286 = tpu.vector_load_idx %arg8[%add3A_123, %add3A_285] : memref<128x128xf32, #tpu.memory_space<vmem>>[vector<16xi32>, vector<16xi32>], vector<16xf32>,
      %broadcast_in_dim3A_287 = arith.constant 26 : i32
      %broadcast_in_dim3A_288 = vector.broadcast %broadcast_in_dim3A_287 : i32 to vector<16xi32>
      tpu.vector_store_idx %arg10[%broadcast_in_dim3A_288, %add3A_123], %gather3A_286 : memref<32x128xf32, #tpu.memory_space<vmem>>[vector<16xi32>, vector<16xi32>], vector<16xf32>,
      %add3A_289 = arith.constant 27 : i32
      %add3A_290 = vector.broadcast %add3A_289 : i32 to vector<16xi32>
      %add3A_291 = arith.addi %get3A_128, %add3A_290 : vector<16xi32>
      %gather3A_292 = tpu.vector_load_idx %arg8[%add3A_123, %add3A_291] : memref<128x128xf32, #tpu.memory_space<vmem>>[vector<16xi32>, vector<16xi32>], vector<16xf32>,
      %broadcast_in_dim3A_293 = arith.constant 27 : i32
      %broadcast_in_dim3A_294 = vector.broadcast %broadcast_in_dim3A_293 : i32 to vector<16xi32>
      tpu.vector_store_idx %arg10[%broadcast_in_dim3A_294, %add3A_123], %gather3A_292 : memref<32x128xf32, #tpu.memory_space<vmem>>[vector<16xi32>, vector<16xi32>], vector<16xf32>,
      %add3A_295 = arith.constant 28 : i32
      %add3A_296 = vector.broadcast %add3A_295 : i32 to vector<16xi32>
      %add3A_297 = arith.addi %get3A_128, %add3A_296 : vector<16xi32>
      %gather3A_298 = tpu.vector_load_idx %arg8[%add3A_123, %add3A_297] : memref<128x128xf32, #tpu.memory_space<vmem>>[vector<16xi32>, vector<16xi32>], vector<16xf32>,
      %broadcast_in_dim3A_299 = arith.constant 28 : i32
      %broadcast_in_dim3A_300 = vector.broadcast %broadcast_in_dim3A_299 : i32 to vector<16xi32>
      tpu.vector_store_idx %arg10[%broadcast_in_dim3A_300, %add3A_123], %gather3A_298 : memref<32x128xf32, #tpu.memory_space<vmem>>[vector<16xi32>, vector<16xi32>], vector<16xf32>,
      %add3A_301 = arith.constant 29 : i32
      %add3A_302 = vector.broadcast %add3A_301 : i32 to vector<16xi32>
      %add3A_303 = arith.addi %get3A_128, %add3A_302 : vector<16xi32>
      %gather3A_304 = tpu.vector_load_idx %arg8[%add3A_123, %add3A_303] : memref<128x128xf32, #tpu.memory_space<vmem>>[vector<16xi32>, vector<16xi32>], vector<16xf32>,
      %broadcast_in_dim3A_305 = arith.constant 29 : i32
      %broadcast_in_dim3A_306 = vector.broadcast %broadcast_in_dim3A_305 : i32 to vector<16xi32>
      tpu.vector_store_idx %arg10[%broadcast_in_dim3A_306, %add3A_123], %gather3A_304 : memref<32x128xf32, #tpu.memory_space<vmem>>[vector<16xi32>, vector<16xi32>], vector<16xf32>,
      %add3A_307 = arith.constant 30 : i32
      %add3A_308 = vector.broadcast %add3A_307 : i32 to vector<16xi32>
      %add3A_309 = arith.addi %get3A_128, %add3A_308 : vector<16xi32>
      %gather3A_310 = tpu.vector_load_idx %arg8[%add3A_123, %add3A_309] : memref<128x128xf32, #tpu.memory_space<vmem>>[vector<16xi32>, vector<16xi32>], vector<16xf32>,
      %broadcast_in_dim3A_311 = arith.constant 30 : i32
      %broadcast_in_dim3A_312 = vector.broadcast %broadcast_in_dim3A_311 : i32 to vector<16xi32>
      tpu.vector_store_idx %arg10[%broadcast_in_dim3A_312, %add3A_123], %gather3A_310 : memref<32x128xf32, #tpu.memory_space<vmem>>[vector<16xi32>, vector<16xi32>], vector<16xf32>,
      %add3A_313 = arith.constant 31 : i32
      %add3A_314 = vector.broadcast %add3A_313 : i32 to vector<16xi32>
      %add3A_315 = arith.addi %get3A_128, %add3A_314 : vector<16xi32>
      %gather3A_316 = tpu.vector_load_idx %arg8[%add3A_123, %add3A_315] : memref<128x128xf32, #tpu.memory_space<vmem>>[vector<16xi32>, vector<16xi32>], vector<16xf32>,
      %broadcast_in_dim3A_317 = arith.constant 31 : i32
      %broadcast_in_dim3A_318 = vector.broadcast %broadcast_in_dim3A_317 : i32 to vector<16xi32>
      tpu.vector_store_idx %arg10[%broadcast_in_dim3A_318, %add3A_123], %gather3A_316 : memref<32x128xf32, #tpu.memory_space<vmem>>[vector<16xi32>, vector<16xi32>], vector<16xf32>,
    }
    %scan3A_60 = arith.constant 8 : i32
    "tpu.region"() ({
      %run_scoped3A = tpu.sem_alloc : memref<!tpu.dma_semaphore, #tpu.memory_space<semaphore_mem>>
      %dma_start3A_115 = arith.constant 0 : i32
      %dma_start3A_116 = tpu.memref_slice %arg5[%select_n3A, %dma_start3A_115, %mul3A_55] : memref<26x32x4096xf32, #tpu.memory_space<hbm>> -> memref<1x32x128xf32, #tpu.memory_space<hbm>>
      %dma_start3A_117 = tpu.memref_squeeze %dma_start3A_116 : memref<1x32x128xf32, #tpu.memory_space<hbm>> -> memref<32x128xf32, #tpu.memory_space<hbm>>
      %dma_start3A_118 = arith.constant 0 : i32
      %dma_start3A_119 = tpu.memref_slice %arg5[%select_n3A, %dma_start3A_118, %mul3A_55] : memref<26x32x4096xf32, #tpu.memory_space<hbm>> -> memref<1x32x128xf32, #tpu.memory_space<hbm>>
      %dma_start3A_120 = tpu.memref_squeeze %dma_start3A_119 : memref<1x32x128xf32, #tpu.memory_space<hbm>> -> memref<32x128xf32, #tpu.memory_space<hbm>>
      tpu.enqueue_dma source(%arg10 : memref<32x128xf32, #tpu.memory_space<vmem>>) target(%dma_start3A_120 : memref<32x128xf32, #tpu.memory_space<hbm>>) target_semaphore(%run_scoped3A : memref<!tpu.dma_semaphore, #tpu.memory_space<semaphore_mem>>)
      %dma_wait3A_121 = arith.constant 0 : i32
      %dma_wait3A_122 = tpu.memref_slice %arg5[%select_n3A, %dma_wait3A_121, %mul3A_55] : memref<26x32x4096xf32, #tpu.memory_space<hbm>> -> memref<1x32x128xf32, #tpu.memory_space<hbm>>
      %dma_wait3A_123 = tpu.memref_squeeze %dma_wait3A_122 : memref<1x32x128xf32, #tpu.memory_space<hbm>> -> memref<32x128xf32, #tpu.memory_space<hbm>>
      %dma_wait3A_124 = arith.constant 0 : i32
      %dma_wait3A_125 = tpu.memref_slice %arg5[%select_n3A, %dma_wait3A_124, %mul3A_55] : memref<26x32x4096xf32, #tpu.memory_space<hbm>> -> memref<1x32x128xf32, #tpu.memory_space<hbm>>
      %dma_wait3A_126 = tpu.memref_squeeze %dma_wait3A_125 : memref<1x32x128xf32, #tpu.memory_space<hbm>> -> memref<32x128xf32, #tpu.memory_space<hbm>>
      tpu.wait_dma2 semaphore(%run_scoped3A : memref<!tpu.dma_semaphore, #tpu.memory_space<semaphore_mem>>) src(%arg10 : memref<32x128xf32, #tpu.memory_space<vmem>>) dst(%dma_wait3A_126 : memref<32x128xf32, #tpu.memory_space<hbm>>)
      tpu.yield
    }) : () -> ()
    %dma_wait3A_61 = arith.constant 3200 : i32
    %dma_wait3A_62 = tpu.memref_slice %arg6[%dma_wait3A_61] : memref<3328xi32, #tpu.memory_space<vmem>> -> memref<128xi32, #tpu.memory_space<vmem>>
    %dma_wait3A_63 = arith.constant 0 : i32
    %dma_wait3A_64 = arith.constant 0 : i32
    %dma_wait3A_65 = tpu.memref_slice %arg2[%dma_wait3A_63, %dma_wait3A_64] : memref<665600x128xf32, #tpu.memory_space<hbm>> -> memref<665600x128xf32, #tpu.memory_space<hbm>>
    tpu.wait_indirect_dma semaphore(%arg12 : memref<!tpu.dma_semaphore, #tpu.memory_space<semaphore_mem>>) src(%dma_wait3A_65 : memref<665600x128xf32, #tpu.memory_space<hbm>>) dst(%arg9 : memref<128x128xf32, #tpu.memory_space<vmem>>)
    %add3A_66 = arith.constant 25 : i32
    %add3A_67 = arith.addi %mul3A_2, %add3A_66 : i32
    %jit3A_68 = arith.constant 32 : i32
    %div3A_69 = arith.divsi %add3A_67, %jit3A_68 : i32
    %sign3A_70 = arith.constant 0 : i32
    %sign3A_71 = arith.cmpi sgt, %add3A_67, %sign3A_70 : i32
    %sign3A_72 = arith.extui %sign3A_71 : i1 to i32
    %sign3A_73 = arith.constant 0 : i32
    %sign3A_74 = arith.cmpi slt, %add3A_67, %sign3A_73 : i32
    %sign3A_75 = arith.extui %sign3A_74 : i1 to i32
    %sign3A_76 = arith.subi %sign3A_72, %sign3A_75 : i32
    %sign3A_77 = arith.constant 0 : i32
    %sign3A_78 = arith.cmpi sgt, %jit3A_68, %sign3A_77 : i32
    %sign3A_79 = arith.extui %sign3A_78 : i1 to i32
    %sign3A_80 = arith.constant 0 : i32
    %sign3A_81 = arith.cmpi slt, %jit3A_68, %sign3A_80 : i32
    %sign3A_82 = arith.extui %sign3A_81 : i1 to i32
    %sign3A_83 = arith.subi %sign3A_79, %sign3A_82 : i32
    %ne3A_84 = arith.cmpi ne, %sign3A_76, %sign3A_83 : i32
    %rem3A_85 = arith.remsi %add3A_67, %jit3A_68 : i32
    %ne3A_86 = arith.constant 0 : i32
    %ne3A_87 = arith.cmpi ne, %rem3A_85, %ne3A_86 : i32
    %and3A_88 = arith.andi %ne3A_84, %ne3A_87 : i1
    %sub3A_89 = arith.constant 1 : i32
    %sub3A_90 = arith.subi %div3A_69, %sub3A_89 : i32
    %select_n3A_91 = arith.select %and3A_88, %sub3A_90, %div3A_69 : i32
    %jit3A_92 = arith.constant 32 : i32
    %eq3A_93 = arith.constant 0 : i32
    %eq3A_94 = arith.cmpi eq, %jit3A_92, %eq3A_93 : i32
    %jit3A_95 = arith.constant 1 : i32
    %select_n3A_96 = arith.select %eq3A_94, %jit3A_95, %jit3A_92 : i32
    %rem3A_97 = arith.remsi %add3A_67, %select_n3A_96 : i32
    %ne3A_98 = arith.constant 0 : i32
    %ne3A_99 = arith.cmpi ne, %rem3A_97, %ne3A_98 : i32
    %lt3A_100 = arith.constant 0 : i32
    %lt3A_101 = arith.cmpi slt, %rem3A_97, %lt3A_100 : i32
    %lt3A_102 = arith.constant 0 : i32
    %lt3A_103 = arith.cmpi slt, %select_n3A_96, %lt3A_102 : i32
    %ne3A_104 = arith.xori %lt3A_101, %lt3A_103 : i1
    %and3A_105 = arith.andi %ne3A_104, %ne3A_99 : i1
    %add3A_106 = arith.addi %rem3A_97, %select_n3A_96 : i32
    %select_n3A_107 = arith.select %and3A_105, %add3A_106, %rem3A_97 : i32
    %mul3A_108 = arith.constant 128 : i32
    %mul3A_109 = arith.muli %select_n3A_107, %mul3A_108 : i32
    %scan3A_110 = arith.constant 0 : i32
    %scan3A_111 = arith.constant 8 : i32
    %scan3A_112 = arith.addi %scan3A_110, %scan3A_111 : i32
    %scan3A_113 = arith.constant 1 : i32
    scf.for %scan3A_115 = %scan3A_110 to %scan3A_112 step %scan3A_113  : i32 {
      %mul3A_116 = arith.constant 1 : i32
      %mul3A_117 = arith.muli %scan3A_115, %mul3A_116 : i32
      %add3A_118 = arith.constant 0 : i32
      %add3A_119 = arith.addi %add3A_118, %mul3A_117 : i32
      %mul3A_120 = arith.constant 16 : i32
      %mul3A_121 = arith.muli %add3A_119, %mul3A_120 : i32
      %add3A_122 = vector.broadcast %mul3A_121 : i32 to vector<16xi32>
      %add3A_123 = arith.addi %add3A_122, %iota3A : vector<16xi32>
      %mul3A_124 = arith.constant 16 : i32
      %mul3A_125 = arith.muli %add3A_119, %mul3A_124 : i32
      %add3A_126 = arith.constant 3200 : i32
      %add3A_127 = arith.addi %add3A_126, %mul3A_125 : i32
      %get3A = arith.index_cast %add3A_127 : i32 to index
      %get3A_128 = tpu.vector_load %arg7[%get3A] {strides = array<i32>} : memref<3328xi32, #tpu.memory_space<vmem>>, vector<16xi32>,
      %add3A_129 = arith.constant 0 : i32
      %add3A_130 = vector.broadcast %add3A_129 : i32 to vector<16xi32>
      %add3A_131 = arith.addi %get3A_128, %add3A_130 : vector<16xi32>
      %gather3A = tpu.vector_load_idx %arg9[%add3A_123, %add3A_131] : memref<128x128xf32, #tpu.memory_space<vmem>>[vector<16xi32>, vector<16xi32>], vector<16xf32>,
      %broadcast_in_dim3A = arith.constant 0 : i32
      %broadcast_in_dim3A_132 = vector.broadcast %broadcast_in_dim3A : i32 to vector<16xi32>
      tpu.vector_store_idx %arg10[%broadcast_in_dim3A_132, %add3A_123], %gather3A : memref<32x128xf32, #tpu.memory_space<vmem>>[vector<16xi32>, vector<16xi32>], vector<16xf32>,
      %add3A_133 = arith.constant 1 : i32
      %add3A_134 = vector.broadcast %add3A_133 : i32 to vector<16xi32>
      %add3A_135 = arith.addi %get3A_128, %add3A_134 : vector<16xi32>
      %gather3A_136 = tpu.vector_load_idx %arg9[%add3A_123, %add3A_135] : memref<128x128xf32, #tpu.memory_space<vmem>>[vector<16xi32>, vector<16xi32>], vector<16xf32>,
      %broadcast_in_dim3A_137 = arith.constant 1 : i32
      %broadcast_in_dim3A_138 = vector.broadcast %broadcast_in_dim3A_137 : i32 to vector<16xi32>
      tpu.vector_store_idx %arg10[%broadcast_in_dim3A_138, %add3A_123], %gather3A_136 : memref<32x128xf32, #tpu.memory_space<vmem>>[vector<16xi32>, vector<16xi32>], vector<16xf32>,
      %add3A_139 = arith.constant 2 : i32
      %add3A_140 = vector.broadcast %add3A_139 : i32 to vector<16xi32>
      %add3A_141 = arith.addi %get3A_128, %add3A_140 : vector<16xi32>
      %gather3A_142 = tpu.vector_load_idx %arg9[%add3A_123, %add3A_141] : memref<128x128xf32, #tpu.memory_space<vmem>>[vector<16xi32>, vector<16xi32>], vector<16xf32>,
      %broadcast_in_dim3A_143 = arith.constant 2 : i32
      %broadcast_in_dim3A_144 = vector.broadcast %broadcast_in_dim3A_143 : i32 to vector<16xi32>
      tpu.vector_store_idx %arg10[%broadcast_in_dim3A_144, %add3A_123], %gather3A_142 : memref<32x128xf32, #tpu.memory_space<vmem>>[vector<16xi32>, vector<16xi32>], vector<16xf32>,
      %add3A_145 = arith.constant 3 : i32
      %add3A_146 = vector.broadcast %add3A_145 : i32 to vector<16xi32>
      %add3A_147 = arith.addi %get3A_128, %add3A_146 : vector<16xi32>
      %gather3A_148 = tpu.vector_load_idx %arg9[%add3A_123, %add3A_147] : memref<128x128xf32, #tpu.memory_space<vmem>>[vector<16xi32>, vector<16xi32>], vector<16xf32>,
      %broadcast_in_dim3A_149 = arith.constant 3 : i32
      %broadcast_in_dim3A_150 = vector.broadcast %broadcast_in_dim3A_149 : i32 to vector<16xi32>
      tpu.vector_store_idx %arg10[%broadcast_in_dim3A_150, %add3A_123], %gather3A_148 : memref<32x128xf32, #tpu.memory_space<vmem>>[vector<16xi32>, vector<16xi32>], vector<16xf32>,
      %add3A_151 = arith.constant 4 : i32
      %add3A_152 = vector.broadcast %add3A_151 : i32 to vector<16xi32>
      %add3A_153 = arith.addi %get3A_128, %add3A_152 : vector<16xi32>
      %gather3A_154 = tpu.vector_load_idx %arg9[%add3A_123, %add3A_153] : memref<128x128xf32, #tpu.memory_space<vmem>>[vector<16xi32>, vector<16xi32>], vector<16xf32>,
      %broadcast_in_dim3A_155 = arith.constant 4 : i32
      %broadcast_in_dim3A_156 = vector.broadcast %broadcast_in_dim3A_155 : i32 to vector<16xi32>
      tpu.vector_store_idx %arg10[%broadcast_in_dim3A_156, %add3A_123], %gather3A_154 : memref<32x128xf32, #tpu.memory_space<vmem>>[vector<16xi32>, vector<16xi32>], vector<16xf32>,
      %add3A_157 = arith.constant 5 : i32
      %add3A_158 = vector.broadcast %add3A_157 : i32 to vector<16xi32>
      %add3A_159 = arith.addi %get3A_128, %add3A_158 : vector<16xi32>
      %gather3A_160 = tpu.vector_load_idx %arg9[%add3A_123, %add3A_159] : memref<128x128xf32, #tpu.memory_space<vmem>>[vector<16xi32>, vector<16xi32>], vector<16xf32>,
      %broadcast_in_dim3A_161 = arith.constant 5 : i32
      %broadcast_in_dim3A_162 = vector.broadcast %broadcast_in_dim3A_161 : i32 to vector<16xi32>
      tpu.vector_store_idx %arg10[%broadcast_in_dim3A_162, %add3A_123], %gather3A_160 : memref<32x128xf32, #tpu.memory_space<vmem>>[vector<16xi32>, vector<16xi32>], vector<16xf32>,
      %add3A_163 = arith.constant 6 : i32
      %add3A_164 = vector.broadcast %add3A_163 : i32 to vector<16xi32>
      %add3A_165 = arith.addi %get3A_128, %add3A_164 : vector<16xi32>
      %gather3A_166 = tpu.vector_load_idx %arg9[%add3A_123, %add3A_165] : memref<128x128xf32, #tpu.memory_space<vmem>>[vector<16xi32>, vector<16xi32>], vector<16xf32>,
      %broadcast_in_dim3A_167 = arith.constant 6 : i32
      %broadcast_in_dim3A_168 = vector.broadcast %broadcast_in_dim3A_167 : i32 to vector<16xi32>
      tpu.vector_store_idx %arg10[%broadcast_in_dim3A_168, %add3A_123], %gather3A_166 : memref<32x128xf32, #tpu.memory_space<vmem>>[vector<16xi32>, vector<16xi32>], vector<16xf32>,
      %add3A_169 = arith.constant 7 : i32
      %add3A_170 = vector.broadcast %add3A_169 : i32 to vector<16xi32>
      %add3A_171 = arith.addi %get3A_128, %add3A_170 : vector<16xi32>
      %gather3A_172 = tpu.vector_load_idx %arg9[%add3A_123, %add3A_171] : memref<128x128xf32, #tpu.memory_space<vmem>>[vector<16xi32>, vector<16xi32>], vector<16xf32>,
      %broadcast_in_dim3A_173 = arith.constant 7 : i32
      %broadcast_in_dim3A_174 = vector.broadcast %broadcast_in_dim3A_173 : i32 to vector<16xi32>
      tpu.vector_store_idx %arg10[%broadcast_in_dim3A_174, %add3A_123], %gather3A_172 : memref<32x128xf32, #tpu.memory_space<vmem>>[vector<16xi32>, vector<16xi32>], vector<16xf32>,
      %add3A_175 = arith.constant 8 : i32
      %add3A_176 = vector.broadcast %add3A_175 : i32 to vector<16xi32>
      %add3A_177 = arith.addi %get3A_128, %add3A_176 : vector<16xi32>
      %gather3A_178 = tpu.vector_load_idx %arg9[%add3A_123, %add3A_177] : memref<128x128xf32, #tpu.memory_space<vmem>>[vector<16xi32>, vector<16xi32>], vector<16xf32>,
      %broadcast_in_dim3A_179 = arith.constant 8 : i32
      %broadcast_in_dim3A_180 = vector.broadcast %broadcast_in_dim3A_179 : i32 to vector<16xi32>
      tpu.vector_store_idx %arg10[%broadcast_in_dim3A_180, %add3A_123], %gather3A_178 : memref<32x128xf32, #tpu.memory_space<vmem>>[vector<16xi32>, vector<16xi32>], vector<16xf32>,
      %add3A_181 = arith.constant 9 : i32
      %add3A_182 = vector.broadcast %add3A_181 : i32 to vector<16xi32>
      %add3A_183 = arith.addi %get3A_128, %add3A_182 : vector<16xi32>
      %gather3A_184 = tpu.vector_load_idx %arg9[%add3A_123, %add3A_183] : memref<128x128xf32, #tpu.memory_space<vmem>>[vector<16xi32>, vector<16xi32>], vector<16xf32>,
      %broadcast_in_dim3A_185 = arith.constant 9 : i32
      %broadcast_in_dim3A_186 = vector.broadcast %broadcast_in_dim3A_185 : i32 to vector<16xi32>
      tpu.vector_store_idx %arg10[%broadcast_in_dim3A_186, %add3A_123], %gather3A_184 : memref<32x128xf32, #tpu.memory_space<vmem>>[vector<16xi32>, vector<16xi32>], vector<16xf32>,
      %add3A_187 = arith.constant 10 : i32
      %add3A_188 = vector.broadcast %add3A_187 : i32 to vector<16xi32>
      %add3A_189 = arith.addi %get3A_128, %add3A_188 : vector<16xi32>
      %gather3A_190 = tpu.vector_load_idx %arg9[%add3A_123, %add3A_189] : memref<128x128xf32, #tpu.memory_space<vmem>>[vector<16xi32>, vector<16xi32>], vector<16xf32>,
      %broadcast_in_dim3A_191 = arith.constant 10 : i32
      %broadcast_in_dim3A_192 = vector.broadcast %broadcast_in_dim3A_191 : i32 to vector<16xi32>
      tpu.vector_store_idx %arg10[%broadcast_in_dim3A_192, %add3A_123], %gather3A_190 : memref<32x128xf32, #tpu.memory_space<vmem>>[vector<16xi32>, vector<16xi32>], vector<16xf32>,
      %add3A_193 = arith.constant 11 : i32
      %add3A_194 = vector.broadcast %add3A_193 : i32 to vector<16xi32>
      %add3A_195 = arith.addi %get3A_128, %add3A_194 : vector<16xi32>
      %gather3A_196 = tpu.vector_load_idx %arg9[%add3A_123, %add3A_195] : memref<128x128xf32, #tpu.memory_space<vmem>>[vector<16xi32>, vector<16xi32>], vector<16xf32>,
      %broadcast_in_dim3A_197 = arith.constant 11 : i32
      %broadcast_in_dim3A_198 = vector.broadcast %broadcast_in_dim3A_197 : i32 to vector<16xi32>
      tpu.vector_store_idx %arg10[%broadcast_in_dim3A_198, %add3A_123], %gather3A_196 : memref<32x128xf32, #tpu.memory_space<vmem>>[vector<16xi32>, vector<16xi32>], vector<16xf32>,
      %add3A_199 = arith.constant 12 : i32
      %add3A_200 = vector.broadcast %add3A_199 : i32 to vector<16xi32>
      %add3A_201 = arith.addi %get3A_128, %add3A_200 : vector<16xi32>
      %gather3A_202 = tpu.vector_load_idx %arg9[%add3A_123, %add3A_201] : memref<128x128xf32, #tpu.memory_space<vmem>>[vector<16xi32>, vector<16xi32>], vector<16xf32>,
      %broadcast_in_dim3A_203 = arith.constant 12 : i32
      %broadcast_in_dim3A_204 = vector.broadcast %broadcast_in_dim3A_203 : i32 to vector<16xi32>
      tpu.vector_store_idx %arg10[%broadcast_in_dim3A_204, %add3A_123], %gather3A_202 : memref<32x128xf32, #tpu.memory_space<vmem>>[vector<16xi32>, vector<16xi32>], vector<16xf32>,
      %add3A_205 = arith.constant 13 : i32
      %add3A_206 = vector.broadcast %add3A_205 : i32 to vector<16xi32>
      %add3A_207 = arith.addi %get3A_128, %add3A_206 : vector<16xi32>
      %gather3A_208 = tpu.vector_load_idx %arg9[%add3A_123, %add3A_207] : memref<128x128xf32, #tpu.memory_space<vmem>>[vector<16xi32>, vector<16xi32>], vector<16xf32>,
      %broadcast_in_dim3A_209 = arith.constant 13 : i32
      %broadcast_in_dim3A_210 = vector.broadcast %broadcast_in_dim3A_209 : i32 to vector<16xi32>
      tpu.vector_store_idx %arg10[%broadcast_in_dim3A_210, %add3A_123], %gather3A_208 : memref<32x128xf32, #tpu.memory_space<vmem>>[vector<16xi32>, vector<16xi32>], vector<16xf32>,
      %add3A_211 = arith.constant 14 : i32
      %add3A_212 = vector.broadcast %add3A_211 : i32 to vector<16xi32>
      %add3A_213 = arith.addi %get3A_128, %add3A_212 : vector<16xi32>
      %gather3A_214 = tpu.vector_load_idx %arg9[%add3A_123, %add3A_213] : memref<128x128xf32, #tpu.memory_space<vmem>>[vector<16xi32>, vector<16xi32>], vector<16xf32>,
      %broadcast_in_dim3A_215 = arith.constant 14 : i32
      %broadcast_in_dim3A_216 = vector.broadcast %broadcast_in_dim3A_215 : i32 to vector<16xi32>
      tpu.vector_store_idx %arg10[%broadcast_in_dim3A_216, %add3A_123], %gather3A_214 : memref<32x128xf32, #tpu.memory_space<vmem>>[vector<16xi32>, vector<16xi32>], vector<16xf32>,
      %add3A_217 = arith.constant 15 : i32
      %add3A_218 = vector.broadcast %add3A_217 : i32 to vector<16xi32>
      %add3A_219 = arith.addi %get3A_128, %add3A_218 : vector<16xi32>
      %gather3A_220 = tpu.vector_load_idx %arg9[%add3A_123, %add3A_219] : memref<128x128xf32, #tpu.memory_space<vmem>>[vector<16xi32>, vector<16xi32>], vector<16xf32>,
      %broadcast_in_dim3A_221 = arith.constant 15 : i32
      %broadcast_in_dim3A_222 = vector.broadcast %broadcast_in_dim3A_221 : i32 to vector<16xi32>
      tpu.vector_store_idx %arg10[%broadcast_in_dim3A_222, %add3A_123], %gather3A_220 : memref<32x128xf32, #tpu.memory_space<vmem>>[vector<16xi32>, vector<16xi32>], vector<16xf32>,
      %add3A_223 = arith.constant 16 : i32
      %add3A_224 = vector.broadcast %add3A_223 : i32 to vector<16xi32>
      %add3A_225 = arith.addi %get3A_128, %add3A_224 : vector<16xi32>
      %gather3A_226 = tpu.vector_load_idx %arg9[%add3A_123, %add3A_225] : memref<128x128xf32, #tpu.memory_space<vmem>>[vector<16xi32>, vector<16xi32>], vector<16xf32>,
      %broadcast_in_dim3A_227 = arith.constant 16 : i32
      %broadcast_in_dim3A_228 = vector.broadcast %broadcast_in_dim3A_227 : i32 to vector<16xi32>
      tpu.vector_store_idx %arg10[%broadcast_in_dim3A_228, %add3A_123], %gather3A_226 : memref<32x128xf32, #tpu.memory_space<vmem>>[vector<16xi32>, vector<16xi32>], vector<16xf32>,
      %add3A_229 = arith.constant 17 : i32
      %add3A_230 = vector.broadcast %add3A_229 : i32 to vector<16xi32>
      %add3A_231 = arith.addi %get3A_128, %add3A_230 : vector<16xi32>
      %gather3A_232 = tpu.vector_load_idx %arg9[%add3A_123, %add3A_231] : memref<128x128xf32, #tpu.memory_space<vmem>>[vector<16xi32>, vector<16xi32>], vector<16xf32>,
      %broadcast_in_dim3A_233 = arith.constant 17 : i32
      %broadcast_in_dim3A_234 = vector.broadcast %broadcast_in_dim3A_233 : i32 to vector<16xi32>
      tpu.vector_store_idx %arg10[%broadcast_in_dim3A_234, %add3A_123], %gather3A_232 : memref<32x128xf32, #tpu.memory_space<vmem>>[vector<16xi32>, vector<16xi32>], vector<16xf32>,
      %add3A_235 = arith.constant 18 : i32
      %add3A_236 = vector.broadcast %add3A_235 : i32 to vector<16xi32>
      %add3A_237 = arith.addi %get3A_128, %add3A_236 : vector<16xi32>
      %gather3A_238 = tpu.vector_load_idx %arg9[%add3A_123, %add3A_237] : memref<128x128xf32, #tpu.memory_space<vmem>>[vector<16xi32>, vector<16xi32>], vector<16xf32>,
      %broadcast_in_dim3A_239 = arith.constant 18 : i32
      %broadcast_in_dim3A_240 = vector.broadcast %broadcast_in_dim3A_239 : i32 to vector<16xi32>
      tpu.vector_store_idx %arg10[%broadcast_in_dim3A_240, %add3A_123], %gather3A_238 : memref<32x128xf32, #tpu.memory_space<vmem>>[vector<16xi32>, vector<16xi32>], vector<16xf32>,
      %add3A_241 = arith.constant 19 : i32
      %add3A_242 = vector.broadcast %add3A_241 : i32 to vector<16xi32>
      %add3A_243 = arith.addi %get3A_128, %add3A_242 : vector<16xi32>
      %gather3A_244 = tpu.vector_load_idx %arg9[%add3A_123, %add3A_243] : memref<128x128xf32, #tpu.memory_space<vmem>>[vector<16xi32>, vector<16xi32>], vector<16xf32>,
      %broadcast_in_dim3A_245 = arith.constant 19 : i32
      %broadcast_in_dim3A_246 = vector.broadcast %broadcast_in_dim3A_245 : i32 to vector<16xi32>
      tpu.vector_store_idx %arg10[%broadcast_in_dim3A_246, %add3A_123], %gather3A_244 : memref<32x128xf32, #tpu.memory_space<vmem>>[vector<16xi32>, vector<16xi32>], vector<16xf32>,
      %add3A_247 = arith.constant 20 : i32
      %add3A_248 = vector.broadcast %add3A_247 : i32 to vector<16xi32>
      %add3A_249 = arith.addi %get3A_128, %add3A_248 : vector<16xi32>
      %gather3A_250 = tpu.vector_load_idx %arg9[%add3A_123, %add3A_249] : memref<128x128xf32, #tpu.memory_space<vmem>>[vector<16xi32>, vector<16xi32>], vector<16xf32>,
      %broadcast_in_dim3A_251 = arith.constant 20 : i32
      %broadcast_in_dim3A_252 = vector.broadcast %broadcast_in_dim3A_251 : i32 to vector<16xi32>
      tpu.vector_store_idx %arg10[%broadcast_in_dim3A_252, %add3A_123], %gather3A_250 : memref<32x128xf32, #tpu.memory_space<vmem>>[vector<16xi32>, vector<16xi32>], vector<16xf32>,
      %add3A_253 = arith.constant 21 : i32
      %add3A_254 = vector.broadcast %add3A_253 : i32 to vector<16xi32>
      %add3A_255 = arith.addi %get3A_128, %add3A_254 : vector<16xi32>
      %gather3A_256 = tpu.vector_load_idx %arg9[%add3A_123, %add3A_255] : memref<128x128xf32, #tpu.memory_space<vmem>>[vector<16xi32>, vector<16xi32>], vector<16xf32>,
      %broadcast_in_dim3A_257 = arith.constant 21 : i32
      %broadcast_in_dim3A_258 = vector.broadcast %broadcast_in_dim3A_257 : i32 to vector<16xi32>
      tpu.vector_store_idx %arg10[%broadcast_in_dim3A_258, %add3A_123], %gather3A_256 : memref<32x128xf32, #tpu.memory_space<vmem>>[vector<16xi32>, vector<16xi32>], vector<16xf32>,
      %add3A_259 = arith.constant 22 : i32
      %add3A_260 = vector.broadcast %add3A_259 : i32 to vector<16xi32>
      %add3A_261 = arith.addi %get3A_128, %add3A_260 : vector<16xi32>
      %gather3A_262 = tpu.vector_load_idx %arg9[%add3A_123, %add3A_261] : memref<128x128xf32, #tpu.memory_space<vmem>>[vector<16xi32>, vector<16xi32>], vector<16xf32>,
      %broadcast_in_dim3A_263 = arith.constant 22 : i32
      %broadcast_in_dim3A_264 = vector.broadcast %broadcast_in_dim3A_263 : i32 to vector<16xi32>
      tpu.vector_store_idx %arg10[%broadcast_in_dim3A_264, %add3A_123], %gather3A_262 : memref<32x128xf32, #tpu.memory_space<vmem>>[vector<16xi32>, vector<16xi32>], vector<16xf32>,
      %add3A_265 = arith.constant 23 : i32
      %add3A_266 = vector.broadcast %add3A_265 : i32 to vector<16xi32>
      %add3A_267 = arith.addi %get3A_128, %add3A_266 : vector<16xi32>
      %gather3A_268 = tpu.vector_load_idx %arg9[%add3A_123, %add3A_267] : memref<128x128xf32, #tpu.memory_space<vmem>>[vector<16xi32>, vector<16xi32>], vector<16xf32>,
      %broadcast_in_dim3A_269 = arith.constant 23 : i32
      %broadcast_in_dim3A_270 = vector.broadcast %broadcast_in_dim3A_269 : i32 to vector<16xi32>
      tpu.vector_store_idx %arg10[%broadcast_in_dim3A_270, %add3A_123], %gather3A_268 : memref<32x128xf32, #tpu.memory_space<vmem>>[vector<16xi32>, vector<16xi32>], vector<16xf32>,
      %add3A_271 = arith.constant 24 : i32
      %add3A_272 = vector.broadcast %add3A_271 : i32 to vector<16xi32>
      %add3A_273 = arith.addi %get3A_128, %add3A_272 : vector<16xi32>
      %gather3A_274 = tpu.vector_load_idx %arg9[%add3A_123, %add3A_273] : memref<128x128xf32, #tpu.memory_space<vmem>>[vector<16xi32>, vector<16xi32>], vector<16xf32>,
      %broadcast_in_dim3A_275 = arith.constant 24 : i32
      %broadcast_in_dim3A_276 = vector.broadcast %broadcast_in_dim3A_275 : i32 to vector<16xi32>
      tpu.vector_store_idx %arg10[%broadcast_in_dim3A_276, %add3A_123], %gather3A_274 : memref<32x128xf32, #tpu.memory_space<vmem>>[vector<16xi32>, vector<16xi32>], vector<16xf32>,
      %add3A_277 = arith.constant 25 : i32
      %add3A_278 = vector.broadcast %add3A_277 : i32 to vector<16xi32>
      %add3A_279 = arith.addi %get3A_128, %add3A_278 : vector<16xi32>
      %gather3A_280 = tpu.vector_load_idx %arg9[%add3A_123, %add3A_279] : memref<128x128xf32, #tpu.memory_space<vmem>>[vector<16xi32>, vector<16xi32>], vector<16xf32>,
      %broadcast_in_dim3A_281 = arith.constant 25 : i32
      %broadcast_in_dim3A_282 = vector.broadcast %broadcast_in_dim3A_281 : i32 to vector<16xi32>
      tpu.vector_store_idx %arg10[%broadcast_in_dim3A_282, %add3A_123], %gather3A_280 : memref<32x128xf32, #tpu.memory_space<vmem>>[vector<16xi32>, vector<16xi32>], vector<16xf32>,
      %add3A_283 = arith.constant 26 : i32
      %add3A_284 = vector.broadcast %add3A_283 : i32 to vector<16xi32>
      %add3A_285 = arith.addi %get3A_128, %add3A_284 : vector<16xi32>
      %gather3A_286 = tpu.vector_load_idx %arg9[%add3A_123, %add3A_285] : memref<128x128xf32, #tpu.memory_space<vmem>>[vector<16xi32>, vector<16xi32>], vector<16xf32>,
      %broadcast_in_dim3A_287 = arith.constant 26 : i32
      %broadcast_in_dim3A_288 = vector.broadcast %broadcast_in_dim3A_287 : i32 to vector<16xi32>
      tpu.vector_store_idx %arg10[%broadcast_in_dim3A_288, %add3A_123], %gather3A_286 : memref<32x128xf32, #tpu.memory_space<vmem>>[vector<16xi32>, vector<16xi32>], vector<16xf32>,
      %add3A_289 = arith.constant 27 : i32
      %add3A_290 = vector.broadcast %add3A_289 : i32 to vector<16xi32>
      %add3A_291 = arith.addi %get3A_128, %add3A_290 : vector<16xi32>
      %gather3A_292 = tpu.vector_load_idx %arg9[%add3A_123, %add3A_291] : memref<128x128xf32, #tpu.memory_space<vmem>>[vector<16xi32>, vector<16xi32>], vector<16xf32>,
      %broadcast_in_dim3A_293 = arith.constant 27 : i32
      %broadcast_in_dim3A_294 = vector.broadcast %broadcast_in_dim3A_293 : i32 to vector<16xi32>
      tpu.vector_store_idx %arg10[%broadcast_in_dim3A_294, %add3A_123], %gather3A_292 : memref<32x128xf32, #tpu.memory_space<vmem>>[vector<16xi32>, vector<16xi32>], vector<16xf32>,
      %add3A_295 = arith.constant 28 : i32
      %add3A_296 = vector.broadcast %add3A_295 : i32 to vector<16xi32>
      %add3A_297 = arith.addi %get3A_128, %add3A_296 : vector<16xi32>
      %gather3A_298 = tpu.vector_load_idx %arg9[%add3A_123, %add3A_297] : memref<128x128xf32, #tpu.memory_space<vmem>>[vector<16xi32>, vector<16xi32>], vector<16xf32>,
      %broadcast_in_dim3A_299 = arith.constant 28 : i32
      %broadcast_in_dim3A_300 = vector.broadcast %broadcast_in_dim3A_299 : i32 to vector<16xi32>
      tpu.vector_store_idx %arg10[%broadcast_in_dim3A_300, %add3A_123], %gather3A_298 : memref<32x128xf32, #tpu.memory_space<vmem>>[vector<16xi32>, vector<16xi32>], vector<16xf32>,
      %add3A_301 = arith.constant 29 : i32
      %add3A_302 = vector.broadcast %add3A_301 : i32 to vector<16xi32>
      %add3A_303 = arith.addi %get3A_128, %add3A_302 : vector<16xi32>
      %gather3A_304 = tpu.vector_load_idx %arg9[%add3A_123, %add3A_303] : memref<128x128xf32, #tpu.memory_space<vmem>>[vector<16xi32>, vector<16xi32>], vector<16xf32>,
      %broadcast_in_dim3A_305 = arith.constant 29 : i32
      %broadcast_in_dim3A_306 = vector.broadcast %broadcast_in_dim3A_305 : i32 to vector<16xi32>
      tpu.vector_store_idx %arg10[%broadcast_in_dim3A_306, %add3A_123], %gather3A_304 : memref<32x128xf32, #tpu.memory_space<vmem>>[vector<16xi32>, vector<16xi32>], vector<16xf32>,
      %add3A_307 = arith.constant 30 : i32
      %add3A_308 = vector.broadcast %add3A_307 : i32 to vector<16xi32>
      %add3A_309 = arith.addi %get3A_128, %add3A_308 : vector<16xi32>
      %gather3A_310 = tpu.vector_load_idx %arg9[%add3A_123, %add3A_309] : memref<128x128xf32, #tpu.memory_space<vmem>>[vector<16xi32>, vector<16xi32>], vector<16xf32>,
      %broadcast_in_dim3A_311 = arith.constant 30 : i32
      %broadcast_in_dim3A_312 = vector.broadcast %broadcast_in_dim3A_311 : i32 to vector<16xi32>
      tpu.vector_store_idx %arg10[%broadcast_in_dim3A_312, %add3A_123], %gather3A_310 : memref<32x128xf32, #tpu.memory_space<vmem>>[vector<16xi32>, vector<16xi32>], vector<16xf32>,
      %add3A_313 = arith.constant 31 : i32
      %add3A_314 = vector.broadcast %add3A_313 : i32 to vector<16xi32>
      %add3A_315 = arith.addi %get3A_128, %add3A_314 : vector<16xi32>
      %gather3A_316 = tpu.vector_load_idx %arg9[%add3A_123, %add3A_315] : memref<128x128xf32, #tpu.memory_space<vmem>>[vector<16xi32>, vector<16xi32>], vector<16xf32>,
      %broadcast_in_dim3A_317 = arith.constant 31 : i32
      %broadcast_in_dim3A_318 = vector.broadcast %broadcast_in_dim3A_317 : i32 to vector<16xi32>
      tpu.vector_store_idx %arg10[%broadcast_in_dim3A_318, %add3A_123], %gather3A_316 : memref<32x128xf32, #tpu.memory_space<vmem>>[vector<16xi32>, vector<16xi32>], vector<16xf32>,
    }
    %scan3A_114 = arith.constant 8 : i32
    "tpu.region"() ({
      %run_scoped3A = tpu.sem_alloc : memref<!tpu.dma_semaphore, #tpu.memory_space<semaphore_mem>>
      %dma_start3A_115 = arith.constant 0 : i32
      %dma_start3A_116 = tpu.memref_slice %arg5[%select_n3A_91, %dma_start3A_115, %mul3A_109] : memref<26x32x4096xf32, #tpu.memory_space<hbm>> -> memref<1x32x128xf32, #tpu.memory_space<hbm>>
      %dma_start3A_117 = tpu.memref_squeeze %dma_start3A_116 : memref<1x32x128xf32, #tpu.memory_space<hbm>> -> memref<32x128xf32, #tpu.memory_space<hbm>>
      %dma_start3A_118 = arith.constant 0 : i32
      %dma_start3A_119 = tpu.memref_slice %arg5[%select_n3A_91, %dma_start3A_118, %mul3A_109] : memref<26x32x4096xf32, #tpu.memory_space<hbm>> -> memref<1x32x128xf32, #tpu.memory_space<hbm>>
      %dma_start3A_120 = tpu.memref_squeeze %dma_start3A_119 : memref<1x32x128xf32, #tpu.memory_space<hbm>> -> memref<32x128xf32, #tpu.memory_space<hbm>>
      tpu.enqueue_dma source(%arg10 : memref<32x128xf32, #tpu.memory_space<vmem>>) target(%dma_start3A_120 : memref<32x128xf32, #tpu.memory_space<hbm>>) target_semaphore(%run_scoped3A : memref<!tpu.dma_semaphore, #tpu.memory_space<semaphore_mem>>)
      %dma_wait3A_121 = arith.constant 0 : i32
      %dma_wait3A_122 = tpu.memref_slice %arg5[%select_n3A_91, %dma_wait3A_121, %mul3A_109] : memref<26x32x4096xf32, #tpu.memory_space<hbm>> -> memref<1x32x128xf32, #tpu.memory_space<hbm>>
      %dma_wait3A_123 = tpu.memref_squeeze %dma_wait3A_122 : memref<1x32x128xf32, #tpu.memory_space<hbm>> -> memref<32x128xf32, #tpu.memory_space<hbm>>
      %dma_wait3A_124 = arith.constant 0 : i32
      %dma_wait3A_125 = tpu.memref_slice %arg5[%select_n3A_91, %dma_wait3A_124, %mul3A_109] : memref<26x32x4096xf32, #tpu.memory_space<hbm>> -> memref<1x32x128xf32, #tpu.memory_space<hbm>>
      %dma_wait3A_126 = tpu.memref_squeeze %dma_wait3A_125 : memref<1x32x128xf32, #tpu.memory_space<hbm>> -> memref<32x128xf32, #tpu.memory_space<hbm>>
      tpu.wait_dma2 semaphore(%run_scoped3A : memref<!tpu.dma_semaphore, #tpu.memory_space<semaphore_mem>>) src(%arg10 : memref<32x128xf32, #tpu.memory_space<vmem>>) dst(%dma_wait3A_126 : memref<32x128xf32, #tpu.memory_space<hbm>>)
      tpu.yield
    }) : () -> ()
    return
  }
}

module attributes {stable_mosaic.version = 14 : i64} {
  func.func @_pack_body(%arg0: i32, %arg1: i32, %arg2: memref<1x32x1280xf32, #tpu.memory_space<vmem>>, %arg3: memref<1x32x1280xf32, #tpu.memory_space<vmem>>, %arg4: memref<1x32x1280xf32, #tpu.memory_space<vmem>>, %arg5: memref<1x32x1280xf32, #tpu.memory_space<vmem>>, %arg6: memref<1x1280x128xf32, #tpu.memory_space<vmem>>) attributes {dimension_semantics = [#tpu.dimension_semantics<arbitrary>, #tpu.dimension_semantics<arbitrary>], iteration_bounds = array<i64: 26, 20>, scalar_prefetch = 0 : i64, scratch_operands = 0 : i64, tpu.core_type = #tpu.core_type<tc>, window_params = [{transform_indices = @transform_0, window_bounds = array<i64: 1, 32, 1280>}, {transform_indices = @transform_1, window_bounds = array<i64: 1, 32, 1280>}, {transform_indices = @transform_2, window_bounds = array<i64: 1, 32, 1280>}, {transform_indices = @transform_3, window_bounds = array<i64: 1, 32, 1280>}, {transform_indices = @transform_4, window_bounds = array<i64: 1, 1280, 128>}]} {
    %get3A = arith.constant 0 : index
    %get3A_0 = arith.constant 0 : index
    %get3A_1 = arith.constant 0 : index
    %get3A_2 = vector.load %arg2[%get3A, %get3A_0, %get3A_1] : memref<1x32x1280xf32, #tpu.memory_space<vmem>>, vector<1x32x1280xf32>
    %get3A_3 = vector.shape_cast %get3A_2 : vector<1x32x1280xf32> to vector<32x1280xf32>
    %get3A_4 = arith.constant 0 : index
    %get3A_5 = arith.constant 0 : index
    %get3A_6 = arith.constant 0 : index
    %get3A_7 = vector.load %arg3[%get3A_4, %get3A_5, %get3A_6] : memref<1x32x1280xf32, #tpu.memory_space<vmem>>, vector<1x32x1280xf32>
    %get3A_8 = vector.shape_cast %get3A_7 : vector<1x32x1280xf32> to vector<32x1280xf32>
    %get3A_9 = arith.constant 0 : index
    %get3A_10 = arith.constant 0 : index
    %get3A_11 = arith.constant 0 : index
    %get3A_12 = vector.load %arg4[%get3A_9, %get3A_10, %get3A_11] : memref<1x32x1280xf32, #tpu.memory_space<vmem>>, vector<1x32x1280xf32>
    %get3A_13 = vector.shape_cast %get3A_12 : vector<1x32x1280xf32> to vector<32x1280xf32>
    %get3A_14 = arith.constant 0 : index
    %get3A_15 = arith.constant 0 : index
    %get3A_16 = arith.constant 0 : index
    %get3A_17 = vector.load %arg5[%get3A_14, %get3A_15, %get3A_16] : memref<1x32x1280xf32, #tpu.memory_space<vmem>>, vector<1x32x1280xf32>
    %get3A_18 = vector.shape_cast %get3A_17 : vector<1x32x1280xf32> to vector<32x1280xf32>
    %add3A = arith.constant 60 : i32
    %add3A_19 = arith.addi %add3A, %arg1 : i32
    %min3A = arith.constant 78 : i32
    %min3A_20 = arith.minsi %add3A_19, %min3A : i32
    %mul3A = arith.constant 1280 : i32
    %mul3A_21 = arith.muli %min3A_20, %mul3A : i32
    %iota3A = tpu.iota {dimensions = array<i32: 1>} : vector<32x1280xi32>
    %add3A_22 = vector.broadcast %mul3A_21 : i32 to vector<32x1280xi32>
    %add3A_23 = arith.addi %add3A_22, %iota3A : vector<32x1280xi32>
    %lt3A = arith.constant 100000 : i32
    %lt3A_24 = vector.broadcast %lt3A : i32 to vector<32x1280xi32>
    %lt3A_25 = arith.cmpi slt, %add3A_23, %lt3A_24 : vector<32x1280xi32>
    %jit3A = arith.constant 0.000000e+00 : f32
    %broadcast_in_dim3A = vector.broadcast %jit3A : f32 to vector<32x1280xf32>
    %select_n3A = arith.select %lt3A_25, %get3A_18, %broadcast_in_dim3A : vector<32x1280xi1>, vector<32x1280xf32>
    %concatenate3A = tpu.concatenate %get3A_3, %get3A_8, %get3A_13, %select_n3A in 0 : vector<32x1280xf32>, vector<32x1280xf32>, vector<32x1280xf32>, vector<32x1280xf32> -> vector<128x1280xf32>
    %iota3A_26 = tpu.iota {dimensions = array<i32: 0>} : vector<128x128xi32>
    %iota3A_27 = tpu.iota {dimensions = array<i32: 1>} : vector<128x128xi32>
    %eq3A = arith.cmpi eq, %iota3A_26, %iota3A_27 : vector<128x128xi32>
    %convert_element_type3A = arith.extui %eq3A : vector<128x128xi1> to vector<128x128xi32>
    %convert_element_type3A_28 = arith.sitofp %convert_element_type3A : vector<128x128xi32> to vector<128x128xf32>
    %dot_general3A = arith.constant dense<0.000000e+00> : vector<1280x128xf32>
    %dot_general3A_29 = tpu.matmul %concatenate3A, %convert_element_type3A_28, %dot_general3A {dimension_numbers = #tpu.dot_dimension_numbers<[0], [0], [1], [1], [0, 1, 1, 1], [], []>, transpose_lhs_hint = false} : vector<128x1280xf32>, vector<128x128xf32>, vector<1280x128xf32> -> vector<1280x128xf32>
    %swap3A = arith.constant 0 : index
    %swap3A_30 = arith.constant 0 : index
    %swap3A_31 = arith.constant 0 : index
    %swap3A_32 = vector.load %arg6[%swap3A, %swap3A_30, %swap3A_31] : memref<1x1280x128xf32, #tpu.memory_space<vmem>>, vector<1x1280x128xf32>
    %swap3A_33 = vector.shape_cast %swap3A_32 : vector<1x1280x128xf32> to vector<1280x128xf32>
    %swap3A_34 = vector.shape_cast %dot_general3A_29 : vector<1280x128xf32> to vector<1x1280x128xf32>
    tpu.vector_store %arg6[%swap3A, %swap3A_30, %swap3A_31], %swap3A_34 {strides = array<i32>} : memref<1x1280x128xf32, #tpu.memory_space<vmem>>, vector<1x1280x128xf32>,
    return
  }
  func.func @transform_0(%arg0: i32, %arg1: i32) -> (i32, i32, i32) {
    %add3A = arith.constant 0 : i32
    %add3A_0 = arith.addi %add3A, %arg1 : i32
    %min3A = arith.constant 78 : i32
    %min3A_1 = arith.minsi %add3A_0, %min3A : i32
    %c0_i32 = arith.constant 0 : i32
    %c0_i32_2 = arith.constant 0 : i32
    return %arg0, %c0_i32, %min3A_1 : i32, i32, i32
  }
  func.func @transform_1(%arg0: i32, %arg1: i32) -> (i32, i32, i32) {
    %add3A = arith.constant 20 : i32
    %add3A_0 = arith.addi %add3A, %arg1 : i32
    %min3A = arith.constant 78 : i32
    %min3A_1 = arith.minsi %add3A_0, %min3A : i32
    %c0_i32 = arith.constant 0 : i32
    %c0_i32_2 = arith.constant 0 : i32
    return %arg0, %c0_i32, %min3A_1 : i32, i32, i32
  }
  func.func @transform_2(%arg0: i32, %arg1: i32) -> (i32, i32, i32) {
    %add3A = arith.constant 40 : i32
    %add3A_0 = arith.addi %add3A, %arg1 : i32
    %min3A = arith.constant 78 : i32
    %min3A_1 = arith.minsi %add3A_0, %min3A : i32
    %c0_i32 = arith.constant 0 : i32
    %c0_i32_2 = arith.constant 0 : i32
    return %arg0, %c0_i32, %min3A_1 : i32, i32, i32
  }
  func.func @transform_3(%arg0: i32, %arg1: i32) -> (i32, i32, i32) {
    %add3A = arith.constant 60 : i32
    %add3A_0 = arith.addi %add3A, %arg1 : i32
    %min3A = arith.constant 78 : i32
    %min3A_1 = arith.minsi %add3A_0, %min3A : i32
    %c0_i32 = arith.constant 0 : i32
    %c0_i32_2 = arith.constant 0 : i32
    return %arg0, %c0_i32, %min3A_1 : i32, i32, i32
  }
  func.func @transform_4(%arg0: i32, %arg1: i32) -> (i32, i32, i32) {
    %c0_i32 = arith.constant 0 : i32
    %c0_i32_0 = arith.constant 0 : i32
    return %arg0, %arg1, %c0_i32 : i32, i32, i32
  }
}

module attributes {stable_mosaic.version = 14 : i64} {
  func.func @_mlp_body(%arg0: memref<16x4096xf32, #tpu.memory_space<vmem>>, %arg1: memref<832x4096xf32, #tpu.memory_space<vmem>>, %arg2: memref<1024x16xf32, #tpu.memory_space<vmem>>, %arg3: memref<1024x832xf32, #tpu.memory_space<vmem>>, %arg4: memref<1024x1xf32, #tpu.memory_space<vmem>>, %arg5: memref<1024x1xf32, #tpu.memory_space<vmem>>, %arg6: memref<1024x1xf32, #tpu.memory_space<vmem>>, %arg7: memref<512x1024xf32, #tpu.memory_space<vmem>>, %arg8: memref<512x1xf32, #tpu.memory_space<vmem>>, %arg9: memref<512x1xf32, #tpu.memory_space<vmem>>, %arg10: memref<512x1xf32, #tpu.memory_space<vmem>>, %arg11: memref<256x512xf32, #tpu.memory_space<vmem>>, %arg12: memref<256x1xf32, #tpu.memory_space<vmem>>, %arg13: memref<256x1xf32, #tpu.memory_space<vmem>>, %arg14: memref<256x1xf32, #tpu.memory_space<vmem>>, %arg15: memref<1x256xf32, #tpu.memory_space<vmem>>, %arg16: memref<1x1xf32, #tpu.memory_space<vmem>>, %arg17: memref<1x4096xf32, #tpu.memory_space<vmem>>) attributes {dimension_semantics = [], scalar_prefetch = 0 : i64, scratch_operands = 0 : i64, tpu.core_type = #tpu.core_type<tc>} {
    %get3A = arith.constant 0 : index
    %get3A_0 = arith.constant 0 : index
    %get3A_1 = vector.load %arg3[%get3A, %get3A_0] : memref<1024x832xf32, #tpu.memory_space<vmem>>, vector<1024x832xf32>
    %get3A_2 = arith.constant 0 : index
    %get3A_3 = arith.constant 0 : index
    %get3A_4 = vector.load %arg1[%get3A_2, %get3A_3] : memref<832x4096xf32, #tpu.memory_space<vmem>>, vector<832x4096xf32>
    %dot_general3A = arith.constant dense<0.000000e+00> : vector<1024x4096xf32>
    %dot_general3A_5 = tpu.matmul %get3A_1, %get3A_4, %dot_general3A {dimension_numbers = #tpu.dot_dimension_numbers<[1], [0], [0], [1], [0, 0, 1, 1], [], []>, transpose_lhs_hint = false} : vector<1024x832xf32>, vector<832x4096xf32>, vector<1024x4096xf32> -> vector<1024x4096xf32>
    %get3A_6 = arith.constant 0 : index
    %get3A_7 = arith.constant 0 : index
    %get3A_8 = vector.load %arg2[%get3A_6, %get3A_7] : memref<1024x16xf32, #tpu.memory_space<vmem>>, vector<1024x16xf32>
    %get3A_9 = arith.constant 0 : index
    %get3A_10 = arith.constant 0 : index
    %get3A_11 = vector.load %arg0[%get3A_9, %get3A_10] : memref<16x4096xf32, #tpu.memory_space<vmem>>, vector<16x4096xf32>
    %dot_general3A_12 = arith.constant dense<0.000000e+00> : vector<1024x4096xf32>
    %dot_general3A_13 = tpu.matmul %get3A_8, %get3A_11, %dot_general3A_12 {dimension_numbers = #tpu.dot_dimension_numbers<[1], [0], [0], [1], [0, 0, 1, 1], [], []>, transpose_lhs_hint = false} : vector<1024x16xf32>, vector<16x4096xf32>, vector<1024x4096xf32> -> vector<1024x4096xf32>
    %add3A = arith.addf %dot_general3A_5, %dot_general3A_13 : vector<1024x4096xf32>
    %get3A_14 = arith.constant 0 : index
    %get3A_15 = arith.constant 0 : index
    %get3A_16 = vector.load %arg4[%get3A_14, %get3A_15] : memref<1024x1xf32, #tpu.memory_space<vmem>>, vector<1024x1xf32>
    %add3A_17 = vector.broadcast %get3A_16 : vector<1024x1xf32> to vector<1024x4096xf32>
    %add3A_18 = arith.addf %add3A, %add3A_17 : vector<1024x4096xf32>
    %get3A_19 = arith.constant 0 : index
    %get3A_20 = arith.constant 0 : index
    %get3A_21 = vector.load %arg5[%get3A_19, %get3A_20] : memref<1024x1xf32, #tpu.memory_space<vmem>>, vector<1024x1xf32>
    %get3A_22 = arith.constant 0 : index
    %get3A_23 = arith.constant 0 : index
    %get3A_24 = vector.load %arg6[%get3A_22, %get3A_23] : memref<1024x1xf32, #tpu.memory_space<vmem>>, vector<1024x1xf32>
    %max3A = arith.constant 0.000000e+00 : f32
    %max3A_25 = vector.broadcast %max3A : f32 to vector<1024x4096xf32>
    %max3A_26 = arith.maximumf %add3A_18, %max3A_25 : vector<1024x4096xf32>
    %reduce_sum3A = arith.constant dense<0.000000e+00> : vector<1024xf32>
    %reduce_sum3A_27 = vector.multi_reduction <add>, %max3A_26, %reduce_sum3A [1] : vector<1024x4096xf32> to vector<1024xf32>
    %broadcast_in_dim3A = vector.shape_cast %reduce_sum3A_27 : vector<1024xf32> to vector<1024x1xf32>
    %div3A = arith.constant 4.096000e+03 : f32
    %div3A_28 = vector.broadcast %div3A : f32 to vector<1024x1xf32>
    %div3A_29 = arith.divf %broadcast_in_dim3A, %div3A_28 : vector<1024x1xf32>
    %mul3A = arith.mulf %max3A_26, %max3A_26 : vector<1024x4096xf32>
    %reduce_sum3A_30 = arith.constant dense<0.000000e+00> : vector<1024xf32>
    %reduce_sum3A_31 = vector.multi_reduction <add>, %mul3A, %reduce_sum3A_30 [1] : vector<1024x4096xf32> to vector<1024xf32>
    %broadcast_in_dim3A_32 = vector.shape_cast %reduce_sum3A_31 : vector<1024xf32> to vector<1024x1xf32>
    %div3A_33 = arith.constant 4.096000e+03 : f32
    %div3A_34 = vector.broadcast %div3A_33 : f32 to vector<1024x1xf32>
    %div3A_35 = arith.divf %broadcast_in_dim3A_32, %div3A_34 : vector<1024x1xf32>
    %mul3A_36 = arith.mulf %div3A_29, %div3A_29 : vector<1024x1xf32>
    %sub3A = arith.subf %div3A_35, %mul3A_36 : vector<1024x1xf32>
    %add3A_37 = arith.constant 9.99999974E-6 : f32
    %add3A_38 = vector.broadcast %add3A_37 : f32 to vector<1024x1xf32>
    %add3A_39 = arith.addf %sub3A, %add3A_38 : vector<1024x1xf32>
    %rsqrt3A = math.rsqrt %add3A_39 : vector<1024x1xf32>
    %mul3A_40 = arith.mulf %get3A_21, %rsqrt3A : vector<1024x1xf32>
    %mul3A_41 = vector.broadcast %mul3A_40 : vector<1024x1xf32> to vector<1024x4096xf32>
    %mul3A_42 = arith.mulf %max3A_26, %mul3A_41 : vector<1024x4096xf32>
    %mul3A_43 = arith.mulf %div3A_29, %mul3A_40 : vector<1024x1xf32>
    %sub3A_44 = arith.subf %get3A_24, %mul3A_43 : vector<1024x1xf32>
    %add3A_45 = vector.broadcast %sub3A_44 : vector<1024x1xf32> to vector<1024x4096xf32>
    %add3A_46 = arith.addf %mul3A_42, %add3A_45 : vector<1024x4096xf32>
    %get3A_47 = arith.constant 0 : index
    %get3A_48 = arith.constant 0 : index
    %get3A_49 = vector.load %arg7[%get3A_47, %get3A_48] : memref<512x1024xf32, #tpu.memory_space<vmem>>, vector<512x1024xf32>
    %dot_general3A_50 = arith.constant dense<0.000000e+00> : vector<512x4096xf32>
    %dot_general3A_51 = tpu.matmul %get3A_49, %add3A_46, %dot_general3A_50 {dimension_numbers = #tpu.dot_dimension_numbers<[1], [0], [0], [1], [0, 0, 1, 1], [], []>, transpose_lhs_hint = false} : vector<512x1024xf32>, vector<1024x4096xf32>, vector<512x4096xf32> -> vector<512x4096xf32>
    %get3A_52 = arith.constant 0 : index
    %get3A_53 = arith.constant 0 : index
    %get3A_54 = vector.load %arg8[%get3A_52, %get3A_53] : memref<512x1xf32, #tpu.memory_space<vmem>>, vector<512x1xf32>
    %add3A_55 = vector.broadcast %get3A_54 : vector<512x1xf32> to vector<512x4096xf32>
    %add3A_56 = arith.addf %dot_general3A_51, %add3A_55 : vector<512x4096xf32>
    %get3A_57 = arith.constant 0 : index
    %get3A_58 = arith.constant 0 : index
    %get3A_59 = vector.load %arg9[%get3A_57, %get3A_58] : memref<512x1xf32, #tpu.memory_space<vmem>>, vector<512x1xf32>
    %get3A_60 = arith.constant 0 : index
    %get3A_61 = arith.constant 0 : index
    %get3A_62 = vector.load %arg10[%get3A_60, %get3A_61] : memref<512x1xf32, #tpu.memory_space<vmem>>, vector<512x1xf32>
    %max3A_63 = arith.constant 0.000000e+00 : f32
    %max3A_64 = vector.broadcast %max3A_63 : f32 to vector<512x4096xf32>
    %max3A_65 = arith.maximumf %add3A_56, %max3A_64 : vector<512x4096xf32>
    %reduce_sum3A_66 = arith.constant dense<0.000000e+00> : vector<512xf32>
    %reduce_sum3A_67 = vector.multi_reduction <add>, %max3A_65, %reduce_sum3A_66 [1] : vector<512x4096xf32> to vector<512xf32>
    %broadcast_in_dim3A_68 = vector.shape_cast %reduce_sum3A_67 : vector<512xf32> to vector<512x1xf32>
    %div3A_69 = arith.constant 4.096000e+03 : f32
    %div3A_70 = vector.broadcast %div3A_69 : f32 to vector<512x1xf32>
    %div3A_71 = arith.divf %broadcast_in_dim3A_68, %div3A_70 : vector<512x1xf32>
    %mul3A_72 = arith.mulf %max3A_65, %max3A_65 : vector<512x4096xf32>
    %reduce_sum3A_73 = arith.constant dense<0.000000e+00> : vector<512xf32>
    %reduce_sum3A_74 = vector.multi_reduction <add>, %mul3A_72, %reduce_sum3A_73 [1] : vector<512x4096xf32> to vector<512xf32>
    %broadcast_in_dim3A_75 = vector.shape_cast %reduce_sum3A_74 : vector<512xf32> to vector<512x1xf32>
    %div3A_76 = arith.constant 4.096000e+03 : f32
    %div3A_77 = vector.broadcast %div3A_76 : f32 to vector<512x1xf32>
    %div3A_78 = arith.divf %broadcast_in_dim3A_75, %div3A_77 : vector<512x1xf32>
    %mul3A_79 = arith.mulf %div3A_71, %div3A_71 : vector<512x1xf32>
    %sub3A_80 = arith.subf %div3A_78, %mul3A_79 : vector<512x1xf32>
    %add3A_81 = arith.constant 9.99999974E-6 : f32
    %add3A_82 = vector.broadcast %add3A_81 : f32 to vector<512x1xf32>
    %add3A_83 = arith.addf %sub3A_80, %add3A_82 : vector<512x1xf32>
    %rsqrt3A_84 = math.rsqrt %add3A_83 : vector<512x1xf32>
    %mul3A_85 = arith.mulf %get3A_59, %rsqrt3A_84 : vector<512x1xf32>
    %mul3A_86 = vector.broadcast %mul3A_85 : vector<512x1xf32> to vector<512x4096xf32>
    %mul3A_87 = arith.mulf %max3A_65, %mul3A_86 : vector<512x4096xf32>
    %mul3A_88 = arith.mulf %div3A_71, %mul3A_85 : vector<512x1xf32>
    %sub3A_89 = arith.subf %get3A_62, %mul3A_88 : vector<512x1xf32>
    %add3A_90 = vector.broadcast %sub3A_89 : vector<512x1xf32> to vector<512x4096xf32>
    %add3A_91 = arith.addf %mul3A_87, %add3A_90 : vector<512x4096xf32>
    %get3A_92 = arith.constant 0 : index
    %get3A_93 = arith.constant 0 : index
    %get3A_94 = vector.load %arg11[%get3A_92, %get3A_93] : memref<256x512xf32, #tpu.memory_space<vmem>>, vector<256x512xf32>
    %dot_general3A_95 = arith.constant dense<0.000000e+00> : vector<256x4096xf32>
    %dot_general3A_96 = tpu.matmul %get3A_94, %add3A_91, %dot_general3A_95 {dimension_numbers = #tpu.dot_dimension_numbers<[1], [0], [0], [1], [0, 0, 1, 1], [], []>, transpose_lhs_hint = false} : vector<256x512xf32>, vector<512x4096xf32>, vector<256x4096xf32> -> vector<256x4096xf32>
    %get3A_97 = arith.constant 0 : index
    %get3A_98 = arith.constant 0 : index
    %get3A_99 = vector.load %arg12[%get3A_97, %get3A_98] : memref<256x1xf32, #tpu.memory_space<vmem>>, vector<256x1xf32>
    %add3A_100 = vector.broadcast %get3A_99 : vector<256x1xf32> to vector<256x4096xf32>
    %add3A_101 = arith.addf %dot_general3A_96, %add3A_100 : vector<256x4096xf32>
    %get3A_102 = arith.constant 0 : index
    %get3A_103 = arith.constant 0 : index
    %get3A_104 = vector.load %arg13[%get3A_102, %get3A_103] : memref<256x1xf32, #tpu.memory_space<vmem>>, vector<256x1xf32>
    %get3A_105 = arith.constant 0 : index
    %get3A_106 = arith.constant 0 : index
    %get3A_107 = vector.load %arg14[%get3A_105, %get3A_106] : memref<256x1xf32, #tpu.memory_space<vmem>>, vector<256x1xf32>
    %max3A_108 = arith.constant 0.000000e+00 : f32
    %max3A_109 = vector.broadcast %max3A_108 : f32 to vector<256x4096xf32>
    %max3A_110 = arith.maximumf %add3A_101, %max3A_109 : vector<256x4096xf32>
    %reduce_sum3A_111 = arith.constant dense<0.000000e+00> : vector<256xf32>
    %reduce_sum3A_112 = vector.multi_reduction <add>, %max3A_110, %reduce_sum3A_111 [1] : vector<256x4096xf32> to vector<256xf32>
    %broadcast_in_dim3A_113 = vector.shape_cast %reduce_sum3A_112 : vector<256xf32> to vector<256x1xf32>
    %div3A_114 = arith.constant 4.096000e+03 : f32
    %div3A_115 = vector.broadcast %div3A_114 : f32 to vector<256x1xf32>
    %div3A_116 = arith.divf %broadcast_in_dim3A_113, %div3A_115 : vector<256x1xf32>
    %mul3A_117 = arith.mulf %max3A_110, %max3A_110 : vector<256x4096xf32>
    %reduce_sum3A_118 = arith.constant dense<0.000000e+00> : vector<256xf32>
    %reduce_sum3A_119 = vector.multi_reduction <add>, %mul3A_117, %reduce_sum3A_118 [1] : vector<256x4096xf32> to vector<256xf32>
    %broadcast_in_dim3A_120 = vector.shape_cast %reduce_sum3A_119 : vector<256xf32> to vector<256x1xf32>
    %div3A_121 = arith.constant 4.096000e+03 : f32
    %div3A_122 = vector.broadcast %div3A_121 : f32 to vector<256x1xf32>
    %div3A_123 = arith.divf %broadcast_in_dim3A_120, %div3A_122 : vector<256x1xf32>
    %mul3A_124 = arith.mulf %div3A_116, %div3A_116 : vector<256x1xf32>
    %sub3A_125 = arith.subf %div3A_123, %mul3A_124 : vector<256x1xf32>
    %add3A_126 = arith.constant 9.99999974E-6 : f32
    %add3A_127 = vector.broadcast %add3A_126 : f32 to vector<256x1xf32>
    %add3A_128 = arith.addf %sub3A_125, %add3A_127 : vector<256x1xf32>
    %rsqrt3A_129 = math.rsqrt %add3A_128 : vector<256x1xf32>
    %mul3A_130 = arith.mulf %get3A_104, %rsqrt3A_129 : vector<256x1xf32>
    %mul3A_131 = vector.broadcast %mul3A_130 : vector<256x1xf32> to vector<256x4096xf32>
    %mul3A_132 = arith.mulf %max3A_110, %mul3A_131 : vector<256x4096xf32>
    %mul3A_133 = arith.mulf %div3A_116, %mul3A_130 : vector<256x1xf32>
    %sub3A_134 = arith.subf %get3A_107, %mul3A_133 : vector<256x1xf32>
    %add3A_135 = vector.broadcast %sub3A_134 : vector<256x1xf32> to vector<256x4096xf32>
    %add3A_136 = arith.addf %mul3A_132, %add3A_135 : vector<256x4096xf32>
    %get3A_137 = arith.constant 0 : index
    %get3A_138 = arith.constant 0 : index
    %get3A_139 = vector.load %arg15[%get3A_137, %get3A_138] : memref<1x256xf32, #tpu.memory_space<vmem>>, vector<1x256xf32>
    %dot_general3A_140 = arith.constant dense<0.000000e+00> : vector<1x4096xf32>
    %dot_general3A_141 = tpu.matmul %get3A_139, %add3A_136, %dot_general3A_140 {dimension_numbers = #tpu.dot_dimension_numbers<[1], [0], [0], [1], [0, 0, 1, 1], [], []>, transpose_lhs_hint = false} : vector<1x256xf32>, vector<256x4096xf32>, vector<1x4096xf32> -> vector<1x4096xf32>
    %get3A_142 = arith.constant 0 : index
    %get3A_143 = arith.constant 0 : index
    %get3A_144 = vector.load %arg16[%get3A_142, %get3A_143] : memref<1x1xf32, #tpu.memory_space<vmem>>, vector<1x1xf32>
    %add3A_145 = vector.broadcast %get3A_144 : vector<1x1xf32> to vector<1x4096xf32>
    %add3A_146 = arith.addf %dot_general3A_141, %add3A_145 : vector<1x4096xf32>
    %swap3A = arith.constant 0 : index
    %swap3A_147 = arith.constant 0 : index
    %swap3A_148 = vector.load %arg17[%swap3A, %swap3A_147] : memref<1x4096xf32, #tpu.memory_space<vmem>>, vector<1x4096xf32>
    tpu.vector_store %arg17[%swap3A, %swap3A_147], %add3A_146 {strides = array<i32>} : memref<1x4096xf32, #tpu.memory_space<vmem>>, vector<1x4096xf32>,
    return
  }
}

</mosaic_0001>

<sc_bundles>
// kernel: kernel.5.cloned.1.call-start
scs
__scs_entry_jumppad:
0x0: {  	(pc) =	sbr.rel $0x88, $3  }
0x1: {  	(tag) =	ssettag $0x0;
	lr =	simm.s32 $0x1  }
0x2: {  	[smem:$0x3F90] =	sst lr;
	_ =	strace $0xD0000000  }
0x3: {  	_ = 	snop  }
0x4: {  	_ = 	snop  }
0x5: {  	_ = 	snop  }
0x6: {  	_ = 	snop  }
0x7: {  	_ = 	snop  }
__scs_overlays_trampoline_lowered:
0x8: {  	[smem:$0x3F9F] =	sst s0  }
0x9: {  	[smem:$0x3FA0] =	sst s1  }
0xa: {  	[smem:$0x3FA1] =	sst s2  }
0xb: {  	[smem:$0x3FA2] =	sst s3  }
0xc: {  	[smem:$0x3FA3] =	sst s4  }
0xd: {  	[smem:$0x3FA4] =	sst s5  }
0xe: {  	[smem:$0x3FA5] =	sst s6  }
0xf: {  	[smem:$0x3FA6] =	sst s7  }
0x10: {  	[smem:$0x3FA7] =	sst s8  }
0x11: {  	[smem:$0x3FA8] =	sst s9;
	s0 =	simm.s32 @!p0 $0x0  }
0x12: {  	s1 =	sld [smem:$0x3F8E];
	s0 =	simm.s32 @p0 $0x1  }
0x13: {  	[smem:$0x3FA9] =	sst s0;
	s0 =	simm.s32 @!p1 $0x0  }
0x14: {  	s2 =	sld [smem:$0x3F8D];
	s0 =	simm.s32 @p1 $0x1  }
0x15: {  	[smem:$0x3FAA] =	sst s0;
	s0 =	simm.s32 @!p2 $0x0  }
0x16: {  	s3 =	sld [smem:$0x3FDB];
	s0 =	simm.s32 @p2 $0x1  }
0x17: {  	s4 =	simm.s32 $0x1BF5;
	[smem:$0x3FAC] =	sst s0  }
0x18: {  	s0 =	sld [smem:$0x3F8F];
	_ =	swait.ge [sflag:s4], $0x0  }
0x19: {  	s7 =	sld [smem:$0x3F90]  }
0x1a: {  	s8 =	sadd.s32 $0xFFFFE003, lr  }
0x1b: {  	s9 =	sadd.s32 $0xFFFFFEF7, lr;
	s5 =	simm.s32 $0xFFFFFFFF;
	p2 =	slt.u32 s8, $0xFFFFF086  }
0x1c: {  	p1 =	slt.u32 s9, $0xF7A;
	s5 =	simm.s32 @!p2 $0x0  }
0x1d: {  	s5 =	simm.s32 @p1 $0x1;
	p0 =	seq.s32 s7, s2  }
0x1e: {  	s7 =	smul.u32 @!p0 $0xF7A, s2;
	p2 =	seq.s32 @!p0 s5, $0x0  }
0x1f: {  	s9 =	smul.u32 $0xF7A, s1;
	s8 =	simm.s32 @!p0 $0x1BF5;
	p2 =	por !p2, p0  }
0x20: {  	[sflag:s8] =	ssyncset.s32 @!p0 $0xFFFFF086;
	s6 =	sadd.s32 @!p0 s3, s7;
	s7 =	simm.s32 @!p0 $0x108  }
0x21: {  	s3 =	sadd.s32 s3, s9;
	s6 =	sadd.s32 @!p0 $0x88, s6;
	s7 =	simm.s32 @p2 $0x1082  }
0x22: {  	[simem:s7], [sflag:s8] =	dma.local @!p0 [hbm:s6], $0xF7A  }
0x23: {  	s9 =	sor.u32 $0xD0000000, s2;
	s6 =	simm.s32 $0x108;
	_ =	swait.ge @!p0 [sflag:s8], $0x0  }
0x24: {  	s3 =	sadd.s32 $0x88, s3;
	s6 =	simm.s32 @!p1 $0x1082;
	[sflag:s4] =	ssyncset.s32 $0xFFFFF086  }
0x25: {  	[simem:s6], [sflag:s4] =	dma.local [hbm:s3], $0xF7A  }
0x26: {  	[smem:$0x3F90] =	sst s1;
	(tag) =	ssettag s2;
	_ =	strace s9  }
0x27: {  	s1 =	sld [smem:$0x3FA0]  }
0x28: {  	s2 =	sld [smem:$0x3FA1]  }
0x29: {  	s4 =	sld [smem:$0x3FA3]  }
0x2a: {  	p0 =	seq.s32 s5, $0x0;
	s5 =	sld [smem:$0x3FA4]  }
0x2b: {  	s6 =	sld [smem:$0x3FA5]  }
0x2c: {  	s7 =	sld [smem:$0x3FA6]  }
0x2d: {  	s3 =	simm.s32 $0x108;
	s8 =	sld [smem:$0x3FA7]  }
0x2e: {  	s3 =	simm.s32 @!p0 $0x1082;
	s9 =	sld [smem:$0x3FA8]  }
0x2f: {  	lr =	sadd.s32 s0, s3;
	s0 =	sld [smem:$0x3F9F]  }
0x30: {  	s3 =	sld [smem:$0x3FA2]  }
0x31: {  	[smem:$0x3FAB] =	sst s10  }
0x32: {  	s10 =	sld [smem:$0x3FA9];
	_ =	sdelay $0x3  }
0x33: {  	p0 =	seq.s32 s10, $0x1;
	s10 =	sld [smem:$0x3FAB];
	_ =	sdelay $0x3  }
0x34: {  	[smem:$0x3FAB] =	sst s10  }
0x35: {  	s10 =	sld [smem:$0x3FAA];
	_ =	sdelay $0x3  }
0x36: {  	p1 =	seq.s32 s10, $0x1;
	s10 =	sld [smem:$0x3FAB];
	_ =	sdelay $0x3  }
0x37: {  	[smem:$0x3FAB] =	sst s10  }
0x38: {  	s10 =	sld [smem:$0x3FAC]  }
0x39: {  	_ = 	snop;
	(pc) =	sbr.ind lr, $3  }
0x3a: {  	_ = 	snop  }
0x3b: {  	_ = 	snop  }
0x3c: {  	p2 =	seq.s32 s10, $0x1;
	s10 =	sld [smem:$0x3FAB]  }
0x3d: {  	_ =	shalt  }
0x3e: {  	_ =	shalt  }
0x3f: {  	_ =	shalt  }
0x40: {  	_ =	shalt  }
0x41: {  	_ =	shalt  }
0x42: {  	_ =	shalt  }
0x43: {  	_ =	shalt  }
0x44: {  	_ =	shalt  }
0x45: {  	_ =	shalt  }
0x46: {  	_ =	shalt  }
0x47: {  	_ =	shalt  }
0x48: {  	_ =	shalt  }
0x49: {  	_ =	shalt  }
0x4a: {  	_ =	shalt  }
0x4b: {  	_ =	shalt  }
0x4c: {  	_ =	shalt  }
0x4d: {  	_ =	shalt  }
0x4e: {  	_ =	shalt  }
0x4f: {  	_ =	shalt  }
0x50: {  	_ =	shalt  }
0x51: {  	_ =	shalt  }
0x52: {  	_ =	shalt  }
0x53: {  	_ =	shalt  }
0x54: {  	_ =	shalt  }
0x55: {  	_ =	shalt  }
0x56: {  	_ =	shalt  }
0x57: {  	_ =	shalt  }
0x58: {  	_ =	shalt  }
0x59: {  	_ =	shalt  }
0x5a: {  	_ =	shalt  }
0x5b: {  	_ =	shalt  }
0x5c: {  	_ =	shalt  }
0x5d: {  	_ =	shalt  }
0x5e: {  	_ =	shalt  }
0x5f: {  	_ =	shalt  }
0x60: {  	_ =	shalt  }
0x61: {  	_ =	shalt  }
0x62: {  	_ =	shalt  }
0x63: {  	_ =	shalt  }
0x64: {  	_ =	shalt  }
0x65: {  	_ =	shalt  }
0x66: {  	_ =	shalt  }
0x67: {  	_ =	shalt  }
0x68: {  	_ =	shalt  }
0x69: {  	_ =	shalt  }
0x6a: {  	_ =	shalt  }
0x6b: {  	_ =	shalt  }
0x6c: {  	_ =	shalt  }
0x6d: {  	_ =	shalt  }
0x6e: {  	_ =	shalt  }
0x6f: {  	_ =	shalt  }
0x70: {  	_ =	shalt  }
0x71: {  	_ =	shalt  }
0x72: {  	_ =	shalt  }
0x73: {  	_ =	shalt  }
0x74: {  	_ =	shalt  }
0x75: {  	_ =	shalt  }
0x76: {  	_ =	shalt  }
0x77: {  	_ =	shalt  }
0x78: {  	_ =	shalt  }
0x79: {  	_ =	shalt  }
0x7a: {  	_ =	shalt  }
0x7b: {  	_ =	shalt  }
0x7c: {  	_ =	shalt  }
0x7d: {  	_ =	shalt  }
0x7e: {  	_ =	shalt  }
0x7f: {  	_ =	shalt  }
0x80: {  	_ =	shalt  }
0x81: {  	_ =	shalt  }
0x82: {  	_ =	shalt  }
0x83: {  	_ =	shalt  }
0x84: {  	_ =	shalt  }
0x85: {  	_ =	shalt  }
0x86: {  	_ =	shalt  }
0x87: {  	_ =	shalt  }
.Lfunc_end0:
.L_simem_size_0:
called_computation_lowered:
.L_overlay_start_0:
0x88: {  	s2 =	sld [smem:$0x3FD9]  }
0x89: {  	s3 =	sld [smem:$0x3FFE];
	_ =	sdelay $0x1  }
0x8a: {  	s1 =	srdreg.scid  }
0x8b: {  	s0 =	sand.u32 $0x1, s1  }
0x8c: {  	s16 =	sshll.u32 s0, $0xA;
	s2 =	sadd.s32 s3, s2  }
0x8d: {  	s2 =	sadd.s32 s2, s16  }
0x8e: {  	[smem:$0x3FB7] =	sst s2  }
0x8f: {  	_ = 	snop  }
0x90: {  	(tm) =	ssettm $0x1  }
0x91: {  	s17 =	sld [smem:$0x3FFB];
	_ =	sdelay $0x3  }
0x92: {  	_ =	strace s17  }
0x93: {  	s2 =	sld [smem:$0x3FFC];
	_ =	sdelay $0x3  }
0x94: {  	_ =	strace s2  }
0x95: {  	s2 =	sld [smem:$0x3FFD];
	_ =	sdelay $0x3  }
0x96: {  	_ =	strace s2  }
0x97: {  	_ =	strace $0x8FFFFFFF  }
0x98: {  	s18 =	sld [smem:$0x3FDB];
	_ =	sdelay $0x1  }
0x99: {  	s19 =	simm.s32 $_scs_section_size  }
0x9a: {  	s4 =	simm.s32 $_size__tile_overlayer_lowered;
	s5 =	simm.s32 $_tile_overlayer_lowered  }
0x9b: {  	s22 =	simm.s32 $0x1BFF;
	s21 =	sshll.u32 s5, $0x1;
	s2 =	sadd.s32 s19, s18  }
0x9c: {  	s6 =	simm.s32 $0x0;
	s20 =	sshll.u32 s4, $0x1;
	s4 =	sadd.s32 s21, s2  }
0x9d: {  	[timem:s6], [sflag:s22] =	dma.local [hbm:s4], s20  }
0x9e: {  	_ =	swait.ge [sflag:s22], s20  }
0x9f: {  	s3 =	ssub.s32 $0x0, s20;
	[sflag:s22] =	ssyncset.done $0x0  }
0xa0: {  	[sflag:s22] =	ssyncadd.s32 s3;
	_ =	sdelay $0x1  }
0xa1: {  	s23 =	simm.s32 $0x1B8B  }
0xa2: {  	_ =	swait.ge [sflag:s23], $0x1  }
0xa3: {  	[sflag:s23] =	ssyncset.done $0x0  }
0xa4: {  	s25 =	simm.s32 $0x1B8E;
	s24 =	sld [smem:$0x3FFE];
	[sflag:s23] =	ssyncadd.s32 $0xFFFFFFFF  }
0xa5: {  	s26 =	simm.s32 $execute0_lowered;
	[smem:$0x3FD2] =	sst s25  }
0xa6: {  	s4 =	sshll.u32 s26, $0x1;
	_ =	strace $0x80000046;
	[dreg:$0x1] =	wrdreg $0xFFFFFFFF  }
0xa7: {  	s28 =	simm.s32 $_size_execute0_lowered;
	s2 =	sadd.s32 s2, s4;
	[dreg:$0x0] =	wrdreg $0x0  }
0xa8: {  	s4 =	sshll.u32 s28, $0x1;
	[dreg:$0x2] =	wrdreg s2  }
0xa9: {  	[dreg:$0x3] =	wrdreg s4  }
0xaa: {  	[dreg:$0x4] =	wrdreg $0xC0  }
0xab: {  	_ =	task [dreg:s6], $0x5FFFF  }
0xac: {  	[dreg:$0x1] =	wrdreg $0xFFFFFFFF  }
0xad: {  	[dreg:$0x0] =	wrdreg $0x60  }
0xae: {  	[dreg:$0x2] =	wrdreg s24  }
0xaf: {  	[dreg:$0x3] =	wrdreg $0x9  }
0xb0: {  	_ =	task.clear_ibuf [dreg:s6], $0x4FFFF;
	_ =	strace $0x90000046  }
0xb1: {  	s29 =	simm.s32 $0x9;
	_ =	strace $0x80000048  }
0xb2: {  	_ =	swait.ge [sflag:s29], $0x1  }
0xb3: {  	[sflag:s29] =	ssyncadd.s32 $0xFFFFFFFF  }
0xb4: {  	_ =	strace $0x90000048  }
0xb5: {  	_ =	sfence  }
0xb6: {  	s30 =	sld [smem:$0x0];
	_ =	sdelay $0x2  }
0xb7: {  	s31 =	sshll.u32 s1, $0xD;
	s1 =	sshrl.u32 s1, $0x2  }
0xb8: {  	s3 =	sand.u32 $0x4000, s31;
	s1 =	sadd.s32 s1, s30  }
0xb9: {  	s0 =	sor.u32 s3, s0;
	s1 =	sshll.u32 s1, $0x11  }
0xba: {  	s0 =	sor.u32 s1, s0  }
0xbb: {  	s0 =	sadd.s32 $0x8F2B, s0  }
0xbc: {  	[sflag:s0] =	ssyncadd.remote.s32 $0x1  }
0xbd: {  	_ =	sfence.sel $0xFFFF  }
0xbe: {  	[dreg:$0x0] =	wrdreg $0xFFFFFFFF;
	(pc) =	sbr.abs _section_cstart, $3  }
0xbf: {  	[dreg:$0x1] =	wrdreg $0xFFFFFFFF  }
0xc0: {  	_ =	task.clear_ibuf [dreg:s6], $0x2FFFF;
	_ =	strace $0x9FFFFFFF  }
0xc1: {  	(tm) =	ssettm $0x7FFFFFFF  }
tec
execute0_lowered:
.L_overlay_start_1:
0x0: {  	(tag) =	ssettag $0x1  }
0x1: {  	s5 =	rddreg [dreg:$0x0];
	s2 =	simm.s32 $0x0;
	v25 =	vlaneseq.u32  }
0x2: {  	s1 =	srdreg.scid;
	[smem:$0x7FF] =	sst s2;
	v17 =	vor.u32 $0x400, v25  }
0x3: {  	s3 =	sand.u32 $0x1, s1;
	s1 =	rddreg [dreg:$0x1];
	v15 =	vor.u32 $0x480, v25;
	_ =	strace $0x80000047;
	[tilespmem:$0x1FE60] =	vst v17  }
0x4: {  	v12 =	vor.u32 $0x500, v25;
	[tilespmem:$0x1FE70] =	vst v15  }
0x5: {  	v6 =	vor.u32 $0x680, v25;
	[tilespmem:$0x1FE80] =	vst v12  }
0x6: {  	v4 =	vor.u32 $0x700, v25;
	[tilespmem:$0x1FE90] =	vst v6  }
0x7: {  	v5 =	vor.u32 $0x780, v25;
	[tilespmem:$0x1FEA0] =	vst v4  }
0x8: {  	v8 =	vor.u32 $0x600, v25;
	[tilespmem:$0x1FEB0] =	vst v5  }
0x9: {  	v9 =	vor.u32 $0x880, v25;
	[tilespmem:$0x1FEC0] =	vst v8  }
0xa: {  	v11 =	vor.u32 $0x900, v25;
	[tilespmem:$0x1FED0] =	vst v9  }
0xb: {  	v13 =	vor.u32 $0x980, v25;
	[tilespmem:$0x1FEE0] =	vst v11  }
0xc: {  	v16 =	vor.u32 $0xA00, v25;
	[tilespmem:$0x1FEF0] =	vst v13  }
0xd: {  	v18 =	vor.u32 $0xA80, v25;
	[tilespmem:$0x1FF00] =	vst v16  }
0xe: {  	v19 =	vor.u32 $0xB00, v25;
	[tilespmem:$0x1FF10] =	vst v18  }
0xf: {  	v20 =	vor.u32 $0xB80, v25;
	[tilespmem:$0x1FF20] =	vst v19  }
0x10: {  	s0 =	stileid.u32;
	s14 =	simm.s32 $0x1;
	s15 =	simm.s32 $0x5A00;
	v21 =	vor.u32 $0xC00, v25;
	[tilespmem:$0x1FF30] =	vst v20  }
0x11: {  	s16 =	simm.s32 $0x9A00;
	s17 =	simm.s32 $0x400;
	s4 =	sshll.u32 s0, $0x1;
	v22 =	vor.u32 $0xC80, v25;
	[tilespmem:$0x1FF40] =	vst v21  }
0x12: {  	s18 =	simm.s32 $0x8000;
	s19 =	simm.s32 $0x2;
	v10 =	vor.u32 $0x580, v25;
	s4 =	sor.u32 s3, s4;
	[tilespmem:$0x1FF50] =	vst v22  }
0x13: {  	s20 =	simm.s32 $0xC80;
	v7 =	vor.u32 $0x800, v25;
	s7 =	ssub.s32 $0x2, s3;
	[tilespmem:$0x1FF60] =	vst v10;
	s6 =	smul.u32 $0x1A0, s4  }
0x14: {  	s21 =	simm.s32 $0x0;
	v37 =	vor.u32 $0xE00, v25;
	[tilespmem:$0x1FF70] =	vst v7;
	s3 =	smul.u32 $0x1A, s4;
	s30 =	sshrl.u32 s7, $0x1  }
0x15: {  	v36 =	vor.u32 $0xE80, v25;
	[tilespmem:$0x1FF80] =	vst v37;
	s4 =	sadd.s32 $0x9000, s5;
	s10 =	ssub.s32 s7, s30;
	s8 =	sadd.s32 s6, s5  }
0x16: {  	v14 =	vor.u32 $0xF00, v25;
	[tilespmem:$0x1FF90] =	vst v36;
	s5 =	sadd.s32 $0xA31000, s5;
	s31 =	sadd.s32 $0x18, s3;
	s11 =	sadd.s32 $0x19, s3  }
0x17: {  	v34 =	vor.u32 $0xF80, v25;
	[tilespmem:$0x1FFA0] =	vst v14;
	s10 =	smax.u32 s10, $0x1;
	s6 =	sadd.s32 $0x2800, s8;
	s9 =	sshll.u32 s31, $0x9  }
0x18: {  	v38 =	vor.u32 $0x380, v25;
	[tilespmem:$0x1FFB0] =	vst v34;
	s7 =	sshll.u32 s31, $0x7;
	s12 =	sshll.u32 s11, $0x7;
	s11 =	sshll.u32 s11, $0x9  }
0x19: {  	v35 =	vor.u32 $0x300, v25;
	[tilespmem:$0x1FFC0] =	vst v38;
	s9 =	sand.u32 $0xFC000, s9;
	s7 =	sand.u32 $0xF00, s7;
	s12 =	sand.u32 $0xF80, s12  }
0x1a: {  	v29 =	vor.u32 $0x280, v25;
	[tilespmem:$0x1FFD0] =	vst v35;
	s11 =	sand.u32 $0xFC000, s11;
	s13 =	sadd.s32 s5, s7;
	s12 =	sadd.s32 s5, s12  }
0x1b: {  	v39 =	vor.u32 $0x80, v25;
	v41 =	vor.u32 $0x100, v25;
	v24 =	vor.u32 $0x200, v25;
	[tilespmem:$0x1FFE0] =	vst v29;
	s7 =	sadd.s32 $0x5C00, s8;
	s8 =	sadd.s32 s9, s13;
	s9 =	sadd.s32 s11, s12  }
0x1c: {  	v43 =	vor.u32 $0x180, v25;
	v23 =	vor.u32 $0xD00, v25;
	v40 =	vor.u32 $0xD80, v25;
	[tilespmem:$0x1FFF0] =	vst v24;
	s11 =	simm.s32 $0x3;
	s12 =	simm.s32 $0x80;
	s13 =	simm.s32 $0x1A00  }
.LBB2_1:
0x1d: {  	[tilespmem:s2], [sflag:$0x3] =	stream.linear.gather [hbm4b:s6+s2], $0xD00, $0x38;
	[tilespmem:$0xAA00] =	vst v63  }
0x1e: {  	_ =	swait.ge [sflag:s11], $0xD00  }
0x1f: {  	[sflag:s11] =	ssyncset.done $0x0  }
0x20: {  	s22 =	simm.s32 $0xD00;
	[sflag:s11] =	ssyncadd.s32 $0xFFFFF300  }
0x21: {  	[tilespmem:s22], [sflag:$0x3] =	stream.linear.gather [hbm4b:s7+s2], $0xD00, $0x38;
	[tilespmem:$0xAA00] =	vst v63  }
0x22: {  	_ =	swait.ge [sflag:s11], $0xD00  }
0x23: {  	[sflag:s11] =	ssyncset.done $0x0  }
0x24: {  	[sflag:s11] =	ssyncadd.s32 $0xFFFFF300  }
0x25: {  	[tilespmem:s13], [sflag:$0x1] =	stream.indirect.gather [hbm4b:s4+s12], $0x80, s2, s12, $0xb8;
	[tilespmem:$0xAA00] =	vst v63  }
0x26: {  	_ =	swait.ge [sflag:s14], $0x4000  }
0x27: {  	[sflag:s14] =	ssyncset.done $0x0  }
0x28: {  	s23 =	simm.s32 $0xD80;
	s24 =	simm.s32 $0x0;
	[sflag:s14] =	ssyncadd.s32 $0xFFFFC000  }
.LBB2_2:
0x29: {  	s25 =	sshllo.u32 s24, $0x1  }
0x2a: {  	s26 =	sshll.u32 s25, $0x7  }
0x2b: {  	s26 =	sand.u32 $0x3FFFFF80, s26  }
0x2c: {  	[tilespmem:s15], [sflag:$0x2] =	stream.indirect.gather [hbm4b:s4+s12], $0x80, s26, s12, $0xb8;
	[tilespmem:$0xAA00] =	vst v63  }
0x2d: {  	v32 =	vld [tilespmem:s22+$0x0];
	_ =	sdelay $0x2  }
0x2e: {  	s30 =	simm.s32 $0x0  }
0x2f: {  	v0 =	vor.u32 s30, v25  }
0x30: {  	v33 =	vshll.u32 v0, $0x7;
	v1 =	vand.u32 $0xFFFFFF80, v32  }
0x31: {  	v2 =	vand.u32 $0x7F, v32;
	v1 =	vadd.s32 v33, v1  }
0x32: {  	v1 =	vor.u32 v2, v1;
	_ =	sdelay $0x2  }
0x33: {  	v2 =	vadd.s32 $0x1, v32  }
0x34: {  	v3 =	vand.u32 $0xFFFFFF80, v2  }
0x35: {  	v2 =	vand.u32 $0x7F, v2;
	v3 =	vadd.s32 v33, v3;
	v1 =	vld.idx.msk [tilespmem:v1+s13+$0x0], $0xffff  }
0x36: {  	v2 =	vor.u32 v2, v3;
	_ =	sdelay $0x2  }
0x37: {  	v3 =	vadd.s32 $0x2, v32  }
0x38: {  	[tilespmem:v0+s16+$0x0] =	vst.idx.msk $0xffff, v1;
	v0 =	vand.u32 $0xFFFFFF80, v3  }
0x39: {  	v3 =	vand.u32 $0x7F, v3;
	v0 =	vadd.s32 v33, v0;
	v1 =	vld.idx.msk [tilespmem:v2+s13+$0x0], $0xffff;
	v2 =	vor.u32 s30, v39  }
0x3a: {  	v0 =	vor.u32 v3, v0;
	_ =	sdelay $0x2  }
0x3b: {  	v3 =	vadd.s32 $0x3, v32  }
0x3c: {  	[tilespmem:v2+s16+$0x0] =	vst.idx.msk $0xffff, v1;
	v1 =	vand.u32 $0xFFFFFF80, v3  }
0x3d: {  	v2 =	vor.u32 s30, v41;
	v3 =	vand.u32 $0x7F, v3;
	v1 =	vadd.s32 v33, v1;
	v0 =	vld.idx.msk [tilespmem:v0+s13+$0x0], $0xffff  }
0x3e: {  	v1 =	vor.u32 v3, v1;
	_ =	sdelay $0x2  }
0x3f: {  	v3 =	vadd.s32 $0x4, v32  }
0x40: {  	[tilespmem:v2+s16+$0x0] =	vst.idx.msk $0xffff, v0;
	v0 =	vand.u32 $0xFFFFFF80, v3  }
0x41: {  	v2 =	vor.u32 s30, v43;
	v3 =	vand.u32 $0x7F, v3;
	v0 =	vadd.s32 v33, v0;
	v1 =	vld.idx.msk [tilespmem:v1+s13+$0x0], $0xffff  }
0x42: {  	v0 =	vor.u32 v3, v0;
	_ =	sdelay $0x2  }
0x43: {  	v3 =	vadd.s32 $0x5, v32  }
0x44: {  	[tilespmem:v2+s16+$0x0] =	vst.idx.msk $0xffff, v1;
	v1 =	vand.u32 $0xFFFFFF80, v3  }
0x45: {  	v2 =	vor.u32 s30, v24;
	v3 =	vand.u32 $0x7F, v3;
	v1 =	vadd.s32 v33, v1;
	v0 =	vld.idx.msk [tilespmem:v0+s13+$0x0], $0xffff  }
0x46: {  	v1 =	vor.u32 v3, v1;
	_ =	sdelay $0x2  }
0x47: {  	v3 =	vadd.s32 $0x6, v32  }
0x48: {  	[tilespmem:v2+s16+$0x0] =	vst.idx.msk $0xffff, v0;
	v0 =	vand.u32 $0xFFFFFF80, v3  }
0x49: {  	v2 =	vor.u32 s30, v29;
	v3 =	vand.u32 $0x7F, v3;
	v0 =	vadd.s32 v33, v0;
	v1 =	vld.idx.msk [tilespmem:v1+s13+$0x0], $0xffff  }
0x4a: {  	v0 =	vor.u32 v3, v0;
	_ =	sdelay $0x2  }
0x4b: {  	v3 =	vadd.s32 $0x7, v32  }
0x4c: {  	[tilespmem:v2+s16+$0x0] =	vst.idx.msk $0xffff, v1;
	v1 =	vand.u32 $0xFFFFFF80, v3  }
0x4d: {  	v2 =	vor.u32 s30, v35;
	v3 =	vand.u32 $0x7F, v3;
	v1 =	vadd.s32 v33, v1;
	v0 =	vld.idx.msk [tilespmem:v0+s13+$0x0], $0xffff  }
0x4e: {  	v1 =	vor.u32 v3, v1;
	_ =	sdelay $0x2  }
0x4f: {  	v3 =	vadd.s32 $0x8, v32  }
0x50: {  	[tilespmem:v2+s16+$0x0] =	vst.idx.msk $0xffff, v0;
	v0 =	vand.u32 $0xFFFFFF80, v3  }
0x51: {  	v2 =	vor.u32 s30, v38;
	v3 =	vand.u32 $0x7F, v3;
	v0 =	vadd.s32 v33, v0;
	v1 =	vld.idx.msk [tilespmem:v1+s13+$0x0], $0xffff  }
0x52: {  	v0 =	vor.u32 v3, v0;
	_ =	sdelay $0x2  }
0x53: {  	v3 =	vadd.s32 $0x9, v32  }
0x54: {  	[tilespmem:v2+s16+$0x0] =	vst.idx.msk $0xffff, v1;
	v1 =	vand.u32 $0xFFFFFF80, v3  }
0x55: {  	v2 =	vor.u32 s30, v17;
	v3 =	vand.u32 $0x7F, v3;
	v1 =	vadd.s32 v33, v1;
	v0 =	vld.idx.msk [tilespmem:v0+s13+$0x0], $0xffff  }
0x56: {  	v1 =	vor.u32 v3, v1;
	_ =	sdelay $0x2  }
0x57: {  	v3 =	vadd.s32 $0xA, v32  }
0x58: {  	[tilespmem:v2+s16+$0x0] =	vst.idx.msk $0xffff, v0;
	v0 =	vand.u32 $0xFFFFFF80, v3  }
0x59: {  	v2 =	vor.u32 s30, v15;
	v3 =	vand.u32 $0x7F, v3;
	v0 =	vadd.s32 v33, v0;
	v1 =	vld.idx.msk [tilespmem:v1+s13+$0x0], $0xffff  }
0x5a: {  	v0 =	vor.u32 v3, v0;
	_ =	sdelay $0x2  }
0x5b: {  	v3 =	vadd.s32 $0xB, v32  }
0x5c: {  	[tilespmem:v2+s16+$0x0] =	vst.idx.msk $0xffff, v1;
	v1 =	vand.u32 $0xFFFFFF80, v3  }
0x5d: {  	v2 =	vor.u32 s30, v12;
	v3 =	vand.u32 $0x7F, v3;
	v1 =	vadd.s32 v33, v1;
	v0 =	vld.idx.msk [tilespmem:v0+s13+$0x0], $0xffff  }
0x5e: {  	v1 =	vor.u32 v3, v1;
	_ =	sdelay $0x2  }
0x5f: {  	v3 =	vadd.s32 $0xC, v32  }
0x60: {  	[tilespmem:v2+s16+$0x0] =	vst.idx.msk $0xffff, v0;
	v0 =	vand.u32 $0xFFFFFF80, v3  }
0x61: {  	v2 =	vor.u32 s30, v10;
	v3 =	vand.u32 $0x7F, v3;
	v0 =	vadd.s32 v33, v0;
	v1 =	vld.idx.msk [tilespmem:v1+s13+$0x0], $0xffff  }
0x62: {  	v0 =	vor.u32 v3, v0;
	_ =	sdelay $0x2  }
0x63: {  	v3 =	vadd.s32 $0xD, v32  }
0x64: {  	[tilespmem:v2+s16+$0x0] =	vst.idx.msk $0xffff, v1;
	v1 =	vand.u32 $0xFFFFFF80, v3  }
0x65: {  	v2 =	vor.u32 s30, v8;
	v3 =	vand.u32 $0x7F, v3;
	v1 =	vadd.s32 v33, v1;
	v0 =	vld.idx.msk [tilespmem:v0+s13+$0x0], $0xffff  }
0x66: {  	v1 =	vor.u32 v3, v1;
	_ =	sdelay $0x2  }
0x67: {  	v3 =	vadd.s32 $0xE, v32  }
0x68: {  	[tilespmem:v2+s16+$0x0] =	vst.idx.msk $0xffff, v0;
	v0 =	vand.u32 $0xFFFFFF80, v3  }
0x69: {  	v2 =	vor.u32 s30, v6;
	v3 =	vand.u32 $0x7F, v3;
	v0 =	vadd.s32 v33, v0;
	v1 =	vld.idx.msk [tilespmem:v1+s13+$0x0], $0xffff  }
0x6a: {  	v0 =	vor.u32 v3, v0;
	_ =	sdelay $0x2  }
0x6b: {  	v3 =	vadd.s32 $0xF, v32  }
0x6c: {  	[tilespmem:v2+s16+$0x0] =	vst.idx.msk $0xffff, v1;
	v1 =	vand.u32 $0xFFFFFF80, v3  }
0x6d: {  	v2 =	vor.u32 s30, v4;
	v3 =	vand.u32 $0x7F, v3;
	v1 =	vadd.s32 v33, v1;
	v0 =	vld.idx.msk [tilespmem:v0+s13+$0x0], $0xffff  }
0x6e: {  	v1 =	vor.u32 v3, v1;
	_ =	sdelay $0x2  }
0x6f: {  	v3 =	vadd.s32 $0x10, v32  }
0x70: {  	[tilespmem:v2+s16+$0x0] =	vst.idx.msk $0xffff, v0;
	v0 =	vand.u32 $0xFFFFFF80, v3  }
0x71: {  	v2 =	vor.u32 s30, v5;
	v3 =	vand.u32 $0x7F, v3;
	v0 =	vadd.s32 v33, v0;
	v1 =	vld.idx.msk [tilespmem:v1+s13+$0x0], $0xffff  }
0x72: {  	v0 =	vor.u32 v3, v0;
	_ =	sdelay $0x2  }
0x73: {  	v3 =	vadd.s32 $0x11, v32  }
0x74: {  	[tilespmem:v2+s16+$0x0] =	vst.idx.msk $0xffff, v1;
	v1 =	vand.u32 $0xFFFFFF80, v3  }
0x75: {  	v2 =	vor.u32 s30, v7;
	v3 =	vand.u32 $0x7F, v3;
	v1 =	vadd.s32 v33, v1;
	v0 =	vld.idx.msk [tilespmem:v0+s13+$0x0], $0xffff  }
0x76: {  	v1 =	vor.u32 v3, v1;
	_ =	sdelay $0x2  }
0x77: {  	v3 =	vadd.s32 $0x12, v32  }
0x78: {  	[tilespmem:v2+s16+$0x0] =	vst.idx.msk $0xffff, v0;
	v0 =	vand.u32 $0xFFFFFF80, v3  }
0x79: {  	v2 =	vor.u32 s30, v9;
	v3 =	vand.u32 $0x7F, v3;
	v0 =	vadd.s32 v33, v0;
	v1 =	vld.idx.msk [tilespmem:v1+s13+$0x0], $0xffff  }
0x7a: {  	v0 =	vor.u32 v3, v0;
	_ =	sdelay $0x2  }
0x7b: {  	v3 =	vadd.s32 $0x13, v32  }
0x7c: {  	[tilespmem:v2+s16+$0x0] =	vst.idx.msk $0xffff, v1;
	v1 =	vand.u32 $0xFFFFFF80, v3  }
0x7d: {  	v2 =	vor.u32 s30, v11;
	v3 =	vand.u32 $0x7F, v3;
	v1 =	vadd.s32 v33, v1;
	v0 =	vld.idx.msk [tilespmem:v0+s13+$0x0], $0xffff  }
0x7e: {  	v1 =	vor.u32 v3, v1;
	_ =	sdelay $0x2  }
0x7f: {  	v3 =	vadd.s32 $0x14, v32  }
0x80: {  	[tilespmem:v2+s16+$0x0] =	vst.idx.msk $0xffff, v0;
	v0 =	vand.u32 $0xFFFFFF80, v3  }
0x81: {  	v2 =	vor.u32 s30, v13;
	v3 =	vand.u32 $0x7F, v3;
	v0 =	vadd.s32 v33, v0;
	v1 =	vld.idx.msk [tilespmem:v1+s13+$0x0], $0xffff  }
0x82: {  	v0 =	vor.u32 v3, v0;
	_ =	sdelay $0x2  }
0x83: {  	v3 =	vadd.s32 $0x15, v32  }
0x84: {  	[tilespmem:v2+s16+$0x0] =	vst.idx.msk $0xffff, v1;
	v1 =	vand.u32 $0xFFFFFF80, v3  }
0x85: {  	v2 =	vor.u32 s30, v16;
	v3 =	vand.u32 $0x7F, v3;
	v1 =	vadd.s32 v33, v1;
	v0 =	vld.idx.msk [tilespmem:v0+s13+$0x0], $0xffff  }
0x86: {  	v1 =	vor.u32 v3, v1;
	_ =	sdelay $0x2  }
0x87: {  	v3 =	vadd.s32 $0x16, v32  }
0x88: {  	[tilespmem:v2+s16+$0x0] =	vst.idx.msk $0xffff, v0;
	v0 =	vand.u32 $0xFFFFFF80, v3  }
0x89: {  	v2 =	vor.u32 s30, v18;
	v3 =	vand.u32 $0x7F, v3;
	v0 =	vadd.s32 v33, v0;
	v1 =	vld.idx.msk [tilespmem:v1+s13+$0x0], $0xffff  }
0x8a: {  	v0 =	vor.u32 v3, v0;
	_ =	sdelay $0x2  }
0x8b: {  	v3 =	vadd.s32 $0x17, v32  }
0x8c: {  	[tilespmem:v2+s16+$0x0] =	vst.idx.msk $0xffff, v1;
	v1 =	vand.u32 $0xFFFFFF80, v3  }
0x8d: {  	v2 =	vor.u32 s30, v19;
	v3 =	vand.u32 $0x7F, v3;
	v1 =	vadd.s32 v33, v1;
	v0 =	vld.idx.msk [tilespmem:v0+s13+$0x0], $0xffff  }
0x8e: {  	v1 =	vor.u32 v3, v1;
	_ =	sdelay $0x2  }
0x8f: {  	v3 =	vadd.s32 $0x18, v32  }
0x90: {  	[tilespmem:v2+s16+$0x0] =	vst.idx.msk $0xffff, v0;
	v0 =	vand.u32 $0xFFFFFF80, v3  }
0x91: {  	v2 =	vor.u32 s30, v20;
	v3 =	vand.u32 $0x7F, v3;
	v0 =	vadd.s32 v33, v0;
	v1 =	vld.idx.msk [tilespmem:v1+s13+$0x0], $0xffff  }
0x92: {  	v0 =	vor.u32 v3, v0;
	_ =	sdelay $0x2  }
0x93: {  	v3 =	vadd.s32 $0x19, v32  }
0x94: {  	[tilespmem:v2+s16+$0x0] =	vst.idx.msk $0xffff, v1;
	v1 =	vand.u32 $0xFFFFFF80, v3  }
0x95: {  	v2 =	vor.u32 s30, v21;
	v3 =	vand.u32 $0x7F, v3;
	v1 =	vadd.s32 v33, v1;
	v0 =	vld.idx.msk [tilespmem:v0+s13+$0x0], $0xffff  }
0x96: {  	v1 =	vor.u32 v3, v1;
	_ =	sdelay $0x2  }
0x97: {  	v3 =	vadd.s32 $0x1A, v32  }
0x98: {  	[tilespmem:v2+s16+$0x0] =	vst.idx.msk $0xffff, v0;
	v0 =	vand.u32 $0xFFFFFF80, v3  }
0x99: {  	v2 =	vor.u32 s30, v22;
	v3 =	vand.u32 $0x7F, v3;
	v0 =	vadd.s32 v33, v0;
	v1 =	vld.idx.msk [tilespmem:v1+s13+$0x0], $0xffff  }
0x9a: {  	v0 =	vor.u32 v3, v0;
	_ =	sdelay $0x2  }
0x9b: {  	v3 =	vadd.s32 $0x1B, v32  }
0x9c: {  	[tilespmem:v2+s16+$0x0] =	vst.idx.msk $0xffff, v1;
	v1 =	vand.u32 $0xFFFFFF80, v3  }
0x9d: {  	v2 =	vor.u32 s30, v23;
	v3 =	vand.u32 $0x7F, v3;
	v1 =	vadd.s32 v33, v1;
	v0 =	vld.idx.msk [tilespmem:v0+s13+$0x0], $0xffff  }
0x9e: {  	v1 =	vor.u32 v3, v1;
	_ =	sdelay $0x2  }
0x9f: {  	v3 =	vadd.s32 $0x1C, v32  }
0xa0: {  	[tilespmem:v2+s16+$0x0] =	vst.idx.msk $0xffff, v0;
	v0 =	vand.u32 $0xFFFFFF80, v3  }
0xa1: {  	v2 =	vor.u32 s30, v40;
	v3 =	vand.u32 $0x7F, v3;
	v0 =	vadd.s32 v33, v0;
	v1 =	vld.idx.msk [tilespmem:v1+s13+$0x0], $0xffff  }
0xa2: {  	v0 =	vor.u32 v3, v0;
	_ =	sdelay $0x2  }
0xa3: {  	v3 =	vadd.s32 $0x1D, v32  }
0xa4: {  	[tilespmem:v2+s16+$0x0] =	vst.idx.msk $0xffff, v1;
	v1 =	vand.u32 $0xFFFFFF80, v3  }
0xa5: {  	v2 =	vor.u32 s30, v37;
	v3 =	vand.u32 $0x7F, v3;
	v1 =	vadd.s32 v33, v1;
	v0 =	vld.idx.msk [tilespmem:v0+s13+$0x0], $0xffff  }
0xa6: {  	v1 =	vor.u32 v3, v1;
	_ =	sdelay $0x2  }
0xa7: {  	v3 =	vadd.s32 $0x1E, v32  }
0xa8: {  	[tilespmem:v2+s16+$0x0] =	vst.idx.msk $0xffff, v0;
	v0 =	vand.u32 $0xFFFFFF80, v3  }
0xa9: {  	v2 =	vor.u32 s30, v36;
	v3 =	vand.u32 $0x7F, v3;
	v0 =	vadd.s32 v33, v0;
	v1 =	vld.idx.msk [tilespmem:v1+s13+$0x0], $0xffff  }
0xaa: {  	v0 =	vor.u32 v3, v0;
	_ =	sdelay $0x2  }
0xab: {  	v3 =	vadd.s32 $0x1F, v32  }
0xac: {  	[tilespmem:v2+s16+$0x0] =	vst.idx.msk $0xffff, v1;
	v1 =	vand.u32 $0xFFFFFF80, v3  }
0xad: {  	v2 =	vor.u32 s30, v14;
	v3 =	vand.u32 $0x7F, v3;
	v1 =	vadd.s32 v33, v1;
	v0 =	vld.idx.msk [tilespmem:v0+s13+$0x0], $0xffff  }
0xae: {  	v1 =	vor.u32 v3, v1;
	_ =	sdelay $0x3  }
0xaf: {  	s28 =	sshll.u32 s24, $0x1;
	[tilespmem:v2+s16+$0x0] =	vst.idx.msk $0xffff, v0  }
0xb0: {  	s29 =	simm.s32 $0x10;
	s26 =	sshll.u32 s24, $0xA;
	v29 =	vmov v24;
	v0 =	vld.idx.msk [tilespmem:v1+s13+$0x0], $0xffff;
	v1 =	vor.u32 s30, v34;
	s30 =	smov.u32 s22  }
.LBB2_3:
0xb1: {  	_ =	sdelay $0x3  }
0xb2: {  	s30 =	sadd.s32 $0x10, s30;
	[tilespmem:v1+s16+$0x0] =	vst.idx.msk $0xffff, v0  }
0xb3: {  	v32 =	vld [tilespmem:s30+$0x0];
	_ =	sdelay $0x2  }
0xb4: {  	s31 =	smov.u32 s29  }
0xb5: {  	v47 =	vor.u32 s31, v39;
	v0 =	vor.u32 s31, v25  }
0xb6: {  	v26 =	vmovc v39;
	v39 =	vor.u32 s31, v41;
	v34 =	vshll.u32 v0, $0x7;
	v1 =	vand.u32 $0xFFFFFF80, v32  }
0xb7: {  	v2 =	vadd.s32 $0x1, v32;
	v3 =	vand.u32 $0x7F, v32;
	v21 =	vadd.s32 $0x3, v32  }
0xb8: {  	v33 =	vadd.s32 $0x4, v32;
	v20 =	vadd.s32 $0x5, v32;
	v18 =	vadd.s32 $0x6, v32  }
0xb9: {  	v14 =	vadd.s32 $0x7, v32;
	v15 =	vadd.s32 $0x8, v32;
	v12 =	vadd.s32 $0x9, v32  }
0xba: {  	v9 =	vadd.s32 $0xA, v32;
	v8 =	vadd.s32 $0xB, v32;
	v1 =	vadd.s32 v34, v1  }
0xbb: {  	v61 =	vadd.s32 $0x10, v32;
	v60 =	vadd.s32 $0x11, v32;
	v1 =	vor.u32 v3, v1  }
0xbc: {  	v57 =	vadd.s32 $0x12, v32;
	v54 =	vadd.s32 $0x13, v32;
	v55 =	vadd.s32 $0x14, v32  }
0xbd: {  	v52 =	vadd.s32 $0x15, v32;
	v4 =	vand.u32 $0xFFFFFF80, v2;
	v6 =	vand.u32 $0xFFFFFF80, v33  }
0xbe: {  	v2 =	vand.u32 $0x7F, v2;
	v3 =	vadd.s32 v34, v4;
	v4 =	vadd.s32 $0x2, v32  }
0xbf: {  	v49 =	vand.u32 $0xFFFFFF80, v61;
	v50 =	vand.u32 $0xFFFFFF80, v60;
	v5 =	vand.u32 $0xFFFFFF80, v4  }
0xc0: {  	v51 =	vand.u32 $0xFFFFFF80, v57;
	v35 =	vadd.s32 v34, v5;
	v5 =	vand.u32 $0xFFFFFF80, v21;
	v1 =	vld.idx.msk [tilespmem:v1+s13+$0x0], $0xffff  }
0xc1: {  	v3 =	vor.u32 v2, v3;
	v36 =	vadd.s32 v34, v5;
	v5 =	vand.u32 $0xFFFFFF80, v20  }
0xc2: {  	v58 =	vand.u32 $0xFFFFFF80, v54;
	v22 =	vadd.s32 v34, v5;
	v5 =	vand.u32 $0xFFFFFF80, v18  }
0xc3: {  	v42 =	vand.u32 $0xFFFFFF80, v55;
	v19 =	vadd.s32 v34, v5;
	v5 =	vand.u32 $0xFFFFFF80, v12  }
0xc4: {  	v44 =	vand.u32 $0xFFFFFF80, v52;
	v13 =	vadd.s32 v34, v5;
	v5 =	vadd.s32 $0xC, v32  }
0xc5: {  	v33 =	vand.u32 $0x7F, v33;
	v37 =	vadd.s32 v34, v6;
	[tilespmem:v0+s16+$0x0] =	vst.idx.msk $0xffff, v1;
	v1 =	vand.u32 $0xFFFFFF80, v5  }
0xc6: {  	v6 =	vand.u32 $0xFFFFFF80, v14;
	v38 =	vld.idx.msk [tilespmem:v3+s13+$0x0], $0xffff;
	v7 =	vadd.s32 v34, v1;
	v1 =	vand.u32 $0x7F, v4  }
0xc7: {  	v63 =	vadd.s32 v34, v49;
	v62 =	vadd.s32 v34, v50;
	v35 =	vor.u32 v1, v35  }
0xc8: {  	v59 =	vadd.s32 v34, v51;
	v58 =	vadd.s32 v34, v58;
	v49 =	vadd.s32 $0x16, v32  }
0xc9: {  	v56 =	vadd.s32 v34, v42;
	v53 =	vadd.s32 v34, v44;
	v42 =	vadd.s32 $0x19, v32  }
0xca: {  	v17 =	vadd.s32 v34, v6;
	v2 =	vand.u32 $0xFFFFFF80, v15;
	v45 =	vand.u32 $0xFFFFFF80, v49  }
0xcb: {  	v30 =	vmovc v40;
	v40 =	vand.u32 $0xFFFFFF80, v42;
	v16 =	vadd.s32 v34, v2;
	v2 =	vand.u32 $0xFFFFFF80, v9;
	[tilespmem:v47+s16+$0x0] =	vst.idx.msk $0xffff, v38  }
0xcc: {  	v21 =	vand.u32 $0x7F, v21;
	v51 =	vadd.s32 v34, v45;
	v11 =	vadd.s32 v34, v2;
	v35 =	vld.idx.msk [tilespmem:v35+s13+$0x0], $0xffff  }
0xcd: {  	v2 =	vadd.s32 $0xD, v32;
	v21 =	vor.u32 v21, v36;
	v0 =	vand.u32 $0xFFFFFF80, v8  }
0xce: {  	v45 =	vadd.s32 $0x18, v32;
	v10 =	vadd.s32 v34, v0;
	v0 =	vand.u32 $0xFFFFFF80, v2  }
0xcf: {  	v3 =	vadd.s32 $0xE, v32;
	v6 =	vadd.s32 v34, v0;
	v0 =	vadd.s32 $0xF, v32  }
0xd0: {  	v20 =	vand.u32 $0x7F, v20;
	v1 =	vand.u32 $0xFFFFFF80, v3;
	v48 =	vand.u32 $0xFFFFFF80, v0  }
0xd1: {  	v4 =	vadd.s32 v34, v1;
	v1 =	vadd.s32 v34, v48;
	v48 =	vadd.s32 $0x17, v32;
	[tilespmem:v39+s16+$0x0] =	vst.idx.msk $0xffff, v35  }
0xd2: {  	v20 =	vor.u32 v20, v22;
	v46 =	vand.u32 $0xFFFFFF80, v48;
	v38 =	vor.u32 s31, v43;
	v21 =	vld.idx.msk [tilespmem:v21+s13+$0x0], $0xffff  }
0xd3: {  	v47 =	vand.u32 $0xFFFFFF80, v45;
	v50 =	vadd.s32 v34, v46;
	v46 =	vadd.s32 v34, v40  }
0xd4: {  	v28 =	vmovc v43;
	v43 =	vadd.s32 $0x1A, v32;
	v40 =	vadd.s32 $0x1B, v32;
	v35 =	vor.u32 v33, v37  }
0xd5: {  	v47 =	vadd.s32 v34, v47;
	v44 =	vand.u32 $0xFFFFFF80, v43;
	v36 =	vand.u32 $0xFFFFFF80, v40  }
0xd6: {  	v27 =	vmovc v41;
	v41 =	vadd.s32 v34, v36;
	v36 =	vadd.s32 $0x1D, v32;
	v37 =	vadd.s32 $0x1C, v32  }
0xd7: {  	v33 =	vadd.s32 $0x1E, v32;
	v32 =	vadd.s32 $0x1F, v32;
	[tilespmem:v38+s16+$0x0] =	vst.idx.msk $0xffff, v21;
	v21 =	vand.u32 $0xFFFFFF80, v36  }
0xd8: {  	v31 =	vmovc v23;
	v39 =	vand.u32 $0xFFFFFF80, v37;
	v23 =	vand.u32 $0xFFFFFF80, v33;
	v38 =	vadd.s32 v34, v21  }
0xd9: {  	v24 =	vld.idx.msk [tilespmem:v35+s13+$0x0], $0xffff;
	v35 =	vadd.s32 v34, v23;
	v21 =	vand.u32 $0xFFFFFF80, v32;
	v23 =	vor.u32 s31, v29  }
0xda: {  	v44 =	vadd.s32 v34, v44;
	v39 =	vadd.s32 v34, v39;
	v34 =	vadd.s32 v34, v21;
	v21 =	vld [tilespmem:$0x1FFE0];
	_ =	sdelay $0x3  }
0xdb: {  	[tilespmem:v23+s16+$0x0] =	vst.idx.msk $0xffff, v24  }
0xdc: {  	v18 =	vand.u32 $0x7F, v18;
	v20 =	vld.idx.msk [tilespmem:v20+s13+$0x0], $0xffff;
	v21 =	vor.u32 s31, v21  }
0xdd: {  	v18 =	vor.u32 v18, v19;
	v19 =	vld [tilespmem:$0x1FFD0];
	_ =	sdelay $0x3  }
0xde: {  	[tilespmem:v21+s16+$0x0] =	vst.idx.msk $0xffff, v20  }
0xdf: {  	v14 =	vand.u32 $0x7F, v14;
	v19 =	vor.u32 s31, v19;
	v18 =	vld.idx.msk [tilespmem:v18+s13+$0x0], $0xffff  }
0xe0: {  	v14 =	vor.u32 v14, v17;
	v17 =	vld [tilespmem:$0x1FFC0];
	_ =	sdelay $0x3  }
0xe1: {  	[tilespmem:v19+s16+$0x0] =	vst.idx.msk $0xffff, v18  }
0xe2: {  	v17 =	vor.u32 s31, v17;
	v14 =	vld.idx.msk [tilespmem:v14+s13+$0x0], $0xffff;
	_ =	sdelay $0x3  }
0xe3: {  	v15 =	vand.u32 $0x7F, v15  }
0xe4: {  	v15 =	vor.u32 v15, v16;
	[tilespmem:v17+s16+$0x0] =	vst.idx.msk $0xffff, v14;
	v17 =	vld [tilespmem:$0x1FE60];
	_ =	sdelay $0x4  }
0xe5: {  	v14 =	vld.idx.msk [tilespmem:v15+s13+$0x0], $0xffff;
	v15 =	vor.u32 s31, v17;
	_ =	sdelay $0x3  }
0xe6: {  	v12 =	vand.u32 $0x7F, v12  }
0xe7: {  	v12 =	vor.u32 v12, v13;
	[tilespmem:v15+s16+$0x0] =	vst.idx.msk $0xffff, v14;
	v15 =	vld [tilespmem:$0x1FE70];
	_ =	sdelay $0x4  }
0xe8: {  	v12 =	vld.idx.msk [tilespmem:v12+s13+$0x0], $0xffff;
	v13 =	vor.u32 s31, v15;
	_ =	sdelay $0x3  }
0xe9: {  	v9 =	vand.u32 $0x7F, v9  }
0xea: {  	v9 =	vor.u32 v9, v11;
	[tilespmem:v13+s16+$0x0] =	vst.idx.msk $0xffff, v12;
	v12 =	vld [tilespmem:$0x1FE80];
	_ =	sdelay $0x4  }
0xeb: {  	v8 =	vand.u32 $0x7F, v8;
	v9 =	vld.idx.msk [tilespmem:v9+s13+$0x0], $0xffff;
	v11 =	vor.u32 s31, v12  }
0xec: {  	v8 =	vor.u32 v8, v10;
	v10 =	vld [tilespmem:$0x1FF60];
	_ =	sdelay $0x3  }
0xed: {  	[tilespmem:v11+s16+$0x0] =	vst.idx.msk $0xffff, v9  }
0xee: {  	v9 =	vor.u32 s31, v10;
	v8 =	vld.idx.msk [tilespmem:v8+s13+$0x0], $0xffff;
	_ =	sdelay $0x3  }
0xef: {  	v5 =	vand.u32 $0x7F, v5  }
0xf0: {  	v5 =	vor.u32 v5, v7;
	[tilespmem:v9+s16+$0x0] =	vst.idx.msk $0xffff, v8;
	v8 =	vld [tilespmem:$0x1FEC0];
	_ =	sdelay $0x4  }
0xf1: {  	v2 =	vand.u32 $0x7F, v2;
	v5 =	vld.idx.msk [tilespmem:v5+s13+$0x0], $0xffff;
	v7 =	vor.u32 s31, v8  }
0xf2: {  	v2 =	vor.u32 v2, v6;
	v6 =	vld [tilespmem:$0x1FE90];
	_ =	sdelay $0x3  }
0xf3: {  	[tilespmem:v7+s16+$0x0] =	vst.idx.msk $0xffff, v5  }
0xf4: {  	v3 =	vand.u32 $0x7F, v3;
	v5 =	vor.u32 s31, v6;
	v2 =	vld.idx.msk [tilespmem:v2+s13+$0x0], $0xffff  }
0xf5: {  	v3 =	vor.u32 v3, v4;
	v4 =	vld [tilespmem:$0x1FEA0];
	_ =	sdelay $0x3  }
0xf6: {  	[tilespmem:v5+s16+$0x0] =	vst.idx.msk $0xffff, v2  }
0xf7: {  	v0 =	vand.u32 $0x7F, v0;
	v2 =	vld.idx.msk [tilespmem:v3+s13+$0x0], $0xffff;
	v3 =	vor.u32 s31, v4  }
0xf8: {  	v0 =	vor.u32 v0, v1;
	v5 =	vld [tilespmem:$0x1FEB0];
	_ =	sdelay $0x3  }
0xf9: {  	[tilespmem:v3+s16+$0x0] =	vst.idx.msk $0xffff, v2  }
0xfa: {  	v1 =	vor.u32 s31, v5;
	v2 =	vand.u32 $0x7F, v61;
	v0 =	vld.idx.msk [tilespmem:v0+s13+$0x0], $0xffff  }
0xfb: {  	v7 =	vld [tilespmem:$0x1FF70];
	v2 =	vor.u32 v2, v63;
	_ =	sdelay $0x3  }
0xfc: {  	[tilespmem:v1+s16+$0x0] =	vst.idx.msk $0xffff, v0  }
0xfd: {  	v1 =	vor.u32 s31, v7;
	v0 =	vld.idx.msk [tilespmem:v2+s13+$0x0], $0xffff;
	v2 =	vand.u32 $0x7F, v60  }
0xfe: {  	v9 =	vld [tilespmem:$0x1FED0];
	v2 =	vor.u32 v2, v62;
	_ =	sdelay $0x3  }
0xff: {  	[tilespmem:v1+s16+$0x0] =	vst.idx.msk $0xffff, v0  }
0x100: {  	v1 =	vor.u32 s31, v9;
	v0 =	vld.idx.msk [tilespmem:v2+s13+$0x0], $0xffff;
	v2 =	vand.u32 $0x7F, v57  }
0x101: {  	v11 =	vld [tilespmem:$0x1FEE0];
	v2 =	vor.u32 v2, v59;
	_ =	sdelay $0x3  }
0x102: {  	[tilespmem:v1+s16+$0x0] =	vst.idx.msk $0xffff, v0  }
0x103: {  	v1 =	vor.u32 s31, v11;
	v0 =	vld.idx.msk [tilespmem:v2+s13+$0x0], $0xffff;
	v2 =	vand.u32 $0x7F, v54  }
0x104: {  	v13 =	vld [tilespmem:$0x1FEF0];
	v2 =	vor.u32 v2, v58;
	_ =	sdelay $0x3  }
0x105: {  	[tilespmem:v1+s16+$0x0] =	vst.idx.msk $0xffff, v0  }
0x106: {  	v1 =	vor.u32 s31, v13;
	v0 =	vld.idx.msk [tilespmem:v2+s13+$0x0], $0xffff;
	v2 =	vand.u32 $0x7F, v55  }
0x107: {  	v16 =	vld [tilespmem:$0x1FF00];
	v2 =	vor.u32 v2, v56;
	_ =	sdelay $0x3  }
0x108: {  	[tilespmem:v1+s16+$0x0] =	vst.idx.msk $0xffff, v0  }
0x109: {  	v1 =	vor.u32 s31, v16;
	v0 =	vld.idx.msk [tilespmem:v2+s13+$0x0], $0xffff;
	v2 =	vand.u32 $0x7F, v52  }
0x10a: {  	v18 =	vld [tilespmem:$0x1FF10];
	v2 =	vor.u32 v2, v53;
	_ =	sdelay $0x3  }
0x10b: {  	[tilespmem:v1+s16+$0x0] =	vst.idx.msk $0xffff, v0  }
0x10c: {  	v1 =	vor.u32 s31, v18;
	v0 =	vld.idx.msk [tilespmem:v2+s13+$0x0], $0xffff;
	v2 =	vand.u32 $0x7F, v49  }
0x10d: {  	v19 =	vld [tilespmem:$0x1FF20];
	v2 =	vor.u32 v2, v51;
	_ =	sdelay $0x3  }
0x10e: {  	[tilespmem:v1+s16+$0x0] =	vst.idx.msk $0xffff, v0  }
0x10f: {  	v1 =	vor.u32 s31, v19;
	v0 =	vld.idx.msk [tilespmem:v2+s13+$0x0], $0xffff;
	v2 =	vand.u32 $0x7F, v48  }
0x110: {  	v20 =	vld [tilespmem:$0x1FF30];
	v2 =	vor.u32 v2, v50;
	_ =	sdelay $0x3  }
0x111: {  	[tilespmem:v1+s16+$0x0] =	vst.idx.msk $0xffff, v0  }
0x112: {  	v1 =	vor.u32 s31, v20;
	v0 =	vld.idx.msk [tilespmem:v2+s13+$0x0], $0xffff;
	v2 =	vand.u32 $0x7F, v45  }
0x113: {  	v21 =	vld [tilespmem:$0x1FF40];
	v2 =	vor.u32 v2, v47;
	_ =	sdelay $0x3  }
0x114: {  	[tilespmem:v1+s16+$0x0] =	vst.idx.msk $0xffff, v0  }
0x115: {  	v1 =	vor.u32 s31, v21;
	v0 =	vld.idx.msk [tilespmem:v2+s13+$0x0], $0xffff;
	v2 =	vand.u32 $0x7F, v42  }
0x116: {  	v22 =	vld [tilespmem:$0x1FF50];
	v2 =	vor.u32 v2, v46;
	_ =	sdelay $0x3  }
0x117: {  	[tilespmem:v1+s16+$0x0] =	vst.idx.msk $0xffff, v0  }
0x118: {  	v1 =	vor.u32 s31, v22;
	v0 =	vld.idx.msk [tilespmem:v2+s13+$0x0], $0xffff;
	v2 =	vand.u32 $0x7F, v43  }
0x119: {  	v2 =	vor.u32 v2, v44;
	_ =	sdelay $0x3  }
0x11a: {  	[tilespmem:v1+s16+$0x0] =	vst.idx.msk $0xffff, v0  }
0x11b: {  	v1 =	vor.u32 s31, v31;
	v0 =	vld.idx.msk [tilespmem:v2+s13+$0x0], $0xffff;
	v2 =	vand.u32 $0x7F, v40  }
0x11c: {  	v2 =	vor.u32 v2, v41;
	_ =	sdelay $0x3  }
0x11d: {  	[tilespmem:v1+s16+$0x0] =	vst.idx.msk $0xffff, v0  }
0x11e: {  	v1 =	vor.u32 s31, v30;
	v0 =	vld.idx.msk [tilespmem:v2+s13+$0x0], $0xffff;
	v2 =	vand.u32 $0x7F, v37  }
0x11f: {  	v37 =	vld [tilespmem:$0x1FF80];
	v2 =	vor.u32 v2, v39;
	_ =	sdelay $0x3  }
0x120: {  	[tilespmem:v1+s16+$0x0] =	vst.idx.msk $0xffff, v0  }
0x121: {  	v1 =	vor.u32 s31, v37;
	v0 =	vld.idx.msk [tilespmem:v2+s13+$0x0], $0xffff;
	v2 =	vand.u32 $0x7F, v36  }
0x122: {  	v36 =	vld [tilespmem:$0x1FF90];
	v2 =	vor.u32 v2, v38;
	_ =	sdelay $0x3  }
0x123: {  	[tilespmem:v1+s16+$0x0] =	vst.idx.msk $0xffff, v0  }
0x124: {  	v1 =	vor.u32 s31, v36;
	v0 =	vld.idx.msk [tilespmem:v2+s13+$0x0], $0xffff;
	v2 =	vand.u32 $0x7F, v33  }
0x125: {  	v14 =	vld [tilespmem:$0x1FFA0];
	v2 =	vor.u32 v2, v35;
	_ =	sdelay $0x3  }
0x126: {  	[tilespmem:v1+s16+$0x0] =	vst.idx.msk $0xffff, v0  }
0x127: {  	v1 =	vor.u32 s31, v14;
	v0 =	vld.idx.msk [tilespmem:v2+s13+$0x0], $0xffff;
	v2 =	vand.u32 $0x7F, v32  }
0x128: {  	p0 =	sne.s32 s29, $0x70;
	v2 =	vor.u32 v2, v34;
	v34 =	vld [tilespmem:$0x1FFB0]  }
.Ltmp0:
0x129: {  	_ = 	snop;
	(pc) =	sbr.rel @p0 .LBB2_3-.Ltmp0, $3  }
0x12a: {  	_ =	sdelay $0x1  }
0x12b: {  	v23 =	vmov v31;
	[tilespmem:v1+s16+$0x0] =	vst.idx.msk $0xffff, v0  }
0x12c: {  	s29 =	sadd.s32 $0x10, s29;
	v43 =	vmovc v28;
	v40 =	vmovc v30;
	v41 =	vmov v27;
	v39 =	vmov v26;
	v0 =	vld.idx.msk [tilespmem:v2+s13+$0x0], $0xffff;
	v1 =	vor.u32 s31, v34  }
0x12d: {  	s28 =	sadd.s32 s3, s28  }
0x12e: {  	s29 =	sshll.u32 s28, $0x7  }
0x12f: {  	s28 =	sshll.u32 s28, $0x9;
	s29 =	sand.u32 $0xF00, s29  }
0x130: {  	s28 =	sand.u32 $0xFFFC000, s28;
	s29 =	sadd.s32 s5, s29  }
0x131: {  	[tilespmem:v1+s16+$0x0] =	vst.idx.msk $0xffff, v0;
	s28 =	sadd.s32 s28, s29  }
0x132: {  	[hbm4b:s28+s17] =	stream.strided.scatter [tilespmem:s16], [sflag:$0x3], $0x1000, s18, s17, $0x38;
	[tilespmem:$0xAA00] =	vst v63  }
0x133: {  	_ =	swait.ge [sflag:s11], $0x1000  }
0x134: {  	[sflag:s11] =	ssyncset.done $0x0  }
0x135: {  	[sflag:s11] =	ssyncadd.s32 $0xFFFFF000  }
0x136: {  	_ =	swait.ge [sflag:s19], $0x4000  }
0x137: {  	s26 =	sshrl.u32 s26, $0x2;
	[sflag:s19] =	ssyncset.done $0x0  }
0x138: {  	s26 =	sadd.s32 $0x100, s26;
	[sflag:s19] =	ssyncadd.s32 $0xFFFFC000  }
0x139: {  	[tilespmem:s13], [sflag:$0x1] =	stream.indirect.gather [hbm4b:s4+s12], $0x80, s26, s12, $0xb8;
	[tilespmem:$0xAA00] =	vst v63  }
0x13a: {  	v32 =	vld [tilespmem:s23+$0x0];
	_ =	sdelay $0x2  }
0x13b: {  	s28 =	simm.s32 $0x0  }
0x13c: {  	v0 =	vor.u32 s28, v25  }
0x13d: {  	v33 =	vshll.u32 v0, $0x7;
	v1 =	vand.u32 $0xFFFFFF80, v32  }
0x13e: {  	v2 =	vand.u32 $0x7F, v32;
	v1 =	vadd.s32 v33, v1  }
0x13f: {  	v1 =	vor.u32 v2, v1;
	_ =	sdelay $0x2  }
0x140: {  	v2 =	vadd.s32 $0x1, v32  }
0x141: {  	v3 =	vand.u32 $0xFFFFFF80, v2  }
0x142: {  	v2 =	vand.u32 $0x7F, v2;
	v3 =	vadd.s32 v33, v3;
	v1 =	vld.idx.msk [tilespmem:v1+s15+$0x0], $0xffff  }
0x143: {  	v2 =	vor.u32 v2, v3;
	_ =	sdelay $0x2  }
0x144: {  	v3 =	vadd.s32 $0x2, v32  }
0x145: {  	[tilespmem:v0+s16+$0x0] =	vst.idx.msk $0xffff, v1;
	v0 =	vand.u32 $0xFFFFFF80, v3  }
0x146: {  	v3 =	vand.u32 $0x7F, v3;
	v0 =	vadd.s32 v33, v0;
	v1 =	vld.idx.msk [tilespmem:v2+s15+$0x0], $0xffff;
	v2 =	vor.u32 s28, v39  }
0x147: {  	v0 =	vor.u32 v3, v0;
	_ =	sdelay $0x2  }
0x148: {  	v3 =	vadd.s32 $0x3, v32  }
0x149: {  	[tilespmem:v2+s16+$0x0] =	vst.idx.msk $0xffff, v1;
	v1 =	vand.u32 $0xFFFFFF80, v3  }
0x14a: {  	v2 =	vor.u32 s28, v41;
	v3 =	vand.u32 $0x7F, v3;
	v1 =	vadd.s32 v33, v1;
	v0 =	vld.idx.msk [tilespmem:v0+s15+$0x0], $0xffff  }
0x14b: {  	v1 =	vor.u32 v3, v1;
	_ =	sdelay $0x2  }
0x14c: {  	v3 =	vadd.s32 $0x4, v32  }
0x14d: {  	[tilespmem:v2+s16+$0x0] =	vst.idx.msk $0xffff, v0;
	v0 =	vand.u32 $0xFFFFFF80, v3  }
0x14e: {  	v2 =	vor.u32 s28, v43;
	v3 =	vand.u32 $0x7F, v3;
	v0 =	vadd.s32 v33, v0;
	v1 =	vld.idx.msk [tilespmem:v1+s15+$0x0], $0xffff  }
0x14f: {  	v0 =	vor.u32 v3, v0;
	_ =	sdelay $0x3  }
0x150: {  	[tilespmem:v2+s16+$0x0] =	vst.idx.msk $0xffff, v1  }
0x151: {  	v2 =	vor.u32 s28, v29;
	v0 =	vld.idx.msk [tilespmem:v0+s15+$0x0], $0xffff;
	_ =	sdelay $0x1  }
0x152: {  	v3 =	vadd.s32 $0x5, v32  }
0x153: {  	v1 =	vand.u32 $0xFFFFFF80, v3  }
0x154: {  	v3 =	vand.u32 $0x7F, v3;
	v1 =	vadd.s32 v33, v1  }
0x155: {  	v1 =	vor.u32 v3, v1;
	[tilespmem:v2+s16+$0x0] =	vst.idx.msk $0xffff, v0;
	v2 =	vld [tilespmem:$0x1FFE0];
	_ =	sdelay $0x4  }
0x156: {  	v1 =	vld.idx.msk [tilespmem:v1+s15+$0x0], $0xffff;
	v2 =	vor.u32 s28, v2;
	_ =	sdelay $0x1  }
0x157: {  	v3 =	vadd.s32 $0x6, v32  }
0x158: {  	v0 =	vand.u32 $0xFFFFFF80, v3  }
0x159: {  	v3 =	vand.u32 $0x7F, v3;
	v0 =	vadd.s32 v33, v0  }
0x15a: {  	v0 =	vor.u32 v3, v0;
	[tilespmem:v2+s16+$0x0] =	vst.idx.msk $0xffff, v1;
	v2 =	vld [tilespmem:$0x1FFD0];
	_ =	sdelay $0x4  }
0x15b: {  	v0 =	vld.idx.msk [tilespmem:v0+s15+$0x0], $0xffff;
	v2 =	vor.u32 s28, v2;
	_ =	sdelay $0x1  }
0x15c: {  	v3 =	vadd.s32 $0x7, v32  }
0x15d: {  	v1 =	vand.u32 $0xFFFFFF80, v3  }
0x15e: {  	v3 =	vand.u32 $0x7F, v3;
	v1 =	vadd.s32 v33, v1  }
0x15f: {  	v1 =	vor.u32 v3, v1;
	[tilespmem:v2+s16+$0x0] =	vst.idx.msk $0xffff, v0;
	v2 =	vld [tilespmem:$0x1FFC0];
	_ =	sdelay $0x2  }
0x160: {  	v3 =	vadd.s32 $0x8, v32  }
0x161: {  	v0 =	vand.u32 $0xFFFFFF80, v3  }
0x162: {  	v3 =	vand.u32 $0x7F, v3;
	v0 =	vadd.s32 v33, v0;
	v1 =	vld.idx.msk [tilespmem:v1+s15+$0x0], $0xffff;
	v2 =	vor.u32 s28, v2  }
0x163: {  	v0 =	vor.u32 v3, v0;
	_ =	sdelay $0x2  }
0x164: {  	v3 =	vadd.s32 $0x9, v32  }
0x165: {  	[tilespmem:v2+s16+$0x0] =	vst.idx.msk $0xffff, v1;
	v1 =	vand.u32 $0xFFFFFF80, v3  }
0x166: {  	v2 =	vor.u32 s28, v17;
	v3 =	vand.u32 $0x7F, v3;
	v1 =	vadd.s32 v33, v1;
	v0 =	vld.idx.msk [tilespmem:v0+s15+$0x0], $0xffff  }
0x167: {  	v1 =	vor.u32 v3, v1;
	_ =	sdelay $0x2  }
0x168: {  	v3 =	vadd.s32 $0xA, v32  }
0x169: {  	[tilespmem:v2+s16+$0x0] =	vst.idx.msk $0xffff, v0;
	v0 =	vand.u32 $0xFFFFFF80, v3  }
0x16a: {  	v2 =	vor.u32 s28, v15;
	v3 =	vand.u32 $0x7F, v3;
	v0 =	vadd.s32 v33, v0;
	v1 =	vld.idx.msk [tilespmem:v1+s15+$0x0], $0xffff  }
0x16b: {  	v0 =	vor.u32 v3, v0;
	_ =	sdelay $0x2  }
0x16c: {  	v3 =	vadd.s32 $0xB, v32  }
0x16d: {  	[tilespmem:v2+s16+$0x0] =	vst.idx.msk $0xffff, v1;
	v1 =	vand.u32 $0xFFFFFF80, v3  }
0x16e: {  	v2 =	vor.u32 s28, v12;
	v3 =	vand.u32 $0x7F, v3;
	v1 =	vadd.s32 v33, v1;
	v0 =	vld.idx.msk [tilespmem:v0+s15+$0x0], $0xffff  }
0x16f: {  	v1 =	vor.u32 v3, v1;
	_ =	sdelay $0x2  }
0x170: {  	v3 =	vadd.s32 $0xC, v32  }
0x171: {  	[tilespmem:v2+s16+$0x0] =	vst.idx.msk $0xffff, v0;
	v0 =	vand.u32 $0xFFFFFF80, v3  }
0x172: {  	v2 =	vor.u32 s28, v10;
	v3 =	vand.u32 $0x7F, v3;
	v0 =	vadd.s32 v33, v0;
	v1 =	vld.idx.msk [tilespmem:v1+s15+$0x0], $0xffff  }
0x173: {  	v0 =	vor.u32 v3, v0;
	_ =	sdelay $0x2  }
0x174: {  	v3 =	vadd.s32 $0xD, v32  }
0x175: {  	[tilespmem:v2+s16+$0x0] =	vst.idx.msk $0xffff, v1;
	v1 =	vand.u32 $0xFFFFFF80, v3  }
0x176: {  	v2 =	vor.u32 s28, v8;
	v3 =	vand.u32 $0x7F, v3;
	v1 =	vadd.s32 v33, v1;
	v0 =	vld.idx.msk [tilespmem:v0+s15+$0x0], $0xffff  }
0x177: {  	v1 =	vor.u32 v3, v1;
	_ =	sdelay $0x2  }
0x178: {  	v3 =	vadd.s32 $0xE, v32  }
0x179: {  	[tilespmem:v2+s16+$0x0] =	vst.idx.msk $0xffff, v0;
	v0 =	vand.u32 $0xFFFFFF80, v3  }
0x17a: {  	v2 =	vor.u32 s28, v6;
	v3 =	vand.u32 $0x7F, v3;
	v0 =	vadd.s32 v33, v0;
	v1 =	vld.idx.msk [tilespmem:v1+s15+$0x0], $0xffff  }
0x17b: {  	v0 =	vor.u32 v3, v0;
	_ =	sdelay $0x2  }
0x17c: {  	v3 =	vadd.s32 $0xF, v32  }
0x17d: {  	[tilespmem:v2+s16+$0x0] =	vst.idx.msk $0xffff, v1;
	v1 =	vand.u32 $0xFFFFFF80, v3  }
0x17e: {  	v2 =	vor.u32 s28, v4;
	v3 =	vand.u32 $0x7F, v3;
	v1 =	vadd.s32 v33, v1;
	v0 =	vld.idx.msk [tilespmem:v0+s15+$0x0], $0xffff  }
0x17f: {  	v1 =	vor.u32 v3, v1;
	_ =	sdelay $0x2  }
0x180: {  	v3 =	vadd.s32 $0x10, v32  }
0x181: {  	[tilespmem:v2+s16+$0x0] =	vst.idx.msk $0xffff, v0;
	v0 =	vand.u32 $0xFFFFFF80, v3  }
0x182: {  	v2 =	vor.u32 s28, v5;
	v3 =	vand.u32 $0x7F, v3;
	v0 =	vadd.s32 v33, v0;
	v1 =	vld.idx.msk [tilespmem:v1+s15+$0x0], $0xffff  }
0x183: {  	v0 =	vor.u32 v3, v0;
	_ =	sdelay $0x2  }
0x184: {  	v3 =	vadd.s32 $0x11, v32  }
0x185: {  	[tilespmem:v2+s16+$0x0] =	vst.idx.msk $0xffff, v1;
	v1 =	vand.u32 $0xFFFFFF80, v3  }
0x186: {  	v2 =	vor.u32 s28, v7;
	v3 =	vand.u32 $0x7F, v3;
	v1 =	vadd.s32 v33, v1;
	v0 =	vld.idx.msk [tilespmem:v0+s15+$0x0], $0xffff  }
0x187: {  	v1 =	vor.u32 v3, v1;
	_ =	sdelay $0x2  }
0x188: {  	v3 =	vadd.s32 $0x12, v32  }
0x189: {  	[tilespmem:v2+s16+$0x0] =	vst.idx.msk $0xffff, v0;
	v0 =	vand.u32 $0xFFFFFF80, v3  }
0x18a: {  	v2 =	vor.u32 s28, v9;
	v3 =	vand.u32 $0x7F, v3;
	v0 =	vadd.s32 v33, v0;
	v1 =	vld.idx.msk [tilespmem:v1+s15+$0x0], $0xffff  }
0x18b: {  	v0 =	vor.u32 v3, v0;
	_ =	sdelay $0x2  }
0x18c: {  	v3 =	vadd.s32 $0x13, v32  }
0x18d: {  	[tilespmem:v2+s16+$0x0] =	vst.idx.msk $0xffff, v1;
	v1 =	vand.u32 $0xFFFFFF80, v3  }
0x18e: {  	v2 =	vor.u32 s28, v11;
	v3 =	vand.u32 $0x7F, v3;
	v1 =	vadd.s32 v33, v1;
	v0 =	vld.idx.msk [tilespmem:v0+s15+$0x0], $0xffff  }
0x18f: {  	v1 =	vor.u32 v3, v1;
	_ =	sdelay $0x2  }
0x190: {  	v3 =	vadd.s32 $0x14, v32  }
0x191: {  	[tilespmem:v2+s16+$0x0] =	vst.idx.msk $0xffff, v0;
	v0 =	vand.u32 $0xFFFFFF80, v3  }
0x192: {  	v2 =	vor.u32 s28, v13;
	v3 =	vand.u32 $0x7F, v3;
	v0 =	vadd.s32 v33, v0;
	v1 =	vld.idx.msk [tilespmem:v1+s15+$0x0], $0xffff  }
0x193: {  	v0 =	vor.u32 v3, v0;
	_ =	sdelay $0x2  }
0x194: {  	v3 =	vadd.s32 $0x15, v32  }
0x195: {  	[tilespmem:v2+s16+$0x0] =	vst.idx.msk $0xffff, v1;
	v1 =	vand.u32 $0xFFFFFF80, v3  }
0x196: {  	v2 =	vor.u32 s28, v16;
	v3 =	vand.u32 $0x7F, v3;
	v1 =	vadd.s32 v33, v1;
	v0 =	vld.idx.msk [tilespmem:v0+s15+$0x0], $0xffff  }
0x197: {  	v1 =	vor.u32 v3, v1;
	_ =	sdelay $0x2  }
0x198: {  	v3 =	vadd.s32 $0x16, v32  }
0x199: {  	[tilespmem:v2+s16+$0x0] =	vst.idx.msk $0xffff, v0;
	v0 =	vand.u32 $0xFFFFFF80, v3  }
0x19a: {  	v2 =	vor.u32 s28, v18;
	v3 =	vand.u32 $0x7F, v3;
	v0 =	vadd.s32 v33, v0;
	v1 =	vld.idx.msk [tilespmem:v1+s15+$0x0], $0xffff  }
0x19b: {  	v0 =	vor.u32 v3, v0;
	_ =	sdelay $0x2  }
0x19c: {  	v3 =	vadd.s32 $0x17, v32  }
0x19d: {  	[tilespmem:v2+s16+$0x0] =	vst.idx.msk $0xffff, v1;
	v1 =	vand.u32 $0xFFFFFF80, v3  }
0x19e: {  	v2 =	vor.u32 s28, v19;
	v3 =	vand.u32 $0x7F, v3;
	v1 =	vadd.s32 v33, v1;
	v0 =	vld.idx.msk [tilespmem:v0+s15+$0x0], $0xffff  }
0x19f: {  	v1 =	vor.u32 v3, v1;
	_ =	sdelay $0x2  }
0x1a0: {  	v3 =	vadd.s32 $0x18, v32  }
0x1a1: {  	[tilespmem:v2+s16+$0x0] =	vst.idx.msk $0xffff, v0;
	v0 =	vand.u32 $0xFFFFFF80, v3  }
0x1a2: {  	v2 =	vor.u32 s28, v20;
	v3 =	vand.u32 $0x7F, v3;
	v0 =	vadd.s32 v33, v0;
	v1 =	vld.idx.msk [tilespmem:v1+s15+$0x0], $0xffff  }
0x1a3: {  	v0 =	vor.u32 v3, v0;
	_ =	sdelay $0x2  }
0x1a4: {  	v3 =	vadd.s32 $0x19, v32  }
0x1a5: {  	[tilespmem:v2+s16+$0x0] =	vst.idx.msk $0xffff, v1;
	v1 =	vand.u32 $0xFFFFFF80, v3  }
0x1a6: {  	v2 =	vor.u32 s28, v21;
	v3 =	vand.u32 $0x7F, v3;
	v1 =	vadd.s32 v33, v1;
	v0 =	vld.idx.msk [tilespmem:v0+s15+$0x0], $0xffff  }
0x1a7: {  	v1 =	vor.u32 v3, v1;
	_ =	sdelay $0x2  }
0x1a8: {  	v3 =	vadd.s32 $0x1A, v32  }
0x1a9: {  	[tilespmem:v2+s16+$0x0] =	vst.idx.msk $0xffff, v0;
	v0 =	vand.u32 $0xFFFFFF80, v3  }
0x1aa: {  	v2 =	vor.u32 s28, v22;
	v3 =	vand.u32 $0x7F, v3;
	v0 =	vadd.s32 v33, v0;
	v1 =	vld.idx.msk [tilespmem:v1+s15+$0x0], $0xffff  }
0x1ab: {  	v0 =	vor.u32 v3, v0;
	_ =	sdelay $0x2  }
0x1ac: {  	v3 =	vadd.s32 $0x1B, v32  }
0x1ad: {  	[tilespmem:v2+s16+$0x0] =	vst.idx.msk $0xffff, v1;
	v1 =	vand.u32 $0xFFFFFF80, v3  }
0x1ae: {  	v2 =	vor.u32 s28, v23;
	v3 =	vand.u32 $0x7F, v3;
	v1 =	vadd.s32 v33, v1;
	v0 =	vld.idx.msk [tilespmem:v0+s15+$0x0], $0xffff  }
0x1af: {  	v1 =	vor.u32 v3, v1;
	_ =	sdelay $0x2  }
0x1b0: {  	v3 =	vadd.s32 $0x1C, v32  }
0x1b1: {  	[tilespmem:v2+s16+$0x0] =	vst.idx.msk $0xffff, v0;
	v0 =	vand.u32 $0xFFFFFF80, v3  }
0x1b2: {  	v2 =	vor.u32 s28, v40;
	v3 =	vand.u32 $0x7F, v3;
	v0 =	vadd.s32 v33, v0;
	v1 =	vld.idx.msk [tilespmem:v1+s15+$0x0], $0xffff  }
0x1b3: {  	v0 =	vor.u32 v3, v0;
	_ =	sdelay $0x2  }
0x1b4: {  	v3 =	vadd.s32 $0x1D, v32  }
0x1b5: {  	[tilespmem:v2+s16+$0x0] =	vst.idx.msk $0xffff, v1;
	v1 =	vand.u32 $0xFFFFFF80, v3  }
0x1b6: {  	v2 =	vor.u32 s28, v37;
	v3 =	vand.u32 $0x7F, v3;
	v1 =	vadd.s32 v33, v1;
	v0 =	vld.idx.msk [tilespmem:v0+s15+$0x0], $0xffff  }
0x1b7: {  	v1 =	vor.u32 v3, v1;
	_ =	sdelay $0x2  }
0x1b8: {  	v3 =	vadd.s32 $0x1E, v32  }
0x1b9: {  	[tilespmem:v2+s16+$0x0] =	vst.idx.msk $0xffff, v0;
	v0 =	vand.u32 $0xFFFFFF80, v3  }
0x1ba: {  	v2 =	vor.u32 s28, v36;
	v3 =	vand.u32 $0x7F, v3;
	v0 =	vadd.s32 v33, v0;
	v1 =	vld.idx.msk [tilespmem:v1+s15+$0x0], $0xffff  }
0x1bb: {  	v0 =	vor.u32 v3, v0;
	_ =	sdelay $0x2  }
0x1bc: {  	v3 =	vadd.s32 $0x1F, v32  }
0x1bd: {  	[tilespmem:v2+s16+$0x0] =	vst.idx.msk $0xffff, v1;
	v1 =	vand.u32 $0xFFFFFF80, v3  }
0x1be: {  	v2 =	vor.u32 s28, v14;
	v3 =	vand.u32 $0x7F, v3;
	v1 =	vadd.s32 v33, v1;
	v0 =	vld.idx.msk [tilespmem:v0+s15+$0x0], $0xffff  }
0x1bf: {  	v1 =	vor.u32 v3, v1;
	_ =	sdelay $0x3  }
0x1c0: {  	[tilespmem:v2+s16+$0x0] =	vst.idx.msk $0xffff, v0  }
0x1c1: {  	v24 =	vmov v29;
	s26 =	simm.s32 $0x10;
	v0 =	vld.idx.msk [tilespmem:v1+s15+$0x0], $0xffff;
	v1 =	vor.u32 s28, v34;
	s28 =	smov.u32 s23  }
.LBB2_5:
0x1c2: {  	_ =	sdelay $0x3  }
0x1c3: {  	s28 =	sadd.s32 $0x10, s28;
	[tilespmem:v1+s16+$0x0] =	vst.idx.msk $0xffff, v0  }
0x1c4: {  	v14 =	vld [tilespmem:s28+$0x0];
	_ =	sdelay $0x2  }
0x1c5: {  	s29 =	smov.u32 s26  }
0x1c6: {  	v0 =	vor.u32 s29, v25  }
0x1c7: {  	v34 =	vshll.u32 v0, $0x7;
	v1 =	vand.u32 $0xFFFFFF80, v14  }
0x1c8: {  	v3 =	vand.u32 $0x7F, v14;
	v1 =	vadd.s32 v34, v1  }
0x1c9: {  	v1 =	vor.u32 v3, v1  }
0x1ca: {  	v2 =	vadd.s32 $0x1, v14  }
0x1cb: {  	v4 =	vand.u32 $0xFFFFFF80, v2  }
0x1cc: {  	v22 =	vadd.s32 $0x3, v14;
	v3 =	vadd.s32 v34, v4;
	v4 =	vadd.s32 $0x2, v14  }
0x1cd: {  	v21 =	vadd.s32 $0x5, v14;
	v19 =	vadd.s32 $0x6, v14;
	v5 =	vand.u32 $0xFFFFFF80, v4  }
0x1ce: {  	v29 =	vmovc v24;
	v2 =	vand.u32 $0x7F, v2;
	v24 =	vadd.s32 v34, v5;
	v5 =	vand.u32 $0xFFFFFF80, v22;
	v1 =	vld.idx.msk [tilespmem:v1+s15+$0x0], $0xffff  }
0x1cf: {  	v3 =	vor.u32 v2, v3;
	v32 =	vadd.s32 v34, v5;
	v5 =	vand.u32 $0xFFFFFF80, v21  }
0x1d0: {  	v12 =	vadd.s32 $0x9, v14;
	v25 =	vadd.s32 v34, v5;
	v5 =	vand.u32 $0xFFFFFF80, v19  }
0x1d1: {  	v20 =	vadd.s32 v34, v5;
	v5 =	vand.u32 $0xFFFFFF80, v12  }
0x1d2: {  	v36 =	vor.u32 s29, v39;
	v13 =	vadd.s32 v34, v5;
	v5 =	vadd.s32 $0xC, v14  }
0x1d3: {  	v42 =	vor.u32 s29, v41;
	v23 =	vadd.s32 $0x4, v14;
	[tilespmem:v0+s16+$0x0] =	vst.idx.msk $0xffff, v1;
	v1 =	vand.u32 $0xFFFFFF80, v5  }
0x1d4: {  	v15 =	vadd.s32 $0x7, v14;
	v35 =	vld.idx.msk [tilespmem:v3+s15+$0x0], $0xffff;
	v7 =	vadd.s32 v34, v1;
	v1 =	vand.u32 $0x7F, v4  }
0x1d5: {  	v16 =	vadd.s32 $0x8, v14;
	v9 =	vadd.s32 $0xA, v14;
	v24 =	vor.u32 v1, v24  }
0x1d6: {  	v8 =	vadd.s32 $0xB, v14;
	v61 =	vadd.s32 $0x10, v14;
	v60 =	vadd.s32 $0x11, v14  }
0x1d7: {  	v54 =	vadd.s32 $0x13, v14;
	v55 =	vadd.s32 $0x14, v14;
	v52 =	vadd.s32 $0x15, v14  }
0x1d8: {  	v49 =	vadd.s32 $0x16, v14;
	v48 =	vadd.s32 $0x17, v14;
	v45 =	vadd.s32 $0x18, v14  }
0x1d9: {  	v6 =	vand.u32 $0xFFFFFF80, v23;
	v57 =	vand.u32 $0xFFFFFF80, v61;
	v58 =	vand.u32 $0xFFFFFF80, v60;
	[tilespmem:v36+s16+$0x0] =	vst.idx.msk $0xffff, v35  }
0x1da: {  	v40 =	vand.u32 $0xFFFFFF80, v54;
	v23 =	vand.u32 $0x7F, v23;
	v22 =	vand.u32 $0x7F, v22;
	v24 =	vld.idx.msk [tilespmem:v24+s15+$0x0], $0xffff  }
0x1db: {  	v33 =	vadd.s32 v34, v6;
	v6 =	vand.u32 $0xFFFFFF80, v15;
	v22 =	vor.u32 v22, v32  }
0x1dc: {  	v63 =	vadd.s32 v34, v57;
	v57 =	vadd.s32 $0x12, v14;
	v62 =	vadd.s32 v34, v58  }
0x1dd: {  	v58 =	vadd.s32 v34, v40;
	v40 =	vadd.s32 $0x1B, v14;
	v2 =	vand.u32 $0xFFFFFF80, v16  }
0x1de: {  	v18 =	vadd.s32 v34, v6;
	v17 =	vadd.s32 v34, v2;
	v2 =	vand.u32 $0xFFFFFF80, v9  }
0x1df: {  	v23 =	vor.u32 v23, v33;
	v33 =	vadd.s32 $0x1E, v14;
	v11 =	vadd.s32 v34, v2;
	[tilespmem:v42+s16+$0x0] =	vst.idx.msk $0xffff, v24  }
0x1e0: {  	v2 =	vadd.s32 $0xD, v14;
	v32 =	vor.u32 s29, v43;
	v0 =	vand.u32 $0xFFFFFF80, v8;
	v22 =	vld.idx.msk [tilespmem:v22+s15+$0x0], $0xffff  }
0x1e1: {  	v21 =	vand.u32 $0x7F, v21;
	v10 =	vadd.s32 v34, v0;
	v0 =	vand.u32 $0xFFFFFF80, v2  }
0x1e2: {  	v3 =	vadd.s32 $0xE, v14;
	v6 =	vadd.s32 v34, v0;
	v0 =	vadd.s32 $0xF, v14  }
0x1e3: {  	v43 =	vadd.s32 $0x1A, v14;
	v1 =	vand.u32 $0xFFFFFF80, v3;
	v37 =	vand.u32 $0xFFFFFF80, v0  }
0x1e4: {  	v4 =	vadd.s32 v34, v1;
	v1 =	vadd.s32 v34, v37;
	v37 =	vand.u32 $0xFFFFFF80, v52  }
0x1e5: {  	v53 =	vadd.s32 v34, v37;
	v37 =	vadd.s32 $0x1C, v14;
	v36 =	vadd.s32 $0x1D, v14;
	[tilespmem:v32+s16+$0x0] =	vst.idx.msk $0xffff, v22  }
0x1e6: {  	v42 =	vadd.s32 $0x19, v14;
	v32 =	vadd.s32 $0x1F, v14;
	v14 =	vld.idx.msk [tilespmem:v23+s15+$0x0], $0xffff;
	v23 =	vor.u32 s29, v29  }
0x1e7: {  	v21 =	vor.u32 v21, v25;
	_ =	sdelay $0x3  }
0x1e8: {  	[tilespmem:v23+s16+$0x0] =	vst.idx.msk $0xffff, v14  }
0x1e9: {  	v14 =	vld.idx.msk [tilespmem:v21+s15+$0x0], $0xffff  }
0x1ea: {  	v21 =	vld [tilespmem:$0x1FFE0];
	_ =	sdelay $0x4  }
0x1eb: {  	v19 =	vand.u32 $0x7F, v19;
	v21 =	vor.u32 s29, v21  }
0x1ec: {  	v19 =	vor.u32 v19, v20;
	_ =	sdelay $0x3  }
0x1ed: {  	[tilespmem:v21+s16+$0x0] =	vst.idx.msk $0xffff, v14  }
0x1ee: {  	v14 =	vld.idx.msk [tilespmem:v19+s15+$0x0], $0xffff  }
0x1ef: {  	v19 =	vld [tilespmem:$0x1FFD0];
	_ =	sdelay $0x4  }
0x1f0: {  	v15 =	vand.u32 $0x7F, v15;
	v19 =	vor.u32 s29, v19  }
0x1f1: {  	v15 =	vor.u32 v15, v18;
	_ =	sdelay $0x3  }
0x1f2: {  	[tilespmem:v19+s16+$0x0] =	vst.idx.msk $0xffff, v14  }
0x1f3: {  	v14 =	vld.idx.msk [tilespmem:v15+s15+$0x0], $0xffff  }
0x1f4: {  	v15 =	vld [tilespmem:$0x1FFC0];
	_ =	sdelay $0x4  }
0x1f5: {  	v16 =	vand.u32 $0x7F, v16;
	v15 =	vor.u32 s29, v15  }
0x1f6: {  	v16 =	vor.u32 v16, v17;
	v17 =	vld [tilespmem:$0x1FE60];
	_ =	sdelay $0x3  }
0x1f7: {  	[tilespmem:v15+s16+$0x0] =	vst.idx.msk $0xffff, v14  }
0x1f8: {  	v15 =	vor.u32 s29, v17;
	v14 =	vld.idx.msk [tilespmem:v16+s15+$0x0], $0xffff;
	_ =	sdelay $0x3  }
0x1f9: {  	v12 =	vand.u32 $0x7F, v12  }
0x1fa: {  	v12 =	vor.u32 v12, v13;
	[tilespmem:v15+s16+$0x0] =	vst.idx.msk $0xffff, v14;
	v15 =	vld [tilespmem:$0x1FE70];
	_ =	sdelay $0x4  }
0x1fb: {  	v12 =	vld.idx.msk [tilespmem:v12+s15+$0x0], $0xffff;
	v13 =	vor.u32 s29, v15;
	_ =	sdelay $0x3  }
0x1fc: {  	v9 =	vand.u32 $0x7F, v9  }
0x1fd: {  	v9 =	vor.u32 v9, v11;
	[tilespmem:v13+s16+$0x0] =	vst.idx.msk $0xffff, v12;
	v12 =	vld [tilespmem:$0x1FE80];
	_ =	sdelay $0x4  }
0x1fe: {  	v8 =	vand.u32 $0x7F, v8;
	v9 =	vld.idx.msk [tilespmem:v9+s15+$0x0], $0xffff;
	v11 =	vor.u32 s29, v12  }
0x1ff: {  	v8 =	vor.u32 v8, v10;
	v10 =	vld [tilespmem:$0x1FF60];
	_ =	sdelay $0x3  }
0x200: {  	[tilespmem:v11+s16+$0x0] =	vst.idx.msk $0xffff, v9  }
0x201: {  	v9 =	vor.u32 s29, v10;
	v8 =	vld.idx.msk [tilespmem:v8+s15+$0x0], $0xffff;
	_ =	sdelay $0x3  }
0x202: {  	v5 =	vand.u32 $0x7F, v5  }
0x203: {  	v5 =	vor.u32 v5, v7;
	[tilespmem:v9+s16+$0x0] =	vst.idx.msk $0xffff, v8;
	v8 =	vld [tilespmem:$0x1FEC0];
	_ =	sdelay $0x4  }
0x204: {  	v2 =	vand.u32 $0x7F, v2;
	v5 =	vld.idx.msk [tilespmem:v5+s15+$0x0], $0xffff;
	v7 =	vor.u32 s29, v8  }
0x205: {  	v2 =	vor.u32 v2, v6;
	v6 =	vld [tilespmem:$0x1FE90];
	_ =	sdelay $0x3  }
0x206: {  	[tilespmem:v7+s16+$0x0] =	vst.idx.msk $0xffff, v5  }
0x207: {  	v3 =	vand.u32 $0x7F, v3;
	v5 =	vor.u32 s29, v6;
	v2 =	vld.idx.msk [tilespmem:v2+s15+$0x0], $0xffff  }
0x208: {  	v3 =	vor.u32 v3, v4;
	v4 =	vld [tilespmem:$0x1FEA0];
	_ =	sdelay $0x3  }
0x209: {  	[tilespmem:v5+s16+$0x0] =	vst.idx.msk $0xffff, v2  }
0x20a: {  	v0 =	vand.u32 $0x7F, v0;
	v2 =	vld.idx.msk [tilespmem:v3+s15+$0x0], $0xffff;
	v3 =	vor.u32 s29, v4  }
0x20b: {  	v0 =	vor.u32 v0, v1;
	v5 =	vld [tilespmem:$0x1FEB0];
	_ =	sdelay $0x3  }
0x20c: {  	[tilespmem:v3+s16+$0x0] =	vst.idx.msk $0xffff, v2  }
0x20d: {  	v1 =	vor.u32 s29, v5;
	v2 =	vand.u32 $0x7F, v61;
	v0 =	vld.idx.msk [tilespmem:v0+s15+$0x0], $0xffff  }
0x20e: {  	v7 =	vld [tilespmem:$0x1FF70];
	v2 =	vor.u32 v2, v63;
	_ =	sdelay $0x3  }
0x20f: {  	[tilespmem:v1+s16+$0x0] =	vst.idx.msk $0xffff, v0  }
0x210: {  	v1 =	vor.u32 s29, v7;
	v0 =	vld.idx.msk [tilespmem:v2+s15+$0x0], $0xffff;
	v2 =	vand.u32 $0x7F, v60  }
0x211: {  	v9 =	vld [tilespmem:$0x1FED0];
	v2 =	vor.u32 v2, v62;
	_ =	sdelay $0x3  }
0x212: {  	v59 =	vand.u32 $0xFFFFFF80, v57;
	[tilespmem:v1+s16+$0x0] =	vst.idx.msk $0xffff, v0  }
0x213: {  	v59 =	vadd.s32 v34, v59;
	v1 =	vor.u32 s29, v9;
	v0 =	vld.idx.msk [tilespmem:v2+s15+$0x0], $0xffff;
	v2 =	vand.u32 $0x7F, v57  }
0x214: {  	v11 =	vld [tilespmem:$0x1FEE0];
	v2 =	vor.u32 v2, v59;
	_ =	sdelay $0x3  }
0x215: {  	[tilespmem:v1+s16+$0x0] =	vst.idx.msk $0xffff, v0  }
0x216: {  	v1 =	vor.u32 s29, v11;
	v0 =	vld.idx.msk [tilespmem:v2+s15+$0x0], $0xffff;
	v2 =	vand.u32 $0x7F, v54  }
0x217: {  	v13 =	vld [tilespmem:$0x1FEF0];
	v2 =	vor.u32 v2, v58;
	_ =	sdelay $0x3  }
0x218: {  	v56 =	vand.u32 $0xFFFFFF80, v55;
	[tilespmem:v1+s16+$0x0] =	vst.idx.msk $0xffff, v0  }
0x219: {  	v56 =	vadd.s32 v34, v56;
	v1 =	vor.u32 s29, v13;
	v0 =	vld.idx.msk [tilespmem:v2+s15+$0x0], $0xffff;
	v2 =	vand.u32 $0x7F, v55  }
0x21a: {  	v16 =	vld [tilespmem:$0x1FF00];
	v2 =	vor.u32 v2, v56;
	_ =	sdelay $0x3  }
0x21b: {  	[tilespmem:v1+s16+$0x0] =	vst.idx.msk $0xffff, v0  }
0x21c: {  	v1 =	vor.u32 s29, v16;
	v0 =	vld.idx.msk [tilespmem:v2+s15+$0x0], $0xffff;
	v2 =	vand.u32 $0x7F, v52  }
0x21d: {  	v18 =	vld [tilespmem:$0x1FF10];
	v2 =	vor.u32 v2, v53;
	_ =	sdelay $0x3  }
0x21e: {  	v38 =	vand.u32 $0xFFFFFF80, v49;
	[tilespmem:v1+s16+$0x0] =	vst.idx.msk $0xffff, v0  }
0x21f: {  	v51 =	vadd.s32 v34, v38;
	v1 =	vor.u32 s29, v18;
	v0 =	vld.idx.msk [tilespmem:v2+s15+$0x0], $0xffff;
	v2 =	vand.u32 $0x7F, v49  }
0x220: {  	v19 =	vld [tilespmem:$0x1FF20];
	v2 =	vor.u32 v2, v51;
	_ =	sdelay $0x3  }
0x221: {  	v24 =	vand.u32 $0xFFFFFF80, v48;
	[tilespmem:v1+s16+$0x0] =	vst.idx.msk $0xffff, v0  }
0x222: {  	v50 =	vadd.s32 v34, v24;
	v1 =	vor.u32 s29, v19;
	v0 =	vld.idx.msk [tilespmem:v2+s15+$0x0], $0xffff;
	v2 =	vand.u32 $0x7F, v48  }
0x223: {  	v20 =	vld [tilespmem:$0x1FF30];
	v2 =	vor.u32 v2, v50;
	_ =	sdelay $0x3  }
0x224: {  	v39 =	vand.u32 $0xFFFFFF80, v45;
	[tilespmem:v1+s16+$0x0] =	vst.idx.msk $0xffff, v0  }
0x225: {  	v47 =	vadd.s32 v34, v39;
	v1 =	vor.u32 s29, v20;
	v0 =	vld.idx.msk [tilespmem:v2+s15+$0x0], $0xffff;
	v2 =	vand.u32 $0x7F, v45  }
0x226: {  	v21 =	vld [tilespmem:$0x1FF40];
	v2 =	vor.u32 v2, v47  }
0x227: {  	v41 =	vand.u32 $0xFFFFFF80, v40;
	v24 =	vand.u32 $0xFFFFFF80, v42  }
0x228: {  	v41 =	vadd.s32 v34, v41;
	v46 =	vadd.s32 v34, v24;
	v24 =	vand.u32 $0xFFFFFF80, v43  }
0x229: {  	v44 =	vadd.s32 v34, v24;
	v24 =	vand.u32 $0xFFFFFF80, v37;
	v22 =	vand.u32 $0xFFFFFF80, v36  }
0x22a: {  	v39 =	vadd.s32 v34, v24;
	v24 =	vand.u32 $0xFFFFFF80, v33;
	v38 =	vadd.s32 v34, v22;
	[tilespmem:v1+s16+$0x0] =	vst.idx.msk $0xffff, v0  }
0x22b: {  	v22 =	vand.u32 $0xFFFFFF80, v32;
	v1 =	vor.u32 s29, v21;
	v0 =	vld.idx.msk [tilespmem:v2+s15+$0x0], $0xffff;
	v2 =	vand.u32 $0x7F, v42  }
0x22c: {  	v35 =	vadd.s32 v34, v24;
	v34 =	vadd.s32 v34, v22;
	v22 =	vld [tilespmem:$0x1FF50];
	v2 =	vor.u32 v2, v46;
	_ =	sdelay $0x3  }
0x22d: {  	[tilespmem:v1+s16+$0x0] =	vst.idx.msk $0xffff, v0  }
0x22e: {  	v1 =	vor.u32 s29, v22;
	v0 =	vld.idx.msk [tilespmem:v2+s15+$0x0], $0xffff;
	v2 =	vand.u32 $0x7F, v43  }
0x22f: {  	v2 =	vor.u32 v2, v44;
	_ =	sdelay $0x3  }
0x230: {  	[tilespmem:v1+s16+$0x0] =	vst.idx.msk $0xffff, v0  }
0x231: {  	v1 =	vor.u32 s29, v31;
	v0 =	vld.idx.msk [tilespmem:v2+s15+$0x0], $0xffff;
	v2 =	vand.u32 $0x7F, v40  }
0x232: {  	v2 =	vor.u32 v2, v41;
	_ =	sdelay $0x3  }
0x233: {  	[tilespmem:v1+s16+$0x0] =	vst.idx.msk $0xffff, v0  }
0x234: {  	v1 =	vor.u32 s29, v30;
	v0 =	vld.idx.msk [tilespmem:v2+s15+$0x0], $0xffff;
	v2 =	vand.u32 $0x7F, v37  }
0x235: {  	v37 =	vld [tilespmem:$0x1FF80];
	v2 =	vor.u32 v2, v39;
	_ =	sdelay $0x3  }
0x236: {  	[tilespmem:v1+s16+$0x0] =	vst.idx.msk $0xffff, v0  }
0x237: {  	v1 =	vor.u32 s29, v37;
	v0 =	vld.idx.msk [tilespmem:v2+s15+$0x0], $0xffff;
	v2 =	vand.u32 $0x7F, v36  }
0x238: {  	v36 =	vld [tilespmem:$0x1FF90];
	v2 =	vor.u32 v2, v38;
	_ =	sdelay $0x3  }
0x239: {  	[tilespmem:v1+s16+$0x0] =	vst.idx.msk $0xffff, v0  }
0x23a: {  	v1 =	vor.u32 s29, v36;
	v0 =	vld.idx.msk [tilespmem:v2+s15+$0x0], $0xffff;
	v2 =	vand.u32 $0x7F, v33  }
0x23b: {  	v14 =	vld [tilespmem:$0x1FFA0];
	v2 =	vor.u32 v2, v35;
	_ =	sdelay $0x3  }
0x23c: {  	[tilespmem:v1+s16+$0x0] =	vst.idx.msk $0xffff, v0  }
0x23d: {  	v1 =	vor.u32 s29, v14;
	v0 =	vld.idx.msk [tilespmem:v2+s15+$0x0], $0xffff;
	v2 =	vand.u32 $0x7F, v32  }
0x23e: {  	p0 =	sne.s32 s26, $0x70;
	v2 =	vor.u32 v2, v34;
	v34 =	vld [tilespmem:$0x1FFB0]  }
.Ltmp1:
0x23f: {  	_ = 	snop;
	(pc) =	sbr.rel @p0 .LBB2_5-.Ltmp1, $3  }
0x240: {  	_ =	sdelay $0x1  }
0x241: {  	v25 =	vlaneseq.u32;
	[tilespmem:v1+s16+$0x0] =	vst.idx.msk $0xffff, v0  }
0x242: {  	s26 =	sadd.s32 $0x10, s26;
	v24 =	vmovc v29;
	v43 =	vmovc v28;
	v41 =	vmov v27;
	v39 =	vmov v26;
	v0 =	vld.idx.msk [tilespmem:v2+s15+$0x0], $0xffff;
	v1 =	vor.u32 s29, v34  }
0x243: {  	s25 =	sadd.s32 s3, s25  }
0x244: {  	s26 =	sshll.u32 s25, $0x7  }
0x245: {  	s25 =	sshll.u32 s25, $0x9;
	s26 =	sand.u32 $0xF80, s26  }
0x246: {  	s25 =	sand.u32 $0xFFFC000, s25;
	s26 =	sadd.s32 s5, s26  }
0x247: {  	[tilespmem:v1+s16+$0x0] =	vst.idx.msk $0xffff, v0;
	s25 =	sadd.s32 s25, s26  }
0x248: {  	[hbm4b:s25+s17] =	stream.strided.scatter [tilespmem:s16], [sflag:$0x3], $0x1000, s18, s17, $0x38;
	[tilespmem:$0xAA00] =	vst v63  }
0x249: {  	s24 =	sadd.s32 $0x1, s24;
	_ =	swait.ge [sflag:s11], $0x1000  }
0x24a: {  	p0 =	sne.s32 s24, $0xC;
	[sflag:s11] =	ssyncset.done $0x0  }
.Ltmp2:
0x24b: {  	[sflag:s11] =	ssyncadd.s32 $0xFFFFF000;
	(pc) =	sbr.rel @p0 .LBB2_2-.Ltmp2, $4  }
0x24c: {  	_ =	swait.ge [sflag:s14], $0x4000  }
0x24d: {  	v29 =	vld [tilespmem:$0x1FFE0]  }
0x24e: {  	[sflag:s14] =	ssyncset.done $0x0;
	v35 =	vld [tilespmem:$0x1FFD0]  }
0x24f: {  	v23 =	vmov v31;
	v40 =	vmov v30;
	s22 =	sadd.s32 $0x100, s22;
	s23 =	sadd.s32 $0x100, s23;
	v38 =	vld [tilespmem:$0x1FFC0];
	[sflag:s14] =	ssyncadd.s32 $0xFFFFC000  }
0x250: {  	[tilespmem:s15], [sflag:$0x2] =	stream.indirect.gather [hbm4b:s4+s12], $0x80, s20, s12, $0xb8;
	[tilespmem:$0xAA00] =	vst v63  }
0x251: {  	s22 =	simm.s32 $0x1900  }
0x252: {  	v32 =	vld [tilespmem:s22+$0x0];
	_ =	sdelay $0x2  }
0x253: {  	s24 =	simm.s32 $0x0  }
0x254: {  	v0 =	vor.u32 s24, v25  }
0x255: {  	v33 =	vshll.u32 v0, $0x7;
	v1 =	vand.u32 $0xFFFFFF80, v32  }
0x256: {  	v2 =	vand.u32 $0x7F, v32;
	v1 =	vadd.s32 v33, v1  }
0x257: {  	v1 =	vor.u32 v2, v1;
	_ =	sdelay $0x2  }
0x258: {  	v2 =	vadd.s32 $0x1, v32  }
0x259: {  	v3 =	vand.u32 $0xFFFFFF80, v2  }
0x25a: {  	v2 =	vand.u32 $0x7F, v2;
	v3 =	vadd.s32 v33, v3;
	v1 =	vld.idx.msk [tilespmem:v1+s13+$0x0], $0xffff  }
0x25b: {  	v2 =	vor.u32 v2, v3;
	_ =	sdelay $0x2  }
0x25c: {  	v3 =	vadd.s32 $0x2, v32  }
0x25d: {  	[tilespmem:v0+s16+$0x0] =	vst.idx.msk $0xffff, v1;
	v0 =	vand.u32 $0xFFFFFF80, v3  }
0x25e: {  	v3 =	vand.u32 $0x7F, v3;
	v0 =	vadd.s32 v33, v0;
	v1 =	vld.idx.msk [tilespmem:v2+s13+$0x0], $0xffff;
	v2 =	vor.u32 s24, v39  }
0x25f: {  	v0 =	vor.u32 v3, v0;
	_ =	sdelay $0x2  }
0x260: {  	v3 =	vadd.s32 $0x3, v32  }
0x261: {  	[tilespmem:v2+s16+$0x0] =	vst.idx.msk $0xffff, v1;
	v1 =	vand.u32 $0xFFFFFF80, v3  }
0x262: {  	v2 =	vor.u32 s24, v41;
	v3 =	vand.u32 $0x7F, v3;
	v1 =	vadd.s32 v33, v1;
	v0 =	vld.idx.msk [tilespmem:v0+s13+$0x0], $0xffff  }
0x263: {  	v1 =	vor.u32 v3, v1;
	_ =	sdelay $0x2  }
0x264: {  	v3 =	vadd.s32 $0x4, v32  }
0x265: {  	[tilespmem:v2+s16+$0x0] =	vst.idx.msk $0xffff, v0;
	v0 =	vand.u32 $0xFFFFFF80, v3  }
0x266: {  	v2 =	vor.u32 s24, v43;
	v3 =	vand.u32 $0x7F, v3;
	v0 =	vadd.s32 v33, v0;
	v1 =	vld.idx.msk [tilespmem:v1+s13+$0x0], $0xffff  }
0x267: {  	v0 =	vor.u32 v3, v0;
	_ =	sdelay $0x2  }
0x268: {  	v3 =	vadd.s32 $0x5, v32  }
0x269: {  	[tilespmem:v2+s16+$0x0] =	vst.idx.msk $0xffff, v1;
	v1 =	vand.u32 $0xFFFFFF80, v3  }
0x26a: {  	v2 =	vor.u32 s24, v24;
	v3 =	vand.u32 $0x7F, v3;
	v1 =	vadd.s32 v33, v1;
	v0 =	vld.idx.msk [tilespmem:v0+s13+$0x0], $0xffff  }
0x26b: {  	v1 =	vor.u32 v3, v1;
	_ =	sdelay $0x2  }
0x26c: {  	v3 =	vadd.s32 $0x6, v32  }
0x26d: {  	[tilespmem:v2+s16+$0x0] =	vst.idx.msk $0xffff, v0;
	v0 =	vand.u32 $0xFFFFFF80, v3  }
0x26e: {  	v2 =	vor.u32 s24, v29;
	v3 =	vand.u32 $0x7F, v3;
	v0 =	vadd.s32 v33, v0;
	v1 =	vld.idx.msk [tilespmem:v1+s13+$0x0], $0xffff  }
0x26f: {  	v0 =	vor.u32 v3, v0;
	_ =	sdelay $0x2  }
0x270: {  	v3 =	vadd.s32 $0x7, v32  }
0x271: {  	[tilespmem:v2+s16+$0x0] =	vst.idx.msk $0xffff, v1;
	v1 =	vand.u32 $0xFFFFFF80, v3  }
0x272: {  	v2 =	vor.u32 s24, v35;
	v3 =	vand.u32 $0x7F, v3;
	v1 =	vadd.s32 v33, v1;
	v0 =	vld.idx.msk [tilespmem:v0+s13+$0x0], $0xffff  }
0x273: {  	v1 =	vor.u32 v3, v1;
	_ =	sdelay $0x2  }
0x274: {  	v3 =	vadd.s32 $0x8, v32  }
0x275: {  	[tilespmem:v2+s16+$0x0] =	vst.idx.msk $0xffff, v0;
	v0 =	vand.u32 $0xFFFFFF80, v3  }
0x276: {  	v2 =	vor.u32 s24, v38;
	v3 =	vand.u32 $0x7F, v3;
	v0 =	vadd.s32 v33, v0;
	v1 =	vld.idx.msk [tilespmem:v1+s13+$0x0], $0xffff  }
0x277: {  	v0 =	vor.u32 v3, v0;
	_ =	sdelay $0x2  }
0x278: {  	v3 =	vadd.s32 $0x9, v32  }
0x279: {  	[tilespmem:v2+s16+$0x0] =	vst.idx.msk $0xffff, v1;
	v1 =	vand.u32 $0xFFFFFF80, v3  }
0x27a: {  	v2 =	vor.u32 s24, v17;
	v3 =	vand.u32 $0x7F, v3;
	v1 =	vadd.s32 v33, v1;
	v0 =	vld.idx.msk [tilespmem:v0+s13+$0x0], $0xffff  }
0x27b: {  	v1 =	vor.u32 v3, v1;
	_ =	sdelay $0x2  }
0x27c: {  	v3 =	vadd.s32 $0xA, v32  }
0x27d: {  	[tilespmem:v2+s16+$0x0] =	vst.idx.msk $0xffff, v0;
	v0 =	vand.u32 $0xFFFFFF80, v3  }
0x27e: {  	v2 =	vor.u32 s24, v15;
	v3 =	vand.u32 $0x7F, v3;
	v0 =	vadd.s32 v33, v0;
	v1 =	vld.idx.msk [tilespmem:v1+s13+$0x0], $0xffff  }
0x27f: {  	v0 =	vor.u32 v3, v0;
	_ =	sdelay $0x2  }
0x280: {  	v3 =	vadd.s32 $0xB, v32  }
0x281: {  	[tilespmem:v2+s16+$0x0] =	vst.idx.msk $0xffff, v1;
	v1 =	vand.u32 $0xFFFFFF80, v3  }
0x282: {  	v2 =	vor.u32 s24, v12;
	v3 =	vand.u32 $0x7F, v3;
	v1 =	vadd.s32 v33, v1;
	v0 =	vld.idx.msk [tilespmem:v0+s13+$0x0], $0xffff  }
0x283: {  	v1 =	vor.u32 v3, v1;
	_ =	sdelay $0x2  }
0x284: {  	v3 =	vadd.s32 $0xC, v32  }
0x285: {  	[tilespmem:v2+s16+$0x0] =	vst.idx.msk $0xffff, v0;
	v0 =	vand.u32 $0xFFFFFF80, v3  }
0x286: {  	v2 =	vor.u32 s24, v10;
	v3 =	vand.u32 $0x7F, v3;
	v0 =	vadd.s32 v33, v0;
	v1 =	vld.idx.msk [tilespmem:v1+s13+$0x0], $0xffff  }
0x287: {  	v0 =	vor.u32 v3, v0;
	_ =	sdelay $0x2  }
0x288: {  	v3 =	vadd.s32 $0xD, v32  }
0x289: {  	[tilespmem:v2+s16+$0x0] =	vst.idx.msk $0xffff, v1;
	v1 =	vand.u32 $0xFFFFFF80, v3  }
0x28a: {  	v2 =	vor.u32 s24, v8;
	v3 =	vand.u32 $0x7F, v3;
	v1 =	vadd.s32 v33, v1;
	v0 =	vld.idx.msk [tilespmem:v0+s13+$0x0], $0xffff  }
0x28b: {  	v1 =	vor.u32 v3, v1;
	_ =	sdelay $0x2  }
0x28c: {  	v3 =	vadd.s32 $0xE, v32  }
0x28d: {  	[tilespmem:v2+s16+$0x0] =	vst.idx.msk $0xffff, v0;
	v0 =	vand.u32 $0xFFFFFF80, v3  }
0x28e: {  	v2 =	vor.u32 s24, v6;
	v3 =	vand.u32 $0x7F, v3;
	v0 =	vadd.s32 v33, v0;
	v1 =	vld.idx.msk [tilespmem:v1+s13+$0x0], $0xffff  }
0x28f: {  	v0 =	vor.u32 v3, v0;
	_ =	sdelay $0x2  }
0x290: {  	v3 =	vadd.s32 $0xF, v32  }
0x291: {  	[tilespmem:v2+s16+$0x0] =	vst.idx.msk $0xffff, v1;
	v1 =	vand.u32 $0xFFFFFF80, v3  }
0x292: {  	v2 =	vor.u32 s24, v4;
	v3 =	vand.u32 $0x7F, v3;
	v1 =	vadd.s32 v33, v1;
	v0 =	vld.idx.msk [tilespmem:v0+s13+$0x0], $0xffff  }
0x293: {  	v1 =	vor.u32 v3, v1;
	_ =	sdelay $0x2  }
0x294: {  	v3 =	vadd.s32 $0x10, v32  }
0x295: {  	[tilespmem:v2+s16+$0x0] =	vst.idx.msk $0xffff, v0;
	v0 =	vand.u32 $0xFFFFFF80, v3  }
0x296: {  	v2 =	vor.u32 s24, v5;
	v3 =	vand.u32 $0x7F, v3;
	v0 =	vadd.s32 v33, v0;
	v1 =	vld.idx.msk [tilespmem:v1+s13+$0x0], $0xffff  }
0x297: {  	v0 =	vor.u32 v3, v0;
	_ =	sdelay $0x2  }
0x298: {  	v3 =	vadd.s32 $0x11, v32  }
0x299: {  	[tilespmem:v2+s16+$0x0] =	vst.idx.msk $0xffff, v1;
	v1 =	vand.u32 $0xFFFFFF80, v3  }
0x29a: {  	v2 =	vor.u32 s24, v7;
	v3 =	vand.u32 $0x7F, v3;
	v1 =	vadd.s32 v33, v1;
	v0 =	vld.idx.msk [tilespmem:v0+s13+$0x0], $0xffff  }
0x29b: {  	v1 =	vor.u32 v3, v1;
	_ =	sdelay $0x2  }
0x29c: {  	v3 =	vadd.s32 $0x12, v32  }
0x29d: {  	[tilespmem:v2+s16+$0x0] =	vst.idx.msk $0xffff, v0;
	v0 =	vand.u32 $0xFFFFFF80, v3  }
0x29e: {  	v2 =	vor.u32 s24, v9;
	v3 =	vand.u32 $0x7F, v3;
	v0 =	vadd.s32 v33, v0;
	v1 =	vld.idx.msk [tilespmem:v1+s13+$0x0], $0xffff  }
0x29f: {  	v0 =	vor.u32 v3, v0;
	_ =	sdelay $0x2  }
0x2a0: {  	v3 =	vadd.s32 $0x13, v32  }
0x2a1: {  	[tilespmem:v2+s16+$0x0] =	vst.idx.msk $0xffff, v1;
	v1 =	vand.u32 $0xFFFFFF80, v3  }
0x2a2: {  	v2 =	vor.u32 s24, v11;
	v3 =	vand.u32 $0x7F, v3;
	v1 =	vadd.s32 v33, v1;
	v0 =	vld.idx.msk [tilespmem:v0+s13+$0x0], $0xffff  }
0x2a3: {  	v1 =	vor.u32 v3, v1;
	_ =	sdelay $0x2  }
0x2a4: {  	v3 =	vadd.s32 $0x14, v32  }
0x2a5: {  	[tilespmem:v2+s16+$0x0] =	vst.idx.msk $0xffff, v0;
	v0 =	vand.u32 $0xFFFFFF80, v3  }
0x2a6: {  	v2 =	vor.u32 s24, v13;
	v3 =	vand.u32 $0x7F, v3;
	v0 =	vadd.s32 v33, v0;
	v1 =	vld.idx.msk [tilespmem:v1+s13+$0x0], $0xffff  }
0x2a7: {  	v0 =	vor.u32 v3, v0;
	_ =	sdelay $0x2  }
0x2a8: {  	v3 =	vadd.s32 $0x15, v32  }
0x2a9: {  	[tilespmem:v2+s16+$0x0] =	vst.idx.msk $0xffff, v1;
	v1 =	vand.u32 $0xFFFFFF80, v3  }
0x2aa: {  	v2 =	vor.u32 s24, v16;
	v3 =	vand.u32 $0x7F, v3;
	v1 =	vadd.s32 v33, v1;
	v0 =	vld.idx.msk [tilespmem:v0+s13+$0x0], $0xffff  }
0x2ab: {  	v1 =	vor.u32 v3, v1;
	_ =	sdelay $0x2  }
0x2ac: {  	v3 =	vadd.s32 $0x16, v32  }
0x2ad: {  	[tilespmem:v2+s16+$0x0] =	vst.idx.msk $0xffff, v0;
	v0 =	vand.u32 $0xFFFFFF80, v3  }
0x2ae: {  	v2 =	vor.u32 s24, v18;
	v3 =	vand.u32 $0x7F, v3;
	v0 =	vadd.s32 v33, v0;
	v1 =	vld.idx.msk [tilespmem:v1+s13+$0x0], $0xffff  }
0x2af: {  	v0 =	vor.u32 v3, v0;
	_ =	sdelay $0x2  }
0x2b0: {  	v3 =	vadd.s32 $0x17, v32  }
0x2b1: {  	[tilespmem:v2+s16+$0x0] =	vst.idx.msk $0xffff, v1;
	v1 =	vand.u32 $0xFFFFFF80, v3  }
0x2b2: {  	v2 =	vor.u32 s24, v19;
	v3 =	vand.u32 $0x7F, v3;
	v1 =	vadd.s32 v33, v1;
	v0 =	vld.idx.msk [tilespmem:v0+s13+$0x0], $0xffff  }
0x2b3: {  	v1 =	vor.u32 v3, v1;
	_ =	sdelay $0x2  }
0x2b4: {  	v3 =	vadd.s32 $0x18, v32  }
0x2b5: {  	[tilespmem:v2+s16+$0x0] =	vst.idx.msk $0xffff, v0;
	v0 =	vand.u32 $0xFFFFFF80, v3  }
0x2b6: {  	v2 =	vor.u32 s24, v20;
	v3 =	vand.u32 $0x7F, v3;
	v0 =	vadd.s32 v33, v0;
	v1 =	vld.idx.msk [tilespmem:v1+s13+$0x0], $0xffff  }
0x2b7: {  	v0 =	vor.u32 v3, v0;
	_ =	sdelay $0x2  }
0x2b8: {  	v3 =	vadd.s32 $0x19, v32  }
0x2b9: {  	[tilespmem:v2+s16+$0x0] =	vst.idx.msk $0xffff, v1;
	v1 =	vand.u32 $0xFFFFFF80, v3  }
0x2ba: {  	v2 =	vor.u32 s24, v21;
	v3 =	vand.u32 $0x7F, v3;
	v1 =	vadd.s32 v33, v1;
	v0 =	vld.idx.msk [tilespmem:v0+s13+$0x0], $0xffff  }
0x2bb: {  	v1 =	vor.u32 v3, v1;
	_ =	sdelay $0x2  }
0x2bc: {  	v3 =	vadd.s32 $0x1A, v32  }
0x2bd: {  	[tilespmem:v2+s16+$0x0] =	vst.idx.msk $0xffff, v0;
	v0 =	vand.u32 $0xFFFFFF80, v3  }
0x2be: {  	v2 =	vor.u32 s24, v22;
	v3 =	vand.u32 $0x7F, v3;
	v0 =	vadd.s32 v33, v0;
	v1 =	vld.idx.msk [tilespmem:v1+s13+$0x0], $0xffff  }
0x2bf: {  	v0 =	vor.u32 v3, v0;
	_ =	sdelay $0x2  }
0x2c0: {  	v3 =	vadd.s32 $0x1B, v32  }
0x2c1: {  	[tilespmem:v2+s16+$0x0] =	vst.idx.msk $0xffff, v1;
	v1 =	vand.u32 $0xFFFFFF80, v3  }
0x2c2: {  	v2 =	vor.u32 s24, v23;
	v3 =	vand.u32 $0x7F, v3;
	v1 =	vadd.s32 v33, v1;
	v0 =	vld.idx.msk [tilespmem:v0+s13+$0x0], $0xffff  }
0x2c3: {  	v1 =	vor.u32 v3, v1;
	_ =	sdelay $0x2  }
0x2c4: {  	v3 =	vadd.s32 $0x1C, v32  }
0x2c5: {  	[tilespmem:v2+s16+$0x0] =	vst.idx.msk $0xffff, v0;
	v0 =	vand.u32 $0xFFFFFF80, v3  }
0x2c6: {  	v2 =	vor.u32 s24, v40;
	v3 =	vand.u32 $0x7F, v3;
	v0 =	vadd.s32 v33, v0;
	v1 =	vld.idx.msk [tilespmem:v1+s13+$0x0], $0xffff  }
0x2c7: {  	v0 =	vor.u32 v3, v0;
	_ =	sdelay $0x2  }
0x2c8: {  	v3 =	vadd.s32 $0x1D, v32  }
0x2c9: {  	[tilespmem:v2+s16+$0x0] =	vst.idx.msk $0xffff, v1;
	v1 =	vand.u32 $0xFFFFFF80, v3  }
0x2ca: {  	v2 =	vor.u32 s24, v37;
	v3 =	vand.u32 $0x7F, v3;
	v1 =	vadd.s32 v33, v1;
	v0 =	vld.idx.msk [tilespmem:v0+s13+$0x0], $0xffff  }
0x2cb: {  	v1 =	vor.u32 v3, v1;
	_ =	sdelay $0x2  }
0x2cc: {  	v3 =	vadd.s32 $0x1E, v32  }
0x2cd: {  	[tilespmem:v2+s16+$0x0] =	vst.idx.msk $0xffff, v0;
	v0 =	vand.u32 $0xFFFFFF80, v3  }
0x2ce: {  	v2 =	vor.u32 s24, v36;
	v3 =	vand.u32 $0x7F, v3;
	v0 =	vadd.s32 v33, v0;
	v1 =	vld.idx.msk [tilespmem:v1+s13+$0x0], $0xffff  }
0x2cf: {  	v0 =	vor.u32 v3, v0;
	_ =	sdelay $0x2  }
0x2d0: {  	v3 =	vadd.s32 $0x1F, v32  }
0x2d1: {  	[tilespmem:v2+s16+$0x0] =	vst.idx.msk $0xffff, v1;
	v1 =	vand.u32 $0xFFFFFF80, v3  }
0x2d2: {  	v2 =	vor.u32 s24, v14;
	v3 =	vand.u32 $0x7F, v3;
	v1 =	vadd.s32 v33, v1;
	v0 =	vld.idx.msk [tilespmem:v0+s13+$0x0], $0xffff  }
0x2d3: {  	v1 =	vor.u32 v3, v1;
	_ =	sdelay $0x3  }
0x2d4: {  	[tilespmem:v2+s16+$0x0] =	vst.idx.msk $0xffff, v0  }
0x2d5: {  	s23 =	simm.s32 $0x10;
	v0 =	vld.idx.msk [tilespmem:v1+s13+$0x0], $0xffff;
	v1 =	vor.u32 s24, v34  }
.LBB2_8:
0x2d6: {  	_ =	sdelay $0x3  }
0x2d7: {  	s22 =	sadd.s32 $0x10, s22;
	[tilespmem:v1+s16+$0x0] =	vst.idx.msk $0xffff, v0  }
0x2d8: {  	v14 =	vld [tilespmem:s22+$0x0];
	_ =	sdelay $0x2  }
0x2d9: {  	s24 =	smov.u32 s23  }
0x2da: {  	v36 =	vor.u32 s24, v39;
	v42 =	vor.u32 s24, v41;
	v0 =	vor.u32 s24, v25  }
0x2db: {  	v34 =	vshll.u32 v0, $0x7;
	v1 =	vand.u32 $0xFFFFFF80, v14;
	v2 =	vadd.s32 $0x1, v14  }
0x2dc: {  	v3 =	vand.u32 $0x7F, v14;
	v22 =	vadd.s32 $0x3, v14;
	v23 =	vadd.s32 $0x4, v14  }
0x2dd: {  	v21 =	vadd.s32 $0x5, v14;
	v19 =	vadd.s32 $0x6, v14;
	v15 =	vadd.s32 $0x7, v14  }
0x2de: {  	v16 =	vadd.s32 $0x8, v14;
	v12 =	vadd.s32 $0x9, v14;
	v9 =	vadd.s32 $0xA, v14  }
0x2df: {  	v8 =	vadd.s32 $0xB, v14;
	v61 =	vadd.s32 $0x10, v14;
	v1 =	vadd.s32 v34, v1  }
0x2e0: {  	v60 =	vadd.s32 $0x11, v14;
	v54 =	vadd.s32 $0x13, v14;
	v1 =	vor.u32 v3, v1  }
0x2e1: {  	v55 =	vadd.s32 $0x14, v14;
	v52 =	vadd.s32 $0x15, v14;
	v49 =	vadd.s32 $0x16, v14  }
0x2e2: {  	v48 =	vadd.s32 $0x17, v14;
	v45 =	vadd.s32 $0x18, v14;
	v4 =	vand.u32 $0xFFFFFF80, v2  }
0x2e3: {  	v6 =	vand.u32 $0xFFFFFF80, v23;
	v3 =	vadd.s32 v34, v4;
	v4 =	vadd.s32 $0x2, v14  }
0x2e4: {  	v2 =	vand.u32 $0x7F, v2;
	v57 =	vand.u32 $0xFFFFFF80, v61;
	v5 =	vand.u32 $0xFFFFFF80, v4  }
0x2e5: {  	v58 =	vand.u32 $0xFFFFFF80, v60;
	v24 =	vadd.s32 v34, v5;
	v5 =	vand.u32 $0xFFFFFF80, v22;
	v1 =	vld.idx.msk [tilespmem:v1+s13+$0x0], $0xffff  }
0x2e6: {  	v3 =	vor.u32 v2, v3;
	v25 =	vadd.s32 v34, v5;
	v5 =	vand.u32 $0xFFFFFF80, v21  }
0x2e7: {  	v40 =	vand.u32 $0xFFFFFF80, v54;
	v35 =	vadd.s32 v34, v5;
	v5 =	vand.u32 $0xFFFFFF80, v19  }
0x2e8: {  	v23 =	vand.u32 $0x7F, v23;
	v20 =	vadd.s32 v34, v5;
	v5 =	vand.u32 $0xFFFFFF80, v12  }
0x2e9: {  	v32 =	vadd.s32 v34, v6;
	v13 =	vadd.s32 v34, v5;
	v5 =	vadd.s32 $0xC, v14  }
0x2ea: {  	v6 =	vand.u32 $0xFFFFFF80, v15;
	v63 =	vadd.s32 v34, v57;
	[tilespmem:v0+s16+$0x0] =	vst.idx.msk $0xffff, v1;
	v1 =	vand.u32 $0xFFFFFF80, v5  }
0x2eb: {  	v57 =	vadd.s32 $0x12, v14;
	v33 =	vld.idx.msk [tilespmem:v3+s13+$0x0], $0xffff;
	v7 =	vadd.s32 v34, v1;
	v1 =	vand.u32 $0x7F, v4  }
0x2ec: {  	v62 =	vadd.s32 v34, v58;
	v58 =	vadd.s32 v34, v40;
	v24 =	vor.u32 v1, v24  }
0x2ed: {  	v40 =	vand.u32 $0xFFFFFF80, v52;
	v18 =	vadd.s32 v34, v6;
	v2 =	vand.u32 $0xFFFFFF80, v16  }
0x2ee: {  	v53 =	vadd.s32 v34, v40;
	v23 =	vor.u32 v23, v32;
	v22 =	vand.u32 $0x7F, v22  }
0x2ef: {  	v17 =	vadd.s32 v34, v2;
	v22 =	vor.u32 v22, v25;
	v25 =	vand.u32 $0xFFFFFF80, v55  }
0x2f0: {  	v2 =	vand.u32 $0xFFFFFF80, v9;
	v56 =	vadd.s32 v34, v25;
	v25 =	vand.u32 $0xFFFFFF80, v49;
	[tilespmem:v36+s16+$0x0] =	vst.idx.msk $0xffff, v33  }
0x2f1: {  	v11 =	vadd.s32 v34, v2;
	v51 =	vadd.s32 v34, v25;
	v25 =	vand.u32 $0xFFFFFF80, v45;
	v24 =	vld.idx.msk [tilespmem:v24+s13+$0x0], $0xffff  }
0x2f2: {  	v2 =	vadd.s32 $0xD, v14;
	v47 =	vadd.s32 v34, v25;
	v0 =	vand.u32 $0xFFFFFF80, v8  }
0x2f3: {  	v25 =	vor.u32 s24, v43;
	v10 =	vadd.s32 v34, v0;
	v0 =	vand.u32 $0xFFFFFF80, v2  }
0x2f4: {  	v3 =	vadd.s32 $0xE, v14;
	v6 =	vadd.s32 v34, v0;
	v0 =	vadd.s32 $0xF, v14  }
0x2f5: {  	v43 =	vadd.s32 $0x1A, v14;
	v1 =	vand.u32 $0xFFFFFF80, v3;
	v37 =	vand.u32 $0xFFFFFF80, v0  }
0x2f6: {  	v4 =	vadd.s32 v34, v1;
	[tilespmem:v42+s16+$0x0] =	vst.idx.msk $0xffff, v24;
	v24 =	vand.u32 $0xFFFFFF80, v48;
	v42 =	vadd.s32 $0x19, v14  }
0x2f7: {  	v1 =	vadd.s32 v34, v37;
	v50 =	vadd.s32 v34, v24;
	v24 =	vand.u32 $0xFFFFFF80, v42  }
0x2f8: {  	v37 =	vadd.s32 $0x1C, v14;
	v46 =	vadd.s32 v34, v24;
	v24 =	vand.u32 $0xFFFFFF80, v43  }
0x2f9: {  	v33 =	vadd.s32 $0x1E, v14;
	v44 =	vadd.s32 v34, v24;
	v24 =	vand.u32 $0xFFFFFF80, v37  }
0x2fa: {  	v40 =	vadd.s32 $0x1B, v14;
	v22 =	vld.idx.msk [tilespmem:v22+s13+$0x0], $0xffff;
	v39 =	vadd.s32 v34, v24;
	v24 =	vand.u32 $0xFFFFFF80, v33  }
0x2fb: {  	v32 =	vadd.s32 $0x1F, v14;
	v36 =	vadd.s32 $0x1D, v14;
	v14 =	vadd.s32 v34, v24;
	v24 =	vld [tilespmem:$0x1FFF0];
	_ =	sdelay $0x3  }
0x2fc: {  	[tilespmem:v25+s16+$0x0] =	vst.idx.msk $0xffff, v22  }
0x2fd: {  	v21 =	vand.u32 $0x7F, v21;
	v23 =	vld.idx.msk [tilespmem:v23+s13+$0x0], $0xffff;
	v24 =	vor.u32 s24, v24  }
0x2fe: {  	v21 =	vor.u32 v21, v35;
	_ =	sdelay $0x1  }
0x2ff: {  	v59 =	vand.u32 $0xFFFFFF80, v57  }
0x300: {  	v59 =	vadd.s32 v34, v59;
	v41 =	vand.u32 $0xFFFFFF80, v40;
	v22 =	vand.u32 $0xFFFFFF80, v36  }
0x301: {  	v41 =	vadd.s32 v34, v41;
	v38 =	vadd.s32 v34, v22;
	v22 =	vand.u32 $0xFFFFFF80, v32;
	[tilespmem:v24+s16+$0x0] =	vst.idx.msk $0xffff, v23  }
0x302: {  	v19 =	vand.u32 $0x7F, v19;
	v34 =	vadd.s32 v34, v22;
	v22 =	vor.u32 s24, v29;
	v21 =	vld.idx.msk [tilespmem:v21+s13+$0x0], $0xffff  }
0x303: {  	v19 =	vor.u32 v19, v20;
	v20 =	vld [tilespmem:$0x1FFD0];
	_ =	sdelay $0x3  }
0x304: {  	[tilespmem:v22+s16+$0x0] =	vst.idx.msk $0xffff, v21  }
0x305: {  	v15 =	vand.u32 $0x7F, v15;
	v20 =	vor.u32 s24, v20;
	v19 =	vld.idx.msk [tilespmem:v19+s13+$0x0], $0xffff  }
0x306: {  	v15 =	vor.u32 v15, v18;
	v18 =	vld [tilespmem:$0x1FFC0];
	_ =	sdelay $0x3  }
0x307: {  	[tilespmem:v20+s16+$0x0] =	vst.idx.msk $0xffff, v19  }
0x308: {  	v16 =	vand.u32 $0x7F, v16;
	v18 =	vor.u32 s24, v18;
	v15 =	vld.idx.msk [tilespmem:v15+s13+$0x0], $0xffff  }
0x309: {  	v16 =	vor.u32 v16, v17;
	v17 =	vld [tilespmem:$0x1FE60];
	_ =	sdelay $0x3  }
0x30a: {  	[tilespmem:v18+s16+$0x0] =	vst.idx.msk $0xffff, v15  }
0x30b: {  	v15 =	vld.idx.msk [tilespmem:v16+s13+$0x0], $0xffff;
	v16 =	vor.u32 s24, v17;
	_ =	sdelay $0x3  }
0x30c: {  	v12 =	vand.u32 $0x7F, v12  }
0x30d: {  	v12 =	vor.u32 v12, v13;
	[tilespmem:v16+s16+$0x0] =	vst.idx.msk $0xffff, v15;
	v15 =	vld [tilespmem:$0x1FE70];
	_ =	sdelay $0x4  }
0x30e: {  	v12 =	vld.idx.msk [tilespmem:v12+s13+$0x0], $0xffff;
	v13 =	vor.u32 s24, v15;
	_ =	sdelay $0x3  }
0x30f: {  	v9 =	vand.u32 $0x7F, v9  }
0x310: {  	v9 =	vor.u32 v9, v11;
	[tilespmem:v13+s16+$0x0] =	vst.idx.msk $0xffff, v12;
	v12 =	vld [tilespmem:$0x1FE80];
	_ =	sdelay $0x4  }
0x311: {  	v8 =	vand.u32 $0x7F, v8;
	v9 =	vld.idx.msk [tilespmem:v9+s13+$0x0], $0xffff;
	v11 =	vor.u32 s24, v12  }
0x312: {  	v8 =	vor.u32 v8, v10;
	v10 =	vld [tilespmem:$0x1FF60];
	_ =	sdelay $0x3  }
0x313: {  	[tilespmem:v11+s16+$0x0] =	vst.idx.msk $0xffff, v9  }
0x314: {  	v9 =	vor.u32 s24, v10;
	v8 =	vld.idx.msk [tilespmem:v8+s13+$0x0], $0xffff;
	_ =	sdelay $0x3  }
0x315: {  	v5 =	vand.u32 $0x7F, v5  }
0x316: {  	v5 =	vor.u32 v5, v7;
	[tilespmem:v9+s16+$0x0] =	vst.idx.msk $0xffff, v8;
	v8 =	vld [tilespmem:$0x1FEC0];
	_ =	sdelay $0x4  }
0x317: {  	v2 =	vand.u32 $0x7F, v2;
	v5 =	vld.idx.msk [tilespmem:v5+s13+$0x0], $0xffff;
	v7 =	vor.u32 s24, v8  }
0x318: {  	v2 =	vor.u32 v2, v6;
	v6 =	vld [tilespmem:$0x1FE90];
	_ =	sdelay $0x3  }
0x319: {  	[tilespmem:v7+s16+$0x0] =	vst.idx.msk $0xffff, v5  }
0x31a: {  	v3 =	vand.u32 $0x7F, v3;
	v5 =	vor.u32 s24, v6;
	v2 =	vld.idx.msk [tilespmem:v2+s13+$0x0], $0xffff  }
0x31b: {  	v3 =	vor.u32 v3, v4;
	v4 =	vld [tilespmem:$0x1FEA0];
	_ =	sdelay $0x3  }
0x31c: {  	[tilespmem:v5+s16+$0x0] =	vst.idx.msk $0xffff, v2  }
0x31d: {  	v0 =	vand.u32 $0x7F, v0;
	v2 =	vld.idx.msk [tilespmem:v3+s13+$0x0], $0xffff;
	v3 =	vor.u32 s24, v4  }
0x31e: {  	v0 =	vor.u32 v0, v1;
	v5 =	vld [tilespmem:$0x1FEB0];
	_ =	sdelay $0x3  }
0x31f: {  	[tilespmem:v3+s16+$0x0] =	vst.idx.msk $0xffff, v2  }
0x320: {  	v1 =	vor.u32 s24, v5;
	v2 =	vand.u32 $0x7F, v61;
	v0 =	vld.idx.msk [tilespmem:v0+s13+$0x0], $0xffff  }
0x321: {  	v7 =	vld [tilespmem:$0x1FF70];
	v2 =	vor.u32 v2, v63;
	_ =	sdelay $0x3  }
0x322: {  	[tilespmem:v1+s16+$0x0] =	vst.idx.msk $0xffff, v0  }
0x323: {  	v1 =	vor.u32 s24, v7;
	v0 =	vld.idx.msk [tilespmem:v2+s13+$0x0], $0xffff;
	v2 =	vand.u32 $0x7F, v60  }
0x324: {  	v9 =	vld [tilespmem:$0x1FED0];
	v2 =	vor.u32 v2, v62;
	_ =	sdelay $0x3  }
0x325: {  	[tilespmem:v1+s16+$0x0] =	vst.idx.msk $0xffff, v0  }
0x326: {  	v1 =	vor.u32 s24, v9;
	v0 =	vld.idx.msk [tilespmem:v2+s13+$0x0], $0xffff;
	v2 =	vand.u32 $0x7F, v57  }
0x327: {  	v11 =	vld [tilespmem:$0x1FEE0];
	v2 =	vor.u32 v2, v59;
	_ =	sdelay $0x3  }
0x328: {  	[tilespmem:v1+s16+$0x0] =	vst.idx.msk $0xffff, v0  }
0x329: {  	v1 =	vor.u32 s24, v11;
	v0 =	vld.idx.msk [tilespmem:v2+s13+$0x0], $0xffff;
	v2 =	vand.u32 $0x7F, v54  }
0x32a: {  	v13 =	vld [tilespmem:$0x1FEF0];
	v2 =	vor.u32 v2, v58;
	_ =	sdelay $0x3  }
0x32b: {  	[tilespmem:v1+s16+$0x0] =	vst.idx.msk $0xffff, v0  }
0x32c: {  	v1 =	vor.u32 s24, v13;
	v0 =	vld.idx.msk [tilespmem:v2+s13+$0x0], $0xffff;
	v2 =	vand.u32 $0x7F, v55  }
0x32d: {  	v16 =	vld [tilespmem:$0x1FF00];
	v2 =	vor.u32 v2, v56;
	_ =	sdelay $0x3  }
0x32e: {  	[tilespmem:v1+s16+$0x0] =	vst.idx.msk $0xffff, v0  }
0x32f: {  	v1 =	vor.u32 s24, v16;
	v0 =	vld.idx.msk [tilespmem:v2+s13+$0x0], $0xffff;
	v2 =	vand.u32 $0x7F, v52  }
0x330: {  	v18 =	vld [tilespmem:$0x1FF10];
	v2 =	vor.u32 v2, v53;
	_ =	sdelay $0x3  }
0x331: {  	[tilespmem:v1+s16+$0x0] =	vst.idx.msk $0xffff, v0  }
0x332: {  	v1 =	vor.u32 s24, v18;
	v0 =	vld.idx.msk [tilespmem:v2+s13+$0x0], $0xffff;
	v2 =	vand.u32 $0x7F, v49  }
0x333: {  	v19 =	vld [tilespmem:$0x1FF20];
	v2 =	vor.u32 v2, v51;
	_ =	sdelay $0x3  }
0x334: {  	[tilespmem:v1+s16+$0x0] =	vst.idx.msk $0xffff, v0  }
0x335: {  	v1 =	vor.u32 s24, v19;
	v0 =	vld.idx.msk [tilespmem:v2+s13+$0x0], $0xffff;
	v2 =	vand.u32 $0x7F, v48  }
0x336: {  	v20 =	vld [tilespmem:$0x1FF30];
	v2 =	vor.u32 v2, v50;
	_ =	sdelay $0x3  }
0x337: {  	[tilespmem:v1+s16+$0x0] =	vst.idx.msk $0xffff, v0  }
0x338: {  	v1 =	vor.u32 s24, v20;
	v0 =	vld.idx.msk [tilespmem:v2+s13+$0x0], $0xffff;
	v2 =	vand.u32 $0x7F, v45  }
0x339: {  	v21 =	vld [tilespmem:$0x1FF40];
	v2 =	vor.u32 v2, v47;
	_ =	sdelay $0x3  }
0x33a: {  	[tilespmem:v1+s16+$0x0] =	vst.idx.msk $0xffff, v0  }
0x33b: {  	v1 =	vor.u32 s24, v21;
	v0 =	vld.idx.msk [tilespmem:v2+s13+$0x0], $0xffff;
	v2 =	vand.u32 $0x7F, v42  }
0x33c: {  	v22 =	vld [tilespmem:$0x1FF50];
	v2 =	vor.u32 v2, v46;
	_ =	sdelay $0x3  }
0x33d: {  	[tilespmem:v1+s16+$0x0] =	vst.idx.msk $0xffff, v0  }
0x33e: {  	v1 =	vor.u32 s24, v22;
	v0 =	vld.idx.msk [tilespmem:v2+s13+$0x0], $0xffff;
	v2 =	vand.u32 $0x7F, v43  }
0x33f: {  	v2 =	vor.u32 v2, v44;
	_ =	sdelay $0x3  }
0x340: {  	[tilespmem:v1+s16+$0x0] =	vst.idx.msk $0xffff, v0  }
0x341: {  	v1 =	vor.u32 s24, v31;
	v0 =	vld.idx.msk [tilespmem:v2+s13+$0x0], $0xffff;
	v2 =	vand.u32 $0x7F, v40  }
0x342: {  	v2 =	vor.u32 v2, v41;
	_ =	sdelay $0x3  }
0x343: {  	[tilespmem:v1+s16+$0x0] =	vst.idx.msk $0xffff, v0  }
0x344: {  	v1 =	vor.u32 s24, v30;
	v0 =	vld.idx.msk [tilespmem:v2+s13+$0x0], $0xffff;
	v2 =	vand.u32 $0x7F, v37  }
0x345: {  	v35 =	vld [tilespmem:$0x1FF80];
	v2 =	vor.u32 v2, v39;
	_ =	sdelay $0x3  }
0x346: {  	[tilespmem:v1+s16+$0x0] =	vst.idx.msk $0xffff, v0  }
0x347: {  	v1 =	vor.u32 s24, v35;
	v0 =	vld.idx.msk [tilespmem:v2+s13+$0x0], $0xffff;
	v2 =	vand.u32 $0x7F, v36  }
0x348: {  	v36 =	vld [tilespmem:$0x1FF90];
	v2 =	vor.u32 v2, v38;
	_ =	sdelay $0x3  }
0x349: {  	[tilespmem:v1+s16+$0x0] =	vst.idx.msk $0xffff, v0  }
0x34a: {  	v1 =	vor.u32 s24, v36;
	v0 =	vld.idx.msk [tilespmem:v2+s13+$0x0], $0xffff;
	v2 =	vand.u32 $0x7F, v33  }
0x34b: {  	v2 =	vor.u32 v2, v14;
	v14 =	vld [tilespmem:$0x1FFA0];
	_ =	sdelay $0x3  }
0x34c: {  	[tilespmem:v1+s16+$0x0] =	vst.idx.msk $0xffff, v0  }
0x34d: {  	v0 =	vld.idx.msk [tilespmem:v2+s13+$0x0], $0xffff;
	v1 =	vor.u32 s24, v14;
	v2 =	vand.u32 $0x7F, v32  }
0x34e: {  	p0 =	sne.s32 s23, $0x70;
	v2 =	vor.u32 v2, v34;
	v34 =	vld [tilespmem:$0x1FFB0]  }
.Ltmp3:
0x34f: {  	_ = 	snop;
	(pc) =	sbr.rel @p0 .LBB2_8-.Ltmp3, $3  }
0x350: {  	_ =	sdelay $0x1  }
0x351: {  	[tilespmem:v1+s16+$0x0] =	vst.idx.msk $0xffff, v0  }
0x352: {  	s23 =	sadd.s32 $0x10, s23;
	v25 =	vlaneseq.u32;
	v43 =	vmovc v28;
	v41 =	vmovc v27;
	v39 =	vmov v26;
	v0 =	vld.idx.msk [tilespmem:v2+s13+$0x0], $0xffff;
	v1 =	vor.u32 s24, v34  }
0x353: {  	_ =	sdelay $0x3  }
0x354: {  	[tilespmem:v1+s16+$0x0] =	vst.idx.msk $0xffff, v0  }
0x355: {  	[hbm4b:s8+s17] =	stream.strided.scatter [tilespmem:s16], [sflag:$0x3], $0x1000, s18, s17, $0x38;
	[tilespmem:$0xAA00] =	vst v63  }
0x356: {  	_ =	swait.ge [sflag:s11], $0x1000  }
0x357: {  	[sflag:s11] =	ssyncset.done $0x0  }
0x358: {  	[sflag:s11] =	ssyncadd.s32 $0xFFFFF000  }
0x359: {  	_ =	swait.ge [sflag:s19], $0x4000  }
0x35a: {  	[sflag:s19] =	ssyncset.done $0x0  }
0x35b: {  	s22 =	simm.s32 $0x1980;
	[sflag:s19] =	ssyncadd.s32 $0xFFFFC000  }
0x35c: {  	v32 =	vld [tilespmem:s22+$0x0];
	_ =	sdelay $0x2  }
0x35d: {  	s24 =	simm.s32 $0x0  }
0x35e: {  	v0 =	vor.u32 s24, v25  }
0x35f: {  	v33 =	vshll.u32 v0, $0x7;
	v1 =	vand.u32 $0xFFFFFF80, v32  }
0x360: {  	v2 =	vand.u32 $0x7F, v32;
	v1 =	vadd.s32 v33, v1  }
0x361: {  	v1 =	vor.u32 v2, v1;
	_ =	sdelay $0x2  }
0x362: {  	v2 =	vadd.s32 $0x1, v32  }
0x363: {  	v3 =	vand.u32 $0xFFFFFF80, v2  }
0x364: {  	v2 =	vand.u32 $0x7F, v2;
	v3 =	vadd.s32 v33, v3;
	v1 =	vld.idx.msk [tilespmem:v1+s15+$0x0], $0xffff  }
0x365: {  	v2 =	vor.u32 v2, v3;
	_ =	sdelay $0x2  }
0x366: {  	v3 =	vadd.s32 $0x2, v32  }
0x367: {  	[tilespmem:v0+s16+$0x0] =	vst.idx.msk $0xffff, v1;
	v0 =	vand.u32 $0xFFFFFF80, v3  }
0x368: {  	v3 =	vand.u32 $0x7F, v3;
	v0 =	vadd.s32 v33, v0;
	v1 =	vld.idx.msk [tilespmem:v2+s15+$0x0], $0xffff;
	v2 =	vor.u32 s24, v39  }
0x369: {  	v0 =	vor.u32 v3, v0;
	_ =	sdelay $0x2  }
0x36a: {  	v3 =	vadd.s32 $0x3, v32  }
0x36b: {  	[tilespmem:v2+s16+$0x0] =	vst.idx.msk $0xffff, v1;
	v1 =	vand.u32 $0xFFFFFF80, v3  }
0x36c: {  	v2 =	vor.u32 s24, v41;
	v3 =	vand.u32 $0x7F, v3;
	v1 =	vadd.s32 v33, v1;
	v0 =	vld.idx.msk [tilespmem:v0+s15+$0x0], $0xffff  }
0x36d: {  	v1 =	vor.u32 v3, v1;
	_ =	sdelay $0x3  }
0x36e: {  	[tilespmem:v2+s16+$0x0] =	vst.idx.msk $0xffff, v0  }
0x36f: {  	v2 =	vor.u32 s24, v43;
	v1 =	vld.idx.msk [tilespmem:v1+s15+$0x0], $0xffff;
	_ =	sdelay $0x1  }
0x370: {  	v3 =	vadd.s32 $0x4, v32  }
0x371: {  	v0 =	vand.u32 $0xFFFFFF80, v3  }
0x372: {  	v3 =	vand.u32 $0x7F, v3;
	v0 =	vadd.s32 v33, v0  }
0x373: {  	v0 =	vor.u32 v3, v0;
	[tilespmem:v2+s16+$0x0] =	vst.idx.msk $0xffff, v1;
	v2 =	vld [tilespmem:$0x1FFF0];
	_ =	sdelay $0x2  }
0x374: {  	v3 =	vadd.s32 $0x5, v32  }
0x375: {  	v1 =	vand.u32 $0xFFFFFF80, v3  }
0x376: {  	v3 =	vand.u32 $0x7F, v3;
	v1 =	vadd.s32 v33, v1;
	v0 =	vld.idx.msk [tilespmem:v0+s15+$0x0], $0xffff;
	v2 =	vor.u32 s24, v2  }
0x377: {  	v1 =	vor.u32 v3, v1;
	_ =	sdelay $0x3  }
0x378: {  	[tilespmem:v2+s16+$0x0] =	vst.idx.msk $0xffff, v0  }
0x379: {  	v2 =	vor.u32 s24, v29;
	v1 =	vld.idx.msk [tilespmem:v1+s15+$0x0], $0xffff;
	_ =	sdelay $0x1  }
0x37a: {  	v3 =	vadd.s32 $0x6, v32  }
0x37b: {  	v0 =	vand.u32 $0xFFFFFF80, v3  }
0x37c: {  	v3 =	vand.u32 $0x7F, v3;
	v0 =	vadd.s32 v33, v0  }
0x37d: {  	v0 =	vor.u32 v3, v0;
	[tilespmem:v2+s16+$0x0] =	vst.idx.msk $0xffff, v1;
	v2 =	vld [tilespmem:$0x1FFD0];
	_ =	sdelay $0x4  }
0x37e: {  	v0 =	vld.idx.msk [tilespmem:v0+s15+$0x0], $0xffff;
	v2 =	vor.u32 s24, v2;
	_ =	sdelay $0x1  }
0x37f: {  	v3 =	vadd.s32 $0x7, v32  }
0x380: {  	v1 =	vand.u32 $0xFFFFFF80, v3  }
0x381: {  	v3 =	vand.u32 $0x7F, v3;
	v1 =	vadd.s32 v33, v1  }
0x382: {  	v1 =	vor.u32 v3, v1;
	[tilespmem:v2+s16+$0x0] =	vst.idx.msk $0xffff, v0;
	v2 =	vld [tilespmem:$0x1FFC0];
	_ =	sdelay $0x2  }
0x383: {  	v3 =	vadd.s32 $0x8, v32  }
0x384: {  	v0 =	vand.u32 $0xFFFFFF80, v3  }
0x385: {  	v3 =	vand.u32 $0x7F, v3;
	v0 =	vadd.s32 v33, v0;
	v1 =	vld.idx.msk [tilespmem:v1+s15+$0x0], $0xffff;
	v2 =	vor.u32 s24, v2  }
0x386: {  	v0 =	vor.u32 v3, v0;
	_ =	sdelay $0x2  }
0x387: {  	v3 =	vadd.s32 $0x9, v32  }
0x388: {  	[tilespmem:v2+s16+$0x0] =	vst.idx.msk $0xffff, v1;
	v1 =	vand.u32 $0xFFFFFF80, v3  }
0x389: {  	v2 =	vor.u32 s24, v17;
	v3 =	vand.u32 $0x7F, v3;
	v1 =	vadd.s32 v33, v1;
	v0 =	vld.idx.msk [tilespmem:v0+s15+$0x0], $0xffff  }
0x38a: {  	v1 =	vor.u32 v3, v1;
	_ =	sdelay $0x2  }
0x38b: {  	v3 =	vadd.s32 $0xA, v32  }
0x38c: {  	[tilespmem:v2+s16+$0x0] =	vst.idx.msk $0xffff, v0;
	v0 =	vand.u32 $0xFFFFFF80, v3  }
0x38d: {  	v2 =	vor.u32 s24, v15;
	v3 =	vand.u32 $0x7F, v3;
	v0 =	vadd.s32 v33, v0;
	v1 =	vld.idx.msk [tilespmem:v1+s15+$0x0], $0xffff  }
0x38e: {  	v0 =	vor.u32 v3, v0;
	_ =	sdelay $0x2  }
0x38f: {  	v3 =	vadd.s32 $0xB, v32  }
0x390: {  	[tilespmem:v2+s16+$0x0] =	vst.idx.msk $0xffff, v1;
	v1 =	vand.u32 $0xFFFFFF80, v3  }
0x391: {  	v2 =	vor.u32 s24, v12;
	v3 =	vand.u32 $0x7F, v3;
	v1 =	vadd.s32 v33, v1;
	v0 =	vld.idx.msk [tilespmem:v0+s15+$0x0], $0xffff  }
0x392: {  	v1 =	vor.u32 v3, v1;
	_ =	sdelay $0x2  }
0x393: {  	v3 =	vadd.s32 $0xC, v32  }
0x394: {  	[tilespmem:v2+s16+$0x0] =	vst.idx.msk $0xffff, v0;
	v0 =	vand.u32 $0xFFFFFF80, v3  }
0x395: {  	v2 =	vor.u32 s24, v10;
	v3 =	vand.u32 $0x7F, v3;
	v0 =	vadd.s32 v33, v0;
	v1 =	vld.idx.msk [tilespmem:v1+s15+$0x0], $0xffff  }
0x396: {  	v0 =	vor.u32 v3, v0;
	_ =	sdelay $0x2  }
0x397: {  	v3 =	vadd.s32 $0xD, v32  }
0x398: {  	[tilespmem:v2+s16+$0x0] =	vst.idx.msk $0xffff, v1;
	v1 =	vand.u32 $0xFFFFFF80, v3  }
0x399: {  	v2 =	vor.u32 s24, v8;
	v3 =	vand.u32 $0x7F, v3;
	v1 =	vadd.s32 v33, v1;
	v0 =	vld.idx.msk [tilespmem:v0+s15+$0x0], $0xffff  }
0x39a: {  	v1 =	vor.u32 v3, v1;
	_ =	sdelay $0x2  }
0x39b: {  	v3 =	vadd.s32 $0xE, v32  }
0x39c: {  	[tilespmem:v2+s16+$0x0] =	vst.idx.msk $0xffff, v0;
	v0 =	vand.u32 $0xFFFFFF80, v3  }
0x39d: {  	v2 =	vor.u32 s24, v6;
	v3 =	vand.u32 $0x7F, v3;
	v0 =	vadd.s32 v33, v0;
	v1 =	vld.idx.msk [tilespmem:v1+s15+$0x0], $0xffff  }
0x39e: {  	v0 =	vor.u32 v3, v0;
	_ =	sdelay $0x2  }
0x39f: {  	v3 =	vadd.s32 $0xF, v32  }
0x3a0: {  	[tilespmem:v2+s16+$0x0] =	vst.idx.msk $0xffff, v1;
	v1 =	vand.u32 $0xFFFFFF80, v3  }
0x3a1: {  	v2 =	vor.u32 s24, v4;
	v3 =	vand.u32 $0x7F, v3;
	v1 =	vadd.s32 v33, v1;
	v0 =	vld.idx.msk [tilespmem:v0+s15+$0x0], $0xffff  }
0x3a2: {  	v1 =	vor.u32 v3, v1;
	_ =	sdelay $0x2  }
0x3a3: {  	v3 =	vadd.s32 $0x10, v32  }
0x3a4: {  	[tilespmem:v2+s16+$0x0] =	vst.idx.msk $0xffff, v0;
	v0 =	vand.u32 $0xFFFFFF80, v3  }
0x3a5: {  	v2 =	vor.u32 s24, v5;
	v3 =	vand.u32 $0x7F, v3;
	v0 =	vadd.s32 v33, v0;
	v1 =	vld.idx.msk [tilespmem:v1+s15+$0x0], $0xffff  }
0x3a6: {  	v0 =	vor.u32 v3, v0;
	_ =	sdelay $0x2  }
0x3a7: {  	v3 =	vadd.s32 $0x11, v32  }
0x3a8: {  	[tilespmem:v2+s16+$0x0] =	vst.idx.msk $0xffff, v1;
	v1 =	vand.u32 $0xFFFFFF80, v3  }
0x3a9: {  	v2 =	vor.u32 s24, v7;
	v3 =	vand.u32 $0x7F, v3;
	v1 =	vadd.s32 v33, v1;
	v0 =	vld.idx.msk [tilespmem:v0+s15+$0x0], $0xffff  }
0x3aa: {  	v1 =	vor.u32 v3, v1;
	_ =	sdelay $0x2  }
0x3ab: {  	v3 =	vadd.s32 $0x12, v32  }
0x3ac: {  	[tilespmem:v2+s16+$0x0] =	vst.idx.msk $0xffff, v0;
	v0 =	vand.u32 $0xFFFFFF80, v3  }
0x3ad: {  	v2 =	vor.u32 s24, v9;
	v3 =	vand.u32 $0x7F, v3;
	v0 =	vadd.s32 v33, v0;
	v1 =	vld.idx.msk [tilespmem:v1+s15+$0x0], $0xffff  }
0x3ae: {  	v0 =	vor.u32 v3, v0;
	_ =	sdelay $0x2  }
0x3af: {  	v3 =	vadd.s32 $0x13, v32  }
0x3b0: {  	[tilespmem:v2+s16+$0x0] =	vst.idx.msk $0xffff, v1;
	v1 =	vand.u32 $0xFFFFFF80, v3  }
0x3b1: {  	v2 =	vor.u32 s24, v11;
	v3 =	vand.u32 $0x7F, v3;
	v1 =	vadd.s32 v33, v1;
	v0 =	vld.idx.msk [tilespmem:v0+s15+$0x0], $0xffff  }
0x3b2: {  	v1 =	vor.u32 v3, v1;
	_ =	sdelay $0x2  }
0x3b3: {  	v3 =	vadd.s32 $0x14, v32  }
0x3b4: {  	[tilespmem:v2+s16+$0x0] =	vst.idx.msk $0xffff, v0;
	v0 =	vand.u32 $0xFFFFFF80, v3  }
0x3b5: {  	v2 =	vor.u32 s24, v13;
	v3 =	vand.u32 $0x7F, v3;
	v0 =	vadd.s32 v33, v0;
	v1 =	vld.idx.msk [tilespmem:v1+s15+$0x0], $0xffff  }
0x3b6: {  	v0 =	vor.u32 v3, v0;
	_ =	sdelay $0x2  }
0x3b7: {  	v3 =	vadd.s32 $0x15, v32  }
0x3b8: {  	[tilespmem:v2+s16+$0x0] =	vst.idx.msk $0xffff, v1;
	v1 =	vand.u32 $0xFFFFFF80, v3  }
0x3b9: {  	v2 =	vor.u32 s24, v16;
	v3 =	vand.u32 $0x7F, v3;
	v1 =	vadd.s32 v33, v1;
	v0 =	vld.idx.msk [tilespmem:v0+s15+$0x0], $0xffff  }
0x3ba: {  	v1 =	vor.u32 v3, v1;
	_ =	sdelay $0x2  }
0x3bb: {  	v3 =	vadd.s32 $0x16, v32  }
0x3bc: {  	[tilespmem:v2+s16+$0x0] =	vst.idx.msk $0xffff, v0;
	v0 =	vand.u32 $0xFFFFFF80, v3  }
0x3bd: {  	v2 =	vor.u32 s24, v18;
	v3 =	vand.u32 $0x7F, v3;
	v0 =	vadd.s32 v33, v0;
	v1 =	vld.idx.msk [tilespmem:v1+s15+$0x0], $0xffff  }
0x3be: {  	v0 =	vor.u32 v3, v0;
	_ =	sdelay $0x2  }
0x3bf: {  	v3 =	vadd.s32 $0x17, v32  }
0x3c0: {  	[tilespmem:v2+s16+$0x0] =	vst.idx.msk $0xffff, v1;
	v1 =	vand.u32 $0xFFFFFF80, v3  }
0x3c1: {  	v2 =	vor.u32 s24, v19;
	v3 =	vand.u32 $0x7F, v3;
	v1 =	vadd.s32 v33, v1;
	v0 =	vld.idx.msk [tilespmem:v0+s15+$0x0], $0xffff  }
0x3c2: {  	v1 =	vor.u32 v3, v1;
	_ =	sdelay $0x2  }
0x3c3: {  	v3 =	vadd.s32 $0x18, v32  }
0x3c4: {  	[tilespmem:v2+s16+$0x0] =	vst.idx.msk $0xffff, v0;
	v0 =	vand.u32 $0xFFFFFF80, v3  }
0x3c5: {  	v2 =	vor.u32 s24, v20;
	v3 =	vand.u32 $0x7F, v3;
	v0 =	vadd.s32 v33, v0;
	v1 =	vld.idx.msk [tilespmem:v1+s15+$0x0], $0xffff  }
0x3c6: {  	v0 =	vor.u32 v3, v0;
	_ =	sdelay $0x2  }
0x3c7: {  	v3 =	vadd.s32 $0x19, v32  }
0x3c8: {  	[tilespmem:v2+s16+$0x0] =	vst.idx.msk $0xffff, v1;
	v1 =	vand.u32 $0xFFFFFF80, v3  }
0x3c9: {  	v2 =	vor.u32 s24, v21;
	v3 =	vand.u32 $0x7F, v3;
	v1 =	vadd.s32 v33, v1;
	v0 =	vld.idx.msk [tilespmem:v0+s15+$0x0], $0xffff  }
0x3ca: {  	v1 =	vor.u32 v3, v1;
	_ =	sdelay $0x2  }
0x3cb: {  	v3 =	vadd.s32 $0x1A, v32  }
0x3cc: {  	[tilespmem:v2+s16+$0x0] =	vst.idx.msk $0xffff, v0;
	v0 =	vand.u32 $0xFFFFFF80, v3  }
0x3cd: {  	v2 =	vor.u32 s24, v22;
	v3 =	vand.u32 $0x7F, v3;
	v0 =	vadd.s32 v33, v0;
	v1 =	vld.idx.msk [tilespmem:v1+s15+$0x0], $0xffff  }
0x3ce: {  	v0 =	vor.u32 v3, v0;
	_ =	sdelay $0x2  }
0x3cf: {  	v3 =	vadd.s32 $0x1B, v32  }
0x3d0: {  	[tilespmem:v2+s16+$0x0] =	vst.idx.msk $0xffff, v1;
	v1 =	vand.u32 $0xFFFFFF80, v3  }
0x3d1: {  	v2 =	vor.u32 s24, v31;
	v3 =	vand.u32 $0x7F, v3;
	v1 =	vadd.s32 v33, v1;
	v0 =	vld.idx.msk [tilespmem:v0+s15+$0x0], $0xffff  }
0x3d2: {  	v1 =	vor.u32 v3, v1;
	_ =	sdelay $0x2  }
0x3d3: {  	v3 =	vadd.s32 $0x1C, v32  }
0x3d4: {  	[tilespmem:v2+s16+$0x0] =	vst.idx.msk $0xffff, v0;
	v0 =	vand.u32 $0xFFFFFF80, v3  }
0x3d5: {  	v2 =	vor.u32 s24, v30;
	v3 =	vand.u32 $0x7F, v3;
	v0 =	vadd.s32 v33, v0;
	v1 =	vld.idx.msk [tilespmem:v1+s15+$0x0], $0xffff  }
0x3d6: {  	v0 =	vor.u32 v3, v0;
	_ =	sdelay $0x2  }
0x3d7: {  	v3 =	vadd.s32 $0x1D, v32  }
0x3d8: {  	[tilespmem:v2+s16+$0x0] =	vst.idx.msk $0xffff, v1;
	v1 =	vand.u32 $0xFFFFFF80, v3  }
0x3d9: {  	v2 =	vor.u32 s24, v35;
	v3 =	vand.u32 $0x7F, v3;
	v1 =	vadd.s32 v33, v1;
	v0 =	vld.idx.msk [tilespmem:v0+s15+$0x0], $0xffff  }
0x3da: {  	v1 =	vor.u32 v3, v1;
	_ =	sdelay $0x2  }
0x3db: {  	v3 =	vadd.s32 $0x1E, v32  }
0x3dc: {  	[tilespmem:v2+s16+$0x0] =	vst.idx.msk $0xffff, v0;
	v0 =	vand.u32 $0xFFFFFF80, v3  }
0x3dd: {  	v2 =	vor.u32 s24, v36;
	v3 =	vand.u32 $0x7F, v3;
	v0 =	vadd.s32 v33, v0;
	v1 =	vld.idx.msk [tilespmem:v1+s15+$0x0], $0xffff  }
0x3de: {  	v0 =	vor.u32 v3, v0;
	_ =	sdelay $0x2  }
0x3df: {  	v3 =	vadd.s32 $0x1F, v32  }
0x3e0: {  	[tilespmem:v2+s16+$0x0] =	vst.idx.msk $0xffff, v1;
	v1 =	vand.u32 $0xFFFFFF80, v3  }
0x3e1: {  	v2 =	vor.u32 s24, v14;
	v3 =	vand.u32 $0x7F, v3;
	v1 =	vadd.s32 v33, v1;
	v0 =	vld.idx.msk [tilespmem:v0+s15+$0x0], $0xffff  }
0x3e2: {  	v1 =	vor.u32 v3, v1;
	_ =	sdelay $0x3  }
0x3e3: {  	[tilespmem:v2+s16+$0x0] =	vst.idx.msk $0xffff, v0  }
0x3e4: {  	s23 =	simm.s32 $0x10;
	v0 =	vld.idx.msk [tilespmem:v1+s15+$0x0], $0xffff;
	v1 =	vor.u32 s24, v34  }
.LBB2_10:
0x3e5: {  	_ =	sdelay $0x3  }
0x3e6: {  	s22 =	sadd.s32 $0x10, s22;
	[tilespmem:v1+s16+$0x0] =	vst.idx.msk $0xffff, v0  }
0x3e7: {  	v14 =	vld [tilespmem:s22+$0x0];
	_ =	sdelay $0x2  }
0x3e8: {  	s24 =	smov.u32 s23  }
0x3e9: {  	v36 =	vor.u32 s24, v39;
	v42 =	vor.u32 s24, v41;
	v0 =	vor.u32 s24, v25  }
0x3ea: {  	v34 =	vshll.u32 v0, $0x7;
	v1 =	vand.u32 $0xFFFFFF80, v14;
	v2 =	vadd.s32 $0x1, v14  }
0x3eb: {  	v3 =	vand.u32 $0x7F, v14;
	v22 =	vadd.s32 $0x3, v14;
	v23 =	vadd.s32 $0x4, v14  }
0x3ec: {  	v21 =	vadd.s32 $0x5, v14;
	v19 =	vadd.s32 $0x6, v14;
	v15 =	vadd.s32 $0x7, v14  }
0x3ed: {  	v16 =	vadd.s32 $0x8, v14;
	v12 =	vadd.s32 $0x9, v14;
	v9 =	vadd.s32 $0xA, v14  }
0x3ee: {  	v8 =	vadd.s32 $0xB, v14;
	v61 =	vadd.s32 $0x10, v14;
	v1 =	vadd.s32 v34, v1  }
0x3ef: {  	v60 =	vadd.s32 $0x11, v14;
	v54 =	vadd.s32 $0x13, v14;
	v1 =	vor.u32 v3, v1  }
0x3f0: {  	v55 =	vadd.s32 $0x14, v14;
	v52 =	vadd.s32 $0x15, v14;
	v49 =	vadd.s32 $0x16, v14  }
0x3f1: {  	v48 =	vadd.s32 $0x17, v14;
	v45 =	vadd.s32 $0x18, v14;
	v4 =	vand.u32 $0xFFFFFF80, v2  }
0x3f2: {  	v6 =	vand.u32 $0xFFFFFF80, v23;
	v3 =	vadd.s32 v34, v4;
	v4 =	vadd.s32 $0x2, v14  }
0x3f3: {  	v2 =	vand.u32 $0x7F, v2;
	v57 =	vand.u32 $0xFFFFFF80, v61;
	v5 =	vand.u32 $0xFFFFFF80, v4  }
0x3f4: {  	v58 =	vand.u32 $0xFFFFFF80, v60;
	v24 =	vadd.s32 v34, v5;
	v5 =	vand.u32 $0xFFFFFF80, v22;
	v1 =	vld.idx.msk [tilespmem:v1+s15+$0x0], $0xffff  }
0x3f5: {  	v3 =	vor.u32 v2, v3;
	v25 =	vadd.s32 v34, v5;
	v5 =	vand.u32 $0xFFFFFF80, v21  }
0x3f6: {  	v40 =	vand.u32 $0xFFFFFF80, v54;
	v35 =	vadd.s32 v34, v5;
	v5 =	vand.u32 $0xFFFFFF80, v19  }
0x3f7: {  	v23 =	vand.u32 $0x7F, v23;
	v20 =	vadd.s32 v34, v5;
	v5 =	vand.u32 $0xFFFFFF80, v12  }
0x3f8: {  	v32 =	vadd.s32 v34, v6;
	v13 =	vadd.s32 v34, v5;
	v5 =	vadd.s32 $0xC, v14  }
0x3f9: {  	v6 =	vand.u32 $0xFFFFFF80, v15;
	v63 =	vadd.s32 v34, v57;
	[tilespmem:v0+s16+$0x0] =	vst.idx.msk $0xffff, v1;
	v1 =	vand.u32 $0xFFFFFF80, v5  }
0x3fa: {  	v57 =	vadd.s32 $0x12, v14;
	v33 =	vld.idx.msk [tilespmem:v3+s15+$0x0], $0xffff;
	v7 =	vadd.s32 v34, v1;
	v1 =	vand.u32 $0x7F, v4  }
0x3fb: {  	v62 =	vadd.s32 v34, v58;
	v58 =	vadd.s32 v34, v40;
	v24 =	vor.u32 v1, v24  }
0x3fc: {  	v40 =	vand.u32 $0xFFFFFF80, v52;
	v18 =	vadd.s32 v34, v6;
	v2 =	vand.u32 $0xFFFFFF80, v16  }
0x3fd: {  	v53 =	vadd.s32 v34, v40;
	v23 =	vor.u32 v23, v32;
	v22 =	vand.u32 $0x7F, v22  }
0x3fe: {  	v17 =	vadd.s32 v34, v2;
	v22 =	vor.u32 v22, v25;
	v25 =	vand.u32 $0xFFFFFF80, v55  }
0x3ff: {  	v2 =	vand.u32 $0xFFFFFF80, v9;
	v56 =	vadd.s32 v34, v25;
	v25 =	vand.u32 $0xFFFFFF80, v49;
	[tilespmem:v36+s16+$0x0] =	vst.idx.msk $0xffff, v33  }
0x400: {  	v11 =	vadd.s32 v34, v2;
	v51 =	vadd.s32 v34, v25;
	v25 =	vand.u32 $0xFFFFFF80, v45;
	v24 =	vld.idx.msk [tilespmem:v24+s15+$0x0], $0xffff  }
0x401: {  	v2 =	vadd.s32 $0xD, v14;
	v47 =	vadd.s32 v34, v25;
	v0 =	vand.u32 $0xFFFFFF80, v8  }
0x402: {  	v25 =	vor.u32 s24, v43;
	v10 =	vadd.s32 v34, v0;
	v0 =	vand.u32 $0xFFFFFF80, v2  }
0x403: {  	v3 =	vadd.s32 $0xE, v14;
	v6 =	vadd.s32 v34, v0;
	v0 =	vadd.s32 $0xF, v14  }
0x404: {  	v43 =	vadd.s32 $0x1A, v14;
	v1 =	vand.u32 $0xFFFFFF80, v3;
	v37 =	vand.u32 $0xFFFFFF80, v0  }
0x405: {  	v4 =	vadd.s32 v34, v1;
	[tilespmem:v42+s16+$0x0] =	vst.idx.msk $0xffff, v24;
	v24 =	vand.u32 $0xFFFFFF80, v48;
	v42 =	vadd.s32 $0x19, v14  }
0x406: {  	v1 =	vadd.s32 v34, v37;
	v50 =	vadd.s32 v34, v24;
	v24 =	vand.u32 $0xFFFFFF80, v42  }
0x407: {  	v37 =	vadd.s32 $0x1C, v14;
	v46 =	vadd.s32 v34, v24;
	v24 =	vand.u32 $0xFFFFFF80, v43  }
0x408: {  	v33 =	vadd.s32 $0x1E, v14;
	v44 =	vadd.s32 v34, v24;
	v24 =	vand.u32 $0xFFFFFF80, v37  }
0x409: {  	v40 =	vadd.s32 $0x1B, v14;
	v22 =	vld.idx.msk [tilespmem:v22+s15+$0x0], $0xffff;
	v39 =	vadd.s32 v34, v24;
	v24 =	vand.u32 $0xFFFFFF80, v33  }
0x40a: {  	v32 =	vadd.s32 $0x1F, v14;
	v36 =	vadd.s32 $0x1D, v14;
	v14 =	vadd.s32 v34, v24;
	v24 =	vld [tilespmem:$0x1FFF0];
	_ =	sdelay $0x3  }
0x40b: {  	[tilespmem:v25+s16+$0x0] =	vst.idx.msk $0xffff, v22  }
0x40c: {  	v21 =	vand.u32 $0x7F, v21;
	v23 =	vld.idx.msk [tilespmem:v23+s15+$0x0], $0xffff;
	v24 =	vor.u32 s24, v24  }
0x40d: {  	v21 =	vor.u32 v21, v35;
	_ =	sdelay $0x1  }
0x40e: {  	v59 =	vand.u32 $0xFFFFFF80, v57  }
0x40f: {  	v59 =	vadd.s32 v34, v59;
	v41 =	vand.u32 $0xFFFFFF80, v40;
	v22 =	vand.u32 $0xFFFFFF80, v36  }
0x410: {  	v41 =	vadd.s32 v34, v41;
	v38 =	vadd.s32 v34, v22;
	v22 =	vand.u32 $0xFFFFFF80, v32;
	[tilespmem:v24+s16+$0x0] =	vst.idx.msk $0xffff, v23  }
0x411: {  	v19 =	vand.u32 $0x7F, v19;
	v34 =	vadd.s32 v34, v22;
	v22 =	vor.u32 s24, v29;
	v21 =	vld.idx.msk [tilespmem:v21+s15+$0x0], $0xffff  }
0x412: {  	v19 =	vor.u32 v19, v20;
	v20 =	vld [tilespmem:$0x1FFD0];
	_ =	sdelay $0x3  }
0x413: {  	[tilespmem:v22+s16+$0x0] =	vst.idx.msk $0xffff, v21  }
0x414: {  	v15 =	vand.u32 $0x7F, v15;
	v20 =	vor.u32 s24, v20;
	v19 =	vld.idx.msk [tilespmem:v19+s15+$0x0], $0xffff  }
0x415: {  	v15 =	vor.u32 v15, v18;
	v18 =	vld [tilespmem:$0x1FFC0];
	_ =	sdelay $0x3  }
0x416: {  	[tilespmem:v20+s16+$0x0] =	vst.idx.msk $0xffff, v19  }
0x417: {  	v16 =	vand.u32 $0x7F, v16;
	v18 =	vor.u32 s24, v18;
	v15 =	vld.idx.msk [tilespmem:v15+s15+$0x0], $0xffff  }
0x418: {  	v16 =	vor.u32 v16, v17;
	v17 =	vld [tilespmem:$0x1FE60];
	_ =	sdelay $0x3  }
0x419: {  	[tilespmem:v18+s16+$0x0] =	vst.idx.msk $0xffff, v15  }
0x41a: {  	v15 =	vld.idx.msk [tilespmem:v16+s15+$0x0], $0xffff;
	v16 =	vor.u32 s24, v17;
	_ =	sdelay $0x3  }
0x41b: {  	v12 =	vand.u32 $0x7F, v12  }
0x41c: {  	v12 =	vor.u32 v12, v13;
	[tilespmem:v16+s16+$0x0] =	vst.idx.msk $0xffff, v15;
	v15 =	vld [tilespmem:$0x1FE70];
	_ =	sdelay $0x4  }
0x41d: {  	v12 =	vld.idx.msk [tilespmem:v12+s15+$0x0], $0xffff;
	v13 =	vor.u32 s24, v15;
	_ =	sdelay $0x3  }
0x41e: {  	v9 =	vand.u32 $0x7F, v9  }
0x41f: {  	v9 =	vor.u32 v9, v11;
	[tilespmem:v13+s16+$0x0] =	vst.idx.msk $0xffff, v12;
	v12 =	vld [tilespmem:$0x1FE80];
	_ =	sdelay $0x4  }
0x420: {  	v8 =	vand.u32 $0x7F, v8;
	v9 =	vld.idx.msk [tilespmem:v9+s15+$0x0], $0xffff;
	v11 =	vor.u32 s24, v12  }
0x421: {  	v8 =	vor.u32 v8, v10;
	v10 =	vld [tilespmem:$0x1FF60];
	_ =	sdelay $0x3  }
0x422: {  	[tilespmem:v11+s16+$0x0] =	vst.idx.msk $0xffff, v9  }
0x423: {  	v9 =	vor.u32 s24, v10;
	v8 =	vld.idx.msk [tilespmem:v8+s15+$0x0], $0xffff;
	_ =	sdelay $0x3  }
0x424: {  	v5 =	vand.u32 $0x7F, v5  }
0x425: {  	v5 =	vor.u32 v5, v7;
	[tilespmem:v9+s16+$0x0] =	vst.idx.msk $0xffff, v8;
	v8 =	vld [tilespmem:$0x1FEC0];
	_ =	sdelay $0x4  }
0x426: {  	v2 =	vand.u32 $0x7F, v2;
	v5 =	vld.idx.msk [tilespmem:v5+s15+$0x0], $0xffff;
	v7 =	vor.u32 s24, v8  }
0x427: {  	v2 =	vor.u32 v2, v6;
	v6 =	vld [tilespmem:$0x1FE90];
	_ =	sdelay $0x3  }
0x428: {  	[tilespmem:v7+s16+$0x0] =	vst.idx.msk $0xffff, v5  }
0x429: {  	v3 =	vand.u32 $0x7F, v3;
	v5 =	vor.u32 s24, v6;
	v2 =	vld.idx.msk [tilespmem:v2+s15+$0x0], $0xffff  }
0x42a: {  	v3 =	vor.u32 v3, v4;
	v4 =	vld [tilespmem:$0x1FEA0];
	_ =	sdelay $0x3  }
0x42b: {  	[tilespmem:v5+s16+$0x0] =	vst.idx.msk $0xffff, v2  }
0x42c: {  	v0 =	vand.u32 $0x7F, v0;
	v2 =	vld.idx.msk [tilespmem:v3+s15+$0x0], $0xffff;
	v3 =	vor.u32 s24, v4  }
0x42d: {  	v0 =	vor.u32 v0, v1;
	v5 =	vld [tilespmem:$0x1FEB0];
	_ =	sdelay $0x3  }
0x42e: {  	[tilespmem:v3+s16+$0x0] =	vst.idx.msk $0xffff, v2  }
0x42f: {  	v1 =	vor.u32 s24, v5;
	v2 =	vand.u32 $0x7F, v61;
	v0 =	vld.idx.msk [tilespmem:v0+s15+$0x0], $0xffff  }
0x430: {  	v7 =	vld [tilespmem:$0x1FF70];
	v2 =	vor.u32 v2, v63;
	_ =	sdelay $0x3  }
0x431: {  	[tilespmem:v1+s16+$0x0] =	vst.idx.msk $0xffff, v0  }
0x432: {  	v1 =	vor.u32 s24, v7;
	v0 =	vld.idx.msk [tilespmem:v2+s15+$0x0], $0xffff;
	v2 =	vand.u32 $0x7F, v60  }
0x433: {  	v9 =	vld [tilespmem:$0x1FED0];
	v2 =	vor.u32 v2, v62;
	_ =	sdelay $0x3  }
0x434: {  	[tilespmem:v1+s16+$0x0] =	vst.idx.msk $0xffff, v0  }
0x435: {  	v1 =	vor.u32 s24, v9;
	v0 =	vld.idx.msk [tilespmem:v2+s15+$0x0], $0xffff;
	v2 =	vand.u32 $0x7F, v57  }
0x436: {  	v11 =	vld [tilespmem:$0x1FEE0];
	v2 =	vor.u32 v2, v59;
	_ =	sdelay $0x3  }
0x437: {  	[tilespmem:v1+s16+$0x0] =	vst.idx.msk $0xffff, v0  }
0x438: {  	v1 =	vor.u32 s24, v11;
	v0 =	vld.idx.msk [tilespmem:v2+s15+$0x0], $0xffff;
	v2 =	vand.u32 $0x7F, v54  }
0x439: {  	v13 =	vld [tilespmem:$0x1FEF0];
	v2 =	vor.u32 v2, v58;
	_ =	sdelay $0x3  }
0x43a: {  	[tilespmem:v1+s16+$0x0] =	vst.idx.msk $0xffff, v0  }
0x43b: {  	v1 =	vor.u32 s24, v13;
	v0 =	vld.idx.msk [tilespmem:v2+s15+$0x0], $0xffff;
	v2 =	vand.u32 $0x7F, v55  }
0x43c: {  	v16 =	vld [tilespmem:$0x1FF00];
	v2 =	vor.u32 v2, v56;
	_ =	sdelay $0x3  }
0x43d: {  	[tilespmem:v1+s16+$0x0] =	vst.idx.msk $0xffff, v0  }
0x43e: {  	v1 =	vor.u32 s24, v16;
	v0 =	vld.idx.msk [tilespmem:v2+s15+$0x0], $0xffff;
	v2 =	vand.u32 $0x7F, v52  }
0x43f: {  	v18 =	vld [tilespmem:$0x1FF10];
	v2 =	vor.u32 v2, v53;
	_ =	sdelay $0x3  }
0x440: {  	[tilespmem:v1+s16+$0x0] =	vst.idx.msk $0xffff, v0  }
0x441: {  	v1 =	vor.u32 s24, v18;
	v0 =	vld.idx.msk [tilespmem:v2+s15+$0x0], $0xffff;
	v2 =	vand.u32 $0x7F, v49  }
0x442: {  	v19 =	vld [tilespmem:$0x1FF20];
	v2 =	vor.u32 v2, v51;
	_ =	sdelay $0x3  }
0x443: {  	[tilespmem:v1+s16+$0x0] =	vst.idx.msk $0xffff, v0  }
0x444: {  	v1 =	vor.u32 s24, v19;
	v0 =	vld.idx.msk [tilespmem:v2+s15+$0x0], $0xffff;
	v2 =	vand.u32 $0x7F, v48  }
0x445: {  	v20 =	vld [tilespmem:$0x1FF30];
	v2 =	vor.u32 v2, v50;
	_ =	sdelay $0x3  }
0x446: {  	[tilespmem:v1+s16+$0x0] =	vst.idx.msk $0xffff, v0  }
0x447: {  	v1 =	vor.u32 s24, v20;
	v0 =	vld.idx.msk [tilespmem:v2+s15+$0x0], $0xffff;
	v2 =	vand.u32 $0x7F, v45  }
0x448: {  	v21 =	vld [tilespmem:$0x1FF40];
	v2 =	vor.u32 v2, v47;
	_ =	sdelay $0x3  }
0x449: {  	[tilespmem:v1+s16+$0x0] =	vst.idx.msk $0xffff, v0  }
0x44a: {  	v1 =	vor.u32 s24, v21;
	v0 =	vld.idx.msk [tilespmem:v2+s15+$0x0], $0xffff;
	v2 =	vand.u32 $0x7F, v42  }
0x44b: {  	v22 =	vld [tilespmem:$0x1FF50];
	v2 =	vor.u32 v2, v46;
	_ =	sdelay $0x3  }
0x44c: {  	[tilespmem:v1+s16+$0x0] =	vst.idx.msk $0xffff, v0  }
0x44d: {  	v1 =	vor.u32 s24, v22;
	v0 =	vld.idx.msk [tilespmem:v2+s15+$0x0], $0xffff;
	v2 =	vand.u32 $0x7F, v43  }
0x44e: {  	v2 =	vor.u32 v2, v44;
	_ =	sdelay $0x3  }
0x44f: {  	[tilespmem:v1+s16+$0x0] =	vst.idx.msk $0xffff, v0  }
0x450: {  	v1 =	vor.u32 s24, v31;
	v0 =	vld.idx.msk [tilespmem:v2+s15+$0x0], $0xffff;
	v2 =	vand.u32 $0x7F, v40  }
0x451: {  	v2 =	vor.u32 v2, v41;
	_ =	sdelay $0x3  }
0x452: {  	[tilespmem:v1+s16+$0x0] =	vst.idx.msk $0xffff, v0  }
0x453: {  	v1 =	vor.u32 s24, v30;
	v0 =	vld.idx.msk [tilespmem:v2+s15+$0x0], $0xffff;
	v2 =	vand.u32 $0x7F, v37  }
0x454: {  	v37 =	vld [tilespmem:$0x1FF80];
	v2 =	vor.u32 v2, v39;
	_ =	sdelay $0x3  }
0x455: {  	[tilespmem:v1+s16+$0x0] =	vst.idx.msk $0xffff, v0  }
0x456: {  	v1 =	vor.u32 s24, v37;
	v0 =	vld.idx.msk [tilespmem:v2+s15+$0x0], $0xffff;
	v2 =	vand.u32 $0x7F, v36  }
0x457: {  	v36 =	vld [tilespmem:$0x1FF90];
	v2 =	vor.u32 v2, v38;
	_ =	sdelay $0x3  }
0x458: {  	[tilespmem:v1+s16+$0x0] =	vst.idx.msk $0xffff, v0  }
0x459: {  	v1 =	vor.u32 s24, v36;
	v0 =	vld.idx.msk [tilespmem:v2+s15+$0x0], $0xffff;
	v2 =	vand.u32 $0x7F, v33  }
0x45a: {  	v2 =	vor.u32 v2, v14;
	v14 =	vld [tilespmem:$0x1FFA0];
	_ =	sdelay $0x3  }
0x45b: {  	[tilespmem:v1+s16+$0x0] =	vst.idx.msk $0xffff, v0  }
0x45c: {  	v0 =	vld.idx.msk [tilespmem:v2+s15+$0x0], $0xffff;
	v1 =	vor.u32 s24, v14;
	v2 =	vand.u32 $0x7F, v32  }
0x45d: {  	p0 =	sne.s32 s23, $0x70;
	v2 =	vor.u32 v2, v34;
	v34 =	vld [tilespmem:$0x1FFB0]  }
.Ltmp4:
0x45e: {  	_ = 	snop;
	(pc) =	sbr.rel @p0 .LBB2_10-.Ltmp4, $3  }
0x45f: {  	_ =	sdelay $0x1  }
0x460: {  	[tilespmem:v1+s16+$0x0] =	vst.idx.msk $0xffff, v0  }
0x461: {  	s23 =	sadd.s32 $0x10, s23;
	v25 =	vlaneseq.u32;
	v43 =	vmovc v28;
	v41 =	vmovc v27;
	v39 =	vmov v26;
	v0 =	vld.idx.msk [tilespmem:v2+s15+$0x0], $0xffff;
	v1 =	vor.u32 s24, v34  }
0x462: {  	_ =	sdelay $0x2  }
0x463: {  	s21 =	sadd.s32 $0x1, s21  }
0x464: {  	p0 =	sne.s32 s21, s10;
	[tilespmem:v1+s16+$0x0] =	vst.idx.msk $0xffff, v0  }
0x465: {  	[hbm4b:s9+s17] =	stream.strided.scatter [tilespmem:s16], [sflag:$0x3], $0x1000, s18, s17, $0x38;
	[tilespmem:$0xAA00] =	vst v63  }
.Ltmp5:
0x466: {  	_ = 	snop;
	(pc) =	sbr.rel @p0 .LBB2_1-.Ltmp5, $4  }
0x467: {  	_ =	swait.ge [sflag:s11], $0x1000  }
0x468: {  	v24 =	vld [tilespmem:$0x1FFF0]  }
0x469: {  	[sflag:s11] =	ssyncset.done $0x0;
	v35 =	vld [tilespmem:$0x1FFD0]  }
0x46a: {  	v23 =	vmov v31;
	v40 =	vmov v30;
	v38 =	vld [tilespmem:$0x1FFC0];
	[sflag:s11] =	ssyncadd.s32 $0xFFFFF000  }
0x46b: {  	_ =	sfence.sel $0x180000  }
0x46c: {  	[bflag:$0x0] =	sbarrier.arrive $0xFFFF  }
0x46d: {  	p0 =	sne.s32 s0, $0x0;
	_ =	strace $0x90000047  }
0x46e: {  	s0 =	sadd.s32 @!p0 $0x100000, s1;
	[bflag:$0x2] =	sbarrier.arrive $0xFFFF  }
0x46f: {  	[sflag:s0] =	ssyncadd.tile.s32 @!p0 $0x1;
	_ =	shalt  }
.Lfunc_end2:
_tile_overlayer_lowered:
.L_overlay_start_2:
0x470: {  	(tag) =	ssettag $0x2  }
0x471: {  	s0 =	rddreg [dreg:$0x0];
	s2 =	stileid.u32  }
0x472: {  	s1 =	rddreg [dreg:$0x1];
	p0 =	sne.s32 s2, $0x0  }
0x473: {  	s3 =	rddreg [dreg:$0x2];
	[bflag:$0x3] =	sbarrier.arrive $0xFFFF;
	s2 =	simm.s32 @!p0 $0x1C03  }
0x474: {  	[timem:s3], [sflag:s2] =	dma.local @!p0 [hbm:s0], s1  }
0x475: {  	s0 =	simm.s32 @!p0 $0x3  }
0x476: {  	_ =	swait.ge @!p0 [sflag:s0], s1  }
0x477: {  	s1 =	ssub.s32 @!p0 $0x0, s1;
	[sflag:s0] =	ssyncset.done @!p0 $0x0  }
0x478: {  	[sflag:s0] =	ssyncadd.s32 @!p0 s1  }
0x479: {  	[bflag:$0x3] =	sbarrier.arrive $0xFFFF  }
0x47a: {  	_ =	shalt  }

</sc_bundles>
